<compile_context>
chip_gen: v7x
topology: tpu7x:2x2x1
jax: 0.10.2.dev20260603
libtpu: 0.0.44.dev20260713+nightly
codegen_flags: <defaults>
</compile_context>

<pallas_src>
import functools

import jax
import jax.numpy as jnp
from jax import lax
from jax.experimental import pallas as pl
from jax.experimental.pallas import tpu as pltpu
from jax.experimental.pallas import tpu_sc as plsc

N = 10000
D = 128
H = 128
L = 4

_NC = 2
_NS = 16
_CH = 128
_NB = 2
_NCHUNK = 158
_EPT = _CH * _NCHUNK
_EPAD = _EPT * _NS
_OWN = 5120
_ACC = 5248
_ZPT = _ACC // _NS
_CPT2 = _OWN // _NS


def _make_agg():
    mesh = plsc.VectorSubcoreMesh(core_axis_name="c", subcore_axis_name="s")

    @functools.partial(
        pl.kernel,
        out_type=jax.ShapeDtypeStruct((_NC, _OWN, H), jnp.float32),
        mesh=mesh,
        scratch_types=[
            pltpu.VMEM((_NCHUNK, _CH), jnp.int32),
            pltpu.VMEM((_NCHUNK, _CH), jnp.int32),
            [pltpu.VMEM((_CH, H), jnp.float32)] * _NB,
            pltpu.VMEM_SHARED((_ACC, H), jnp.float32),
            [pltpu.SemaphoreType.DMA] * _NB,
        ],
    )
    def agg(h_hbm, src_hbm, dst_hbm, z_hbm, out_hbm,
            src_v, dst_v, bufs, acc, gsems):
        c = lax.axis_index("c")
        s = lax.axis_index("s")
        lo = c * _OWN
        pltpu.sync_copy(src_hbm.at[s], src_v)
        pltpu.sync_copy(dst_hbm.at[s], dst_v)
        pltpu.sync_copy(z_hbm.at[pl.ds(s * _ZPT, _ZPT)],
                        acc.at[pl.ds(s * _ZPT, _ZPT)])
        plsc.subcore_barrier()

        for k in range(_NB):
            pltpu.async_copy(h_hbm.at[src_v.at[k]], bufs[k], gsems[k])

        def pair(i, carry):
            j0 = i * _NB
            for k in range(_NB):
                j = j0 + k
                pltpu.make_async_copy(
                    h_hbm.at[src_v.at[j]], bufs[k], gsems[k]).wait()
                for q in range(_CH // 16):
                    dv = dst_v[j, pl.ds(q * 16, 16)]
                    lv = dv - lo
                    ok = (lv >= 0) & (lv < _OWN)
                    dst_v[j, pl.ds(q * 16, 16)] = jnp.where(ok, lv, _OWN)
                pltpu.sync_copy(bufs[k], acc.at[dst_v.at[j]], add=True)

                @pl.when(j + _NB < _NCHUNK)
                def _():
                    pltpu.async_copy(
                        h_hbm.at[src_v.at[j + _NB]], bufs[k], gsems[k])
            return carry

        lax.fori_loop(0, _NCHUNK // _NB, pair, 0)
        plsc.subcore_barrier()
        pltpu.sync_copy(acc.at[pl.ds(s * _CPT2, _CPT2)],
                        out_hbm.at[c, pl.ds(s * _CPT2, _CPT2)])

    return agg


_agg = _make_agg()


def _tc_layer_body(sc_ref, h_ref, parts_ref, W1_ref, b1_ref,
                   W2_ref, b2_ref, g_ref, be_ref, hout_ref, rep_ref):
    h = h_ref[...]
    scale = sc_ref[0]
    agg = jnp.concatenate(
        [parts_ref[0, :, :], parts_ref[1, :N - _OWN, :]], axis=0)
    pooled = agg + scale * h
    h1 = jnp.maximum(
        jnp.dot(pooled, W1_ref[...], preferred_element_type=jnp.float32)
        + b1_ref[...], 0.0)
    h2 = (jnp.dot(h1, W2_ref[...], preferred_element_type=jnp.float32)
          + b2_ref[...])
    mu = jnp.mean(h2, axis=0, keepdims=True)
    var = jnp.mean((h2 - mu) ** 2, axis=0, keepdims=True)
    hbn = (h2 - mu) * lax.rsqrt(var + 1e-5) * g_ref[...] + be_ref[...]
    ho = jnp.maximum(hbn, 0.0)
    hout_ref[...] = ho
    rep_ref[...] = jnp.sum(ho, axis=0, keepdims=True)


_tc_layer = pl.pallas_call(
    _tc_layer_body,
    out_shape=[
        jax.ShapeDtypeStruct((N, H), jnp.float32),
        jax.ShapeDtypeStruct((1, H), jnp.float32),
    ],
    in_specs=[pl.BlockSpec(memory_space=pltpu.SMEM)]
    + [pl.BlockSpec(memory_space=pltpu.VMEM)] * 8,
)


def _head_body(x_ref, reps_ref, pi_ref, Wpi_ref, bpi_ref, Wout_ref, bout_ref,
               o_ref):
    rep0 = jnp.sum(x_ref[...], axis=0, keepdims=True)
    pi_emb = jnp.maximum(
        jnp.dot(pi_ref[...], Wpi_ref[...], preferred_element_type=jnp.float32)
        + bpi_ref[...], 0.0)
    acc = jnp.dot(rep0, Wout_ref[0:D, :], preferred_element_type=jnp.float32)
    for l in range(L):
        acc = acc + jnp.dot(
            reps_ref[l:l + 1, :],
            Wout_ref[D + H * l:D + H * (l + 1), :],
            preferred_element_type=jnp.float32)
    acc = acc + jnp.dot(pi_emb, Wout_ref[D + H * L:, :],
                        preferred_element_type=jnp.float32)
    o_ref[...] = acc + bout_ref[...]


_head = pl.pallas_call(
    _head_body,
    out_shape=jax.ShapeDtypeStruct((1, 2), jnp.float32),
)


def kernel(x, edge_index, eps, W1, b1, W2, b2, gamma, beta, pi, Wpi, bpi,
           Wout, bout):
    src = edge_index[0]
    dst = edge_index[1]
    e = src.shape[0]
    pad = _EPAD - e
    srcp = jnp.concatenate(
        [src, jnp.zeros((pad,), jnp.int32)]).reshape(_NS, _NCHUNK, _CH)
    dstl = jnp.concatenate(
        [dst, jnp.full((pad,), N, jnp.int32)]).reshape(_NS, _NCHUNK, _CH)
    zeros = jnp.zeros((_ACC, H), jnp.float32)

    h = x
    reps = []
    for l in range(L):
        parts = _agg(h, srcp, dstl, zeros)
        scale = (1.0 + eps[l]).reshape(1)
        h, rep = _tc_layer(scale, h, parts, W1[l], b1[l].reshape(1, H),
                           W2[l], b2[l].reshape(1, H), gamma[l].reshape(1, H),
                           beta[l].reshape(1, H))
        reps.append(rep)

    repstack = jnp.concatenate(reps, axis=0)
    return _head(x, repstack, pi, Wpi, bpi.reshape(1, 16), Wout,
                 bout.reshape(1, 2))

# --- scband reference (transcript-rebuilt; emitter-appended) ---
"""Pipeline reference for scband-graph-cnn-87866440942328 (READ-ONLY COPY).

The authoritative reference and input builder live on the scoring server;
editing this copy changes nothing except your own understanding.
"""

import jax, jax.numpy as jnp
import numpy as np

N = 10000
E = 320000
D = 128
H = 128
NUM_LAYERS = 5
OUT_DIM = 2

def setup_inputs(seed: int = 0):
    key = jax.random.key(seed)
    ks = jax.random.split(key, 16)
    L = NUM_LAYERS - 1
    inp = {}
    inp['x'] = jax.random.normal(ks[0], (N, D), dtype=jnp.float32)
    inp['edge_index'] = jax.random.randint(ks[1], (2, E), 0, N, dtype=jnp.int32)
    inp['eps'] = jnp.zeros((L,), dtype=jnp.float32)
    inp['W1'] = 0.05 * jax.random.normal(ks[2], (L, D, H), dtype=jnp.float32)
    inp['b1'] = jnp.zeros((L, H), dtype=jnp.float32)
    inp['W2'] = 0.05 * jax.random.normal(ks[3], (L, H, H), dtype=jnp.float32)
    inp['b2'] = jnp.zeros((L, H), dtype=jnp.float32)
    inp['gamma'] = jnp.ones((L, H), dtype=jnp.float32)
    inp['beta'] = jnp.zeros((L, H), dtype=jnp.float32)
    inp['pi'] = jax.random.uniform(ks[4], (1, 25), dtype=jnp.float32)
    inp['Wpi'] = 0.1 * jax.random.normal(ks[5], (25, 16), dtype=jnp.float32)
    inp['bpi'] = jnp.zeros((16,), dtype=jnp.float32)
    total = D + H * L + 16
    inp['Wout'] = 0.05 * jax.random.normal(ks[6], (total, OUT_DIM), dtype=jnp.float32)
    inp['bout'] = jnp.zeros((OUT_DIM,), dtype=jnp.float32)
    return inp

def _forward(x, eps, W1, b1, W2, b2, gamma, beta, pi, Wpi, bpi, Wout, bout, src, dst):
    L = NUM_LAYERS - 1
    h = x
    reps = [jnp.sum(h, axis=0)]
    for l in range(L):
        # GIN neighbor sum-aggregation via scatter-add over edges (sparse Adj_block @ h)
        agg = jnp.zeros_like(h).at[dst].add(h[src])
        # learn_eps=True: (1 + eps) * center + neighbor sum
        pooled = agg + (1.0 + eps[l]) * h
        # 2-layer MLP
        h1 = jax.nn.relu(pooled @ W1[l] + b1[l])
        h2 = h1 @ W2[l] + b2[l]
        # BatchNorm1d (training-mode batch statistics over nodes)
        mu = jnp.mean(h2, axis=0)
        var = jnp.var(h2, axis=0)
        hbn = (h2 - mu) / jnp.sqrt(var + 1e-5) * gamma[l] + beta[l]
        h = jax.nn.relu(hbn)
        reps.append(jnp.sum(h, axis=0))
    # graph_pooling_type='sum': sum over all nodes at every layer, concat
    graph_feat = jnp.concatenate(reps)[None, :]
    # persistence-image branch: Linear(25 -> 16) on PI of witness diagram
    pi_emb = jax.nn.relu(pi @ Wpi + bpi)
    feat = jnp.concatenate([graph_feat, pi_emb], axis=1)
    # final classifier (dropout is identity in eval)
    return feat @ Wout + bout

def reference(x, edge_index, eps, W1, b1, W2, b2, gamma, beta, pi, Wpi, bpi, Wout, bout):
    src = edge_index[0]
    dst = edge_index[1]
    return _forward(x, eps, W1, b1, W2, b2, gamma, beta, pi, Wpi, bpi, Wout, bout, src, dst)

if __name__ == "__main__":
    import jax
    _d = setup_inputs()
    print(jax.jit(kernel)(*tuple(_d.values())))

</pallas_src>

<mosaic_0001>
#map = affine_map<(d0, d1) -> (0, 0)>
#map1 = affine_map<(d0, d1) -> (0, 0, 0)>
module attributes {stable_mosaic.version = 14 : i64} {
  func.func @agg(%arg0: i32, %arg1: i32, %arg2: memref<10000x128xf32, #tpu.memory_space<hbm>>, %arg3: memref<16x158x128xi32, #tpu.memory_space<hbm>>, %arg4: memref<16x158x128xi32, #tpu.memory_space<hbm>>, %arg5: memref<5248x128xf32, #tpu.memory_space<hbm>>, %arg6: memref<2x5120x128xf32, #tpu.memory_space<hbm>>, %arg7: memref<158x128xi32, #tpu.memory_space<vmem>>, %arg8: memref<158x128xi32, #tpu.memory_space<vmem>>, %arg9: memref<128x128xf32, #tpu.memory_space<vmem>>, %arg10: memref<128x128xf32, #tpu.memory_space<vmem>>, %arg11: memref<5248x128xf32, #tpu.memory_space<vmem_shared>>, %arg12: memref<!tpu.dma_semaphore, #tpu.memory_space<semaphore_mem>>, %arg13: memref<!tpu.dma_semaphore, #tpu.memory_space<semaphore_mem>>) attributes {dimension_semantics = [#tpu.dimension_semantics<core_parallel>, #tpu.dimension_semantics<subcore_parallel>], iteration_bounds = array<i64: 2, 16>, scalar_prefetch = 0 : i64, scratch_operands = 7 : i64, tpu.core_type = #tpu.core_type<sc_vector_subcore>, window_params = [{transform_indices = #map}, {transform_indices = #map1}, {transform_indices = #map1}, {transform_indices = #map}, {transform_indices = #map1}]} {
    %mul3A = arith.constant 5120 : i32
    %mul3A_0 = arith.muli %arg0, %mul3A : i32
    "tpu.region"() ({
      %run_scoped3A = tpu.sem_alloc : memref<!tpu.dma_semaphore, #tpu.memory_space<semaphore_mem>>
      %dma_start3A_28 = arith.constant 0 : i32
      %dma_start3A_29 = arith.constant 0 : i32
      %dma_start3A_30 = tpu.memref_slice %arg3[%arg1, %dma_start3A_28, %dma_start3A_29] : memref<16x158x128xi32, #tpu.memory_space<hbm>> -> memref<1x158x128xi32, #tpu.memory_space<hbm>>
      %dma_start3A_31 = tpu.memref_squeeze %dma_start3A_30 : memref<1x158x128xi32, #tpu.memory_space<hbm>> -> memref<158x128xi32, #tpu.memory_space<hbm>>
      %dma_start3A_32 = arith.constant 0 : i32
      %dma_start3A_33 = arith.constant 0 : i32
      %dma_start3A_34 = tpu.memref_slice %arg3[%arg1, %dma_start3A_32, %dma_start3A_33] : memref<16x158x128xi32, #tpu.memory_space<hbm>> -> memref<1x158x128xi32, #tpu.memory_space<hbm>>
      %dma_start3A_35 = tpu.memref_squeeze %dma_start3A_34 : memref<1x158x128xi32, #tpu.memory_space<hbm>> -> memref<158x128xi32, #tpu.memory_space<hbm>>
      tpu.enqueue_dma source(%dma_start3A_35 : memref<158x128xi32, #tpu.memory_space<hbm>>) target(%arg7 : memref<158x128xi32, #tpu.memory_space<vmem>>) target_semaphore(%run_scoped3A : memref<!tpu.dma_semaphore, #tpu.memory_space<semaphore_mem>>)
      %dma_wait3A = arith.constant 0 : i32
      %dma_wait3A_36 = arith.constant 0 : i32
      %dma_wait3A_37 = tpu.memref_slice %arg3[%arg1, %dma_wait3A, %dma_wait3A_36] : memref<16x158x128xi32, #tpu.memory_space<hbm>> -> memref<1x158x128xi32, #tpu.memory_space<hbm>>
      %dma_wait3A_38 = tpu.memref_squeeze %dma_wait3A_37 : memref<1x158x128xi32, #tpu.memory_space<hbm>> -> memref<158x128xi32, #tpu.memory_space<hbm>>
      %dma_wait3A_39 = arith.constant 0 : i32
      %dma_wait3A_40 = arith.constant 0 : i32
      %dma_wait3A_41 = tpu.memref_slice %arg3[%arg1, %dma_wait3A_39, %dma_wait3A_40] : memref<16x158x128xi32, #tpu.memory_space<hbm>> -> memref<1x158x128xi32, #tpu.memory_space<hbm>>
      %dma_wait3A_42 = tpu.memref_squeeze %dma_wait3A_41 : memref<1x158x128xi32, #tpu.memory_space<hbm>> -> memref<158x128xi32, #tpu.memory_space<hbm>>
      tpu.wait_dma2 semaphore(%run_scoped3A : memref<!tpu.dma_semaphore, #tpu.memory_space<semaphore_mem>>) src(%dma_wait3A_42 : memref<158x128xi32, #tpu.memory_space<hbm>>) dst(%arg7 : memref<158x128xi32, #tpu.memory_space<vmem>>)
      tpu.yield
    }) : () -> ()
    "tpu.region"() ({
      %run_scoped3A = tpu.sem_alloc : memref<!tpu.dma_semaphore, #tpu.memory_space<semaphore_mem>>
      %dma_start3A_28 = arith.constant 0 : i32
      %dma_start3A_29 = arith.constant 0 : i32
      %dma_start3A_30 = tpu.memref_slice %arg4[%arg1, %dma_start3A_28, %dma_start3A_29] : memref<16x158x128xi32, #tpu.memory_space<hbm>> -> memref<1x158x128xi32, #tpu.memory_space<hbm>>
      %dma_start3A_31 = tpu.memref_squeeze %dma_start3A_30 : memref<1x158x128xi32, #tpu.memory_space<hbm>> -> memref<158x128xi32, #tpu.memory_space<hbm>>
      %dma_start3A_32 = arith.constant 0 : i32
      %dma_start3A_33 = arith.constant 0 : i32
      %dma_start3A_34 = tpu.memref_slice %arg4[%arg1, %dma_start3A_32, %dma_start3A_33] : memref<16x158x128xi32, #tpu.memory_space<hbm>> -> memref<1x158x128xi32, #tpu.memory_space<hbm>>
      %dma_start3A_35 = tpu.memref_squeeze %dma_start3A_34 : memref<1x158x128xi32, #tpu.memory_space<hbm>> -> memref<158x128xi32, #tpu.memory_space<hbm>>
      tpu.enqueue_dma source(%dma_start3A_35 : memref<158x128xi32, #tpu.memory_space<hbm>>) target(%arg8 : memref<158x128xi32, #tpu.memory_space<vmem>>) target_semaphore(%run_scoped3A : memref<!tpu.dma_semaphore, #tpu.memory_space<semaphore_mem>>)
      %dma_wait3A = arith.constant 0 : i32
      %dma_wait3A_36 = arith.constant 0 : i32
      %dma_wait3A_37 = tpu.memref_slice %arg4[%arg1, %dma_wait3A, %dma_wait3A_36] : memref<16x158x128xi32, #tpu.memory_space<hbm>> -> memref<1x158x128xi32, #tpu.memory_space<hbm>>
      %dma_wait3A_38 = tpu.memref_squeeze %dma_wait3A_37 : memref<1x158x128xi32, #tpu.memory_space<hbm>> -> memref<158x128xi32, #tpu.memory_space<hbm>>
      %dma_wait3A_39 = arith.constant 0 : i32
      %dma_wait3A_40 = arith.constant 0 : i32
      %dma_wait3A_41 = tpu.memref_slice %arg4[%arg1, %dma_wait3A_39, %dma_wait3A_40] : memref<16x158x128xi32, #tpu.memory_space<hbm>> -> memref<1x158x128xi32, #tpu.memory_space<hbm>>
      %dma_wait3A_42 = tpu.memref_squeeze %dma_wait3A_41 : memref<1x158x128xi32, #tpu.memory_space<hbm>> -> memref<158x128xi32, #tpu.memory_space<hbm>>
      tpu.wait_dma2 semaphore(%run_scoped3A : memref<!tpu.dma_semaphore, #tpu.memory_space<semaphore_mem>>) src(%dma_wait3A_42 : memref<158x128xi32, #tpu.memory_space<hbm>>) dst(%arg8 : memref<158x128xi32, #tpu.memory_space<vmem>>)
      tpu.yield
    }) : () -> ()
    %mul3A_1 = arith.constant 328 : i32
    %mul3A_2 = arith.muli %arg1, %mul3A_1 : i32
    %mul3A_3 = arith.constant 328 : i32
    %mul3A_4 = arith.muli %arg1, %mul3A_3 : i32
    "tpu.region"() ({
      %run_scoped3A = tpu.sem_alloc : memref<!tpu.dma_semaphore, #tpu.memory_space<semaphore_mem>>
      %dma_start3A_28 = arith.constant 0 : i32
      %dma_start3A_29 = tpu.memref_slice %arg11[%mul3A_4, %dma_start3A_28] : memref<5248x128xf32, #tpu.memory_space<vmem_shared>> -> memref<328x128xf32, #tpu.memory_space<vmem_shared>>
      %dma_start3A_30 = arith.constant 0 : i32
      %dma_start3A_31 = tpu.memref_slice %arg5[%mul3A_2, %dma_start3A_30] : memref<5248x128xf32, #tpu.memory_space<hbm>> -> memref<328x128xf32, #tpu.memory_space<hbm>>
      tpu.enqueue_dma source(%dma_start3A_31 : memref<328x128xf32, #tpu.memory_space<hbm>>) target(%dma_start3A_29 : memref<328x128xf32, #tpu.memory_space<vmem_shared>>) target_semaphore(%run_scoped3A : memref<!tpu.dma_semaphore, #tpu.memory_space<semaphore_mem>>)
      %dma_wait3A = arith.constant 0 : i32
      %dma_wait3A_32 = tpu.memref_slice %arg11[%mul3A_4, %dma_wait3A] : memref<5248x128xf32, #tpu.memory_space<vmem_shared>> -> memref<328x128xf32, #tpu.memory_space<vmem_shared>>
      %dma_wait3A_33 = arith.constant 0 : i32
      %dma_wait3A_34 = tpu.memref_slice %arg5[%mul3A_2, %dma_wait3A_33] : memref<5248x128xf32, #tpu.memory_space<hbm>> -> memref<328x128xf32, #tpu.memory_space<hbm>>
      tpu.wait_dma2 semaphore(%run_scoped3A : memref<!tpu.dma_semaphore, #tpu.memory_space<semaphore_mem>>) src(%dma_wait3A_34 : memref<328x128xf32, #tpu.memory_space<hbm>>) dst(%dma_wait3A_32 : memref<328x128xf32, #tpu.memory_space<vmem_shared>>)
      tpu.yield
    }) : () -> ()
    %barrier3A = arith.constant 0 : index
    tpu.barrier barrier_id(%barrier3A)
    %dma_start3A = arith.constant 0 : i32
    %dma_start3A_5 = arith.constant 0 : i32
    %dma_start3A_6 = tpu.memref_slice %arg7[%dma_start3A, %dma_start3A_5] : memref<158x128xi32, #tpu.memory_space<vmem>> -> memref<1x128xi32, #tpu.memory_space<vmem>>
    %dma_start3A_7 = tpu.memref_squeeze %dma_start3A_6 : memref<1x128xi32, #tpu.memory_space<vmem>> -> memref<128xi32, #tpu.memory_space<vmem>>
    %dma_start3A_8 = arith.constant 0 : i32
    %dma_start3A_9 = arith.constant 0 : i32
    %dma_start3A_10 = tpu.memref_slice %arg2[%dma_start3A_8, %dma_start3A_9] : memref<10000x128xf32, #tpu.memory_space<hbm>> -> memref<10000x128xf32, #tpu.memory_space<hbm>>
    tpu.enqueue_indirect_dma source(%dma_start3A_10 : memref<10000x128xf32, #tpu.memory_space<hbm>>) target(%arg9 : memref<128x128xf32, #tpu.memory_space<vmem>>) offsets(%dma_start3A_7 : memref<128xi32, #tpu.memory_space<vmem>>) semaphore(%arg12 : memref<!tpu.dma_semaphore, #tpu.memory_space<semaphore_mem>>)
    %dma_start3A_11 = arith.constant 1 : i32
    %dma_start3A_12 = arith.constant 0 : i32
    %dma_start3A_13 = tpu.memref_slice %arg7[%dma_start3A_11, %dma_start3A_12] : memref<158x128xi32, #tpu.memory_space<vmem>> -> memref<1x128xi32, #tpu.memory_space<vmem>>
    %dma_start3A_14 = tpu.memref_squeeze %dma_start3A_13 : memref<1x128xi32, #tpu.memory_space<vmem>> -> memref<128xi32, #tpu.memory_space<vmem>>
    %dma_start3A_15 = arith.constant 0 : i32
    %dma_start3A_16 = arith.constant 0 : i32
    %dma_start3A_17 = tpu.memref_slice %arg2[%dma_start3A_15, %dma_start3A_16] : memref<10000x128xf32, #tpu.memory_space<hbm>> -> memref<10000x128xf32, #tpu.memory_space<hbm>>
    tpu.enqueue_indirect_dma source(%dma_start3A_17 : memref<10000x128xf32, #tpu.memory_space<hbm>>) target(%arg10 : memref<128x128xf32, #tpu.memory_space<vmem>>) offsets(%dma_start3A_14 : memref<128xi32, #tpu.memory_space<vmem>>) semaphore(%arg13 : memref<!tpu.dma_semaphore, #tpu.memory_space<semaphore_mem>>)
    %scan3A = arith.constant 0 : i32
    %scan3A_18 = arith.constant 0 : i32
    %scan3A_19 = arith.constant 79 : i32
    %scan3A_20 = arith.addi %scan3A_18, %scan3A_19 : i32
    %scan3A_21 = arith.constant 1 : i32
    scf.for %scan3A_28 = %scan3A_18 to %scan3A_20 step %scan3A_21  : i32 {
      %mul3A_29 = arith.constant 2 : i32
      %mul3A_30 = arith.muli %scan3A_28, %mul3A_29 : i32
      %add3A = arith.constant 0 : i32
      %add3A_31 = arith.addi %mul3A_30, %add3A : i32
      %dma_wait3A = arith.constant 0 : i32
      %dma_wait3A_32 = tpu.memref_slice %arg7[%add3A_31, %dma_wait3A] : memref<158x128xi32, #tpu.memory_space<vmem>> -> memref<1x128xi32, #tpu.memory_space<vmem>>
      %dma_wait3A_33 = tpu.memref_squeeze %dma_wait3A_32 : memref<1x128xi32, #tpu.memory_space<vmem>> -> memref<128xi32, #tpu.memory_space<vmem>>
      %dma_wait3A_34 = arith.constant 0 : i32
      %dma_wait3A_35 = arith.constant 0 : i32
      %dma_wait3A_36 = tpu.memref_slice %arg2[%dma_wait3A_34, %dma_wait3A_35] : memref<10000x128xf32, #tpu.memory_space<hbm>> -> memref<10000x128xf32, #tpu.memory_space<hbm>>
      tpu.wait_indirect_dma semaphore(%arg12 : memref<!tpu.dma_semaphore, #tpu.memory_space<semaphore_mem>>) src(%dma_wait3A_36 : memref<10000x128xf32, #tpu.memory_space<hbm>>) dst(%arg9 : memref<128x128xf32, #tpu.memory_space<vmem>>)
      %get3A = arith.index_cast %add3A_31 : i32 to index
      %get3A_37 = arith.constant 0 : index
      %get3A_38 = tpu.vector_load %arg8[%get3A, %get3A_37] {strides = array<i32>} : memref<158x128xi32, #tpu.memory_space<vmem>>, vector<1x16xi32>,
      %get3A_39 = vector.shape_cast %get3A_38 : vector<1x16xi32> to vector<16xi32>
      %sub3A = vector.broadcast %mul3A_0 : i32 to vector<16xi32>
      %sub3A_40 = arith.subi %get3A_39, %sub3A : vector<16xi32>
      %ge3A = arith.constant 0 : i32
      %ge3A_41 = vector.broadcast %ge3A : i32 to vector<16xi32>
      %ge3A_42 = arith.cmpi sge, %sub3A_40, %ge3A_41 : vector<16xi32>
      %lt3A = arith.constant 5120 : i32
      %lt3A_43 = vector.broadcast %lt3A : i32 to vector<16xi32>
      %lt3A_44 = arith.cmpi slt, %sub3A_40, %lt3A_43 : vector<16xi32>
      %and3A = arith.andi %ge3A_42, %lt3A_44 : vector<16xi1>
      %jit3A = arith.constant 5120 : i32
      %broadcast_in_dim3A = vector.broadcast %jit3A : i32 to vector<16xi32>
      %select_n3A = arith.select %and3A, %sub3A_40, %broadcast_in_dim3A : vector<16xi1>, vector<16xi32>
      %swap3A = arith.index_cast %add3A_31 : i32 to index
      %swap3A_45 = arith.constant 0 : index
      %swap3A_46 = tpu.vector_load %arg8[%swap3A, %swap3A_45] {strides = array<i32>} : memref<158x128xi32, #tpu.memory_space<vmem>>, vector<1x16xi32>,
      %swap3A_47 = vector.shape_cast %swap3A_46 : vector<1x16xi32> to vector<16xi32>
      %swap3A_48 = vector.shape_cast %select_n3A : vector<16xi32> to vector<1x16xi32>
      tpu.vector_store %arg8[%swap3A, %swap3A_45], %swap3A_48 {strides = array<i32>} : memref<158x128xi32, #tpu.memory_space<vmem>>, vector<1x16xi32>,
      %get3A_49 = arith.index_cast %add3A_31 : i32 to index
      %get3A_50 = arith.constant 16 : index
      %get3A_51 = tpu.vector_load %arg8[%get3A_49, %get3A_50] {strides = array<i32>} : memref<158x128xi32, #tpu.memory_space<vmem>>, vector<1x16xi32>,
      %get3A_52 = vector.shape_cast %get3A_51 : vector<1x16xi32> to vector<16xi32>
      %sub3A_53 = vector.broadcast %mul3A_0 : i32 to vector<16xi32>
      %sub3A_54 = arith.subi %get3A_52, %sub3A_53 : vector<16xi32>
      %ge3A_55 = arith.constant 0 : i32
      %ge3A_56 = vector.broadcast %ge3A_55 : i32 to vector<16xi32>
      %ge3A_57 = arith.cmpi sge, %sub3A_54, %ge3A_56 : vector<16xi32>
      %lt3A_58 = arith.constant 5120 : i32
      %lt3A_59 = vector.broadcast %lt3A_58 : i32 to vector<16xi32>
      %lt3A_60 = arith.cmpi slt, %sub3A_54, %lt3A_59 : vector<16xi32>
      %and3A_61 = arith.andi %ge3A_57, %lt3A_60 : vector<16xi1>
      %jit3A_62 = arith.constant 5120 : i32
      %broadcast_in_dim3A_63 = vector.broadcast %jit3A_62 : i32 to vector<16xi32>
      %select_n3A_64 = arith.select %and3A_61, %sub3A_54, %broadcast_in_dim3A_63 : vector<16xi1>, vector<16xi32>
      %swap3A_65 = arith.index_cast %add3A_31 : i32 to index
      %swap3A_66 = arith.constant 16 : index
      %swap3A_67 = tpu.vector_load %arg8[%swap3A_65, %swap3A_66] {strides = array<i32>} : memref<158x128xi32, #tpu.memory_space<vmem>>, vector<1x16xi32>,
      %swap3A_68 = vector.shape_cast %swap3A_67 : vector<1x16xi32> to vector<16xi32>
      %swap3A_69 = vector.shape_cast %select_n3A_64 : vector<16xi32> to vector<1x16xi32>
      tpu.vector_store %arg8[%swap3A_65, %swap3A_66], %swap3A_69 {strides = array<i32>} : memref<158x128xi32, #tpu.memory_space<vmem>>, vector<1x16xi32>,
      %get3A_70 = arith.index_cast %add3A_31 : i32 to index
      %get3A_71 = arith.constant 32 : index
      %get3A_72 = tpu.vector_load %arg8[%get3A_70, %get3A_71] {strides = array<i32>} : memref<158x128xi32, #tpu.memory_space<vmem>>, vector<1x16xi32>,
      %get3A_73 = vector.shape_cast %get3A_72 : vector<1x16xi32> to vector<16xi32>
      %sub3A_74 = vector.broadcast %mul3A_0 : i32 to vector<16xi32>
      %sub3A_75 = arith.subi %get3A_73, %sub3A_74 : vector<16xi32>
      %ge3A_76 = arith.constant 0 : i32
      %ge3A_77 = vector.broadcast %ge3A_76 : i32 to vector<16xi32>
      %ge3A_78 = arith.cmpi sge, %sub3A_75, %ge3A_77 : vector<16xi32>
      %lt3A_79 = arith.constant 5120 : i32
      %lt3A_80 = vector.broadcast %lt3A_79 : i32 to vector<16xi32>
      %lt3A_81 = arith.cmpi slt, %sub3A_75, %lt3A_80 : vector<16xi32>
      %and3A_82 = arith.andi %ge3A_78, %lt3A_81 : vector<16xi1>
      %jit3A_83 = arith.constant 5120 : i32
      %broadcast_in_dim3A_84 = vector.broadcast %jit3A_83 : i32 to vector<16xi32>
      %select_n3A_85 = arith.select %and3A_82, %sub3A_75, %broadcast_in_dim3A_84 : vector<16xi1>, vector<16xi32>
      %swap3A_86 = arith.index_cast %add3A_31 : i32 to index
      %swap3A_87 = arith.constant 32 : index
      %swap3A_88 = tpu.vector_load %arg8[%swap3A_86, %swap3A_87] {strides = array<i32>} : memref<158x128xi32, #tpu.memory_space<vmem>>, vector<1x16xi32>,
      %swap3A_89 = vector.shape_cast %swap3A_88 : vector<1x16xi32> to vector<16xi32>
      %swap3A_90 = vector.shape_cast %select_n3A_85 : vector<16xi32> to vector<1x16xi32>
      tpu.vector_store %arg8[%swap3A_86, %swap3A_87], %swap3A_90 {strides = array<i32>} : memref<158x128xi32, #tpu.memory_space<vmem>>, vector<1x16xi32>,
      %get3A_91 = arith.index_cast %add3A_31 : i32 to index
      %get3A_92 = arith.constant 48 : index
      %get3A_93 = tpu.vector_load %arg8[%get3A_91, %get3A_92] {strides = array<i32>} : memref<158x128xi32, #tpu.memory_space<vmem>>, vector<1x16xi32>,
      %get3A_94 = vector.shape_cast %get3A_93 : vector<1x16xi32> to vector<16xi32>
      %sub3A_95 = vector.broadcast %mul3A_0 : i32 to vector<16xi32>
      %sub3A_96 = arith.subi %get3A_94, %sub3A_95 : vector<16xi32>
      %ge3A_97 = arith.constant 0 : i32
      %ge3A_98 = vector.broadcast %ge3A_97 : i32 to vector<16xi32>
      %ge3A_99 = arith.cmpi sge, %sub3A_96, %ge3A_98 : vector<16xi32>
      %lt3A_100 = arith.constant 5120 : i32
      %lt3A_101 = vector.broadcast %lt3A_100 : i32 to vector<16xi32>
      %lt3A_102 = arith.cmpi slt, %sub3A_96, %lt3A_101 : vector<16xi32>
      %and3A_103 = arith.andi %ge3A_99, %lt3A_102 : vector<16xi1>
      %jit3A_104 = arith.constant 5120 : i32
      %broadcast_in_dim3A_105 = vector.broadcast %jit3A_104 : i32 to vector<16xi32>
      %select_n3A_106 = arith.select %and3A_103, %sub3A_96, %broadcast_in_dim3A_105 : vector<16xi1>, vector<16xi32>
      %swap3A_107 = arith.index_cast %add3A_31 : i32 to index
      %swap3A_108 = arith.constant 48 : index
      %swap3A_109 = tpu.vector_load %arg8[%swap3A_107, %swap3A_108] {strides = array<i32>} : memref<158x128xi32, #tpu.memory_space<vmem>>, vector<1x16xi32>,
      %swap3A_110 = vector.shape_cast %swap3A_109 : vector<1x16xi32> to vector<16xi32>
      %swap3A_111 = vector.shape_cast %select_n3A_106 : vector<16xi32> to vector<1x16xi32>
      tpu.vector_store %arg8[%swap3A_107, %swap3A_108], %swap3A_111 {strides = array<i32>} : memref<158x128xi32, #tpu.memory_space<vmem>>, vector<1x16xi32>,
      %get3A_112 = arith.index_cast %add3A_31 : i32 to index
      %get3A_113 = arith.constant 64 : index
      %get3A_114 = tpu.vector_load %arg8[%get3A_112, %get3A_113] {strides = array<i32>} : memref<158x128xi32, #tpu.memory_space<vmem>>, vector<1x16xi32>,
      %get3A_115 = vector.shape_cast %get3A_114 : vector<1x16xi32> to vector<16xi32>
      %sub3A_116 = vector.broadcast %mul3A_0 : i32 to vector<16xi32>
      %sub3A_117 = arith.subi %get3A_115, %sub3A_116 : vector<16xi32>
      %ge3A_118 = arith.constant 0 : i32
      %ge3A_119 = vector.broadcast %ge3A_118 : i32 to vector<16xi32>
      %ge3A_120 = arith.cmpi sge, %sub3A_117, %ge3A_119 : vector<16xi32>
      %lt3A_121 = arith.constant 5120 : i32
      %lt3A_122 = vector.broadcast %lt3A_121 : i32 to vector<16xi32>
      %lt3A_123 = arith.cmpi slt, %sub3A_117, %lt3A_122 : vector<16xi32>
      %and3A_124 = arith.andi %ge3A_120, %lt3A_123 : vector<16xi1>
      %jit3A_125 = arith.constant 5120 : i32
      %broadcast_in_dim3A_126 = vector.broadcast %jit3A_125 : i32 to vector<16xi32>
      %select_n3A_127 = arith.select %and3A_124, %sub3A_117, %broadcast_in_dim3A_126 : vector<16xi1>, vector<16xi32>
      %swap3A_128 = arith.index_cast %add3A_31 : i32 to index
      %swap3A_129 = arith.constant 64 : index
      %swap3A_130 = tpu.vector_load %arg8[%swap3A_128, %swap3A_129] {strides = array<i32>} : memref<158x128xi32, #tpu.memory_space<vmem>>, vector<1x16xi32>,
      %swap3A_131 = vector.shape_cast %swap3A_130 : vector<1x16xi32> to vector<16xi32>
      %swap3A_132 = vector.shape_cast %select_n3A_127 : vector<16xi32> to vector<1x16xi32>
      tpu.vector_store %arg8[%swap3A_128, %swap3A_129], %swap3A_132 {strides = array<i32>} : memref<158x128xi32, #tpu.memory_space<vmem>>, vector<1x16xi32>,
      %get3A_133 = arith.index_cast %add3A_31 : i32 to index
      %get3A_134 = arith.constant 80 : index
      %get3A_135 = tpu.vector_load %arg8[%get3A_133, %get3A_134] {strides = array<i32>} : memref<158x128xi32, #tpu.memory_space<vmem>>, vector<1x16xi32>,
      %get3A_136 = vector.shape_cast %get3A_135 : vector<1x16xi32> to vector<16xi32>
      %sub3A_137 = vector.broadcast %mul3A_0 : i32 to vector<16xi32>
      %sub3A_138 = arith.subi %get3A_136, %sub3A_137 : vector<16xi32>
      %ge3A_139 = arith.constant 0 : i32
      %ge3A_140 = vector.broadcast %ge3A_139 : i32 to vector<16xi32>
      %ge3A_141 = arith.cmpi sge, %sub3A_138, %ge3A_140 : vector<16xi32>
      %lt3A_142 = arith.constant 5120 : i32
      %lt3A_143 = vector.broadcast %lt3A_142 : i32 to vector<16xi32>
      %lt3A_144 = arith.cmpi slt, %sub3A_138, %lt3A_143 : vector<16xi32>
      %and3A_145 = arith.andi %ge3A_141, %lt3A_144 : vector<16xi1>
      %jit3A_146 = arith.constant 5120 : i32
      %broadcast_in_dim3A_147 = vector.broadcast %jit3A_146 : i32 to vector<16xi32>
      %select_n3A_148 = arith.select %and3A_145, %sub3A_138, %broadcast_in_dim3A_147 : vector<16xi1>, vector<16xi32>
      %swap3A_149 = arith.index_cast %add3A_31 : i32 to index
      %swap3A_150 = arith.constant 80 : index
      %swap3A_151 = tpu.vector_load %arg8[%swap3A_149, %swap3A_150] {strides = array<i32>} : memref<158x128xi32, #tpu.memory_space<vmem>>, vector<1x16xi32>,
      %swap3A_152 = vector.shape_cast %swap3A_151 : vector<1x16xi32> to vector<16xi32>
      %swap3A_153 = vector.shape_cast %select_n3A_148 : vector<16xi32> to vector<1x16xi32>
      tpu.vector_store %arg8[%swap3A_149, %swap3A_150], %swap3A_153 {strides = array<i32>} : memref<158x128xi32, #tpu.memory_space<vmem>>, vector<1x16xi32>,
      %get3A_154 = arith.index_cast %add3A_31 : i32 to index
      %get3A_155 = arith.constant 96 : index
      %get3A_156 = tpu.vector_load %arg8[%get3A_154, %get3A_155] {strides = array<i32>} : memref<158x128xi32, #tpu.memory_space<vmem>>, vector<1x16xi32>,
      %get3A_157 = vector.shape_cast %get3A_156 : vector<1x16xi32> to vector<16xi32>
      %sub3A_158 = vector.broadcast %mul3A_0 : i32 to vector<16xi32>
      %sub3A_159 = arith.subi %get3A_157, %sub3A_158 : vector<16xi32>
      %ge3A_160 = arith.constant 0 : i32
      %ge3A_161 = vector.broadcast %ge3A_160 : i32 to vector<16xi32>
      %ge3A_162 = arith.cmpi sge, %sub3A_159, %ge3A_161 : vector<16xi32>
      %lt3A_163 = arith.constant 5120 : i32
      %lt3A_164 = vector.broadcast %lt3A_163 : i32 to vector<16xi32>
      %lt3A_165 = arith.cmpi slt, %sub3A_159, %lt3A_164 : vector<16xi32>
      %and3A_166 = arith.andi %ge3A_162, %lt3A_165 : vector<16xi1>
      %jit3A_167 = arith.constant 5120 : i32
      %broadcast_in_dim3A_168 = vector.broadcast %jit3A_167 : i32 to vector<16xi32>
      %select_n3A_169 = arith.select %and3A_166, %sub3A_159, %broadcast_in_dim3A_168 : vector<16xi1>, vector<16xi32>
      %swap3A_170 = arith.index_cast %add3A_31 : i32 to index
      %swap3A_171 = arith.constant 96 : index
      %swap3A_172 = tpu.vector_load %arg8[%swap3A_170, %swap3A_171] {strides = array<i32>} : memref<158x128xi32, #tpu.memory_space<vmem>>, vector<1x16xi32>,
      %swap3A_173 = vector.shape_cast %swap3A_172 : vector<1x16xi32> to vector<16xi32>
      %swap3A_174 = vector.shape_cast %select_n3A_169 : vector<16xi32> to vector<1x16xi32>
      tpu.vector_store %arg8[%swap3A_170, %swap3A_171], %swap3A_174 {strides = array<i32>} : memref<158x128xi32, #tpu.memory_space<vmem>>, vector<1x16xi32>,
      %get3A_175 = arith.index_cast %add3A_31 : i32 to index
      %get3A_176 = arith.constant 112 : index
      %get3A_177 = tpu.vector_load %arg8[%get3A_175, %get3A_176] {strides = array<i32>} : memref<158x128xi32, #tpu.memory_space<vmem>>, vector<1x16xi32>,
      %get3A_178 = vector.shape_cast %get3A_177 : vector<1x16xi32> to vector<16xi32>
      %sub3A_179 = vector.broadcast %mul3A_0 : i32 to vector<16xi32>
      %sub3A_180 = arith.subi %get3A_178, %sub3A_179 : vector<16xi32>
      %ge3A_181 = arith.constant 0 : i32
      %ge3A_182 = vector.broadcast %ge3A_181 : i32 to vector<16xi32>
      %ge3A_183 = arith.cmpi sge, %sub3A_180, %ge3A_182 : vector<16xi32>
      %lt3A_184 = arith.constant 5120 : i32
      %lt3A_185 = vector.broadcast %lt3A_184 : i32 to vector<16xi32>
      %lt3A_186 = arith.cmpi slt, %sub3A_180, %lt3A_185 : vector<16xi32>
      %and3A_187 = arith.andi %ge3A_183, %lt3A_186 : vector<16xi1>
      %jit3A_188 = arith.constant 5120 : i32
      %broadcast_in_dim3A_189 = vector.broadcast %jit3A_188 : i32 to vector<16xi32>
      %select_n3A_190 = arith.select %and3A_187, %sub3A_180, %broadcast_in_dim3A_189 : vector<16xi1>, vector<16xi32>
      %swap3A_191 = arith.index_cast %add3A_31 : i32 to index
      %swap3A_192 = arith.constant 112 : index
      %swap3A_193 = tpu.vector_load %arg8[%swap3A_191, %swap3A_192] {strides = array<i32>} : memref<158x128xi32, #tpu.memory_space<vmem>>, vector<1x16xi32>,
      %swap3A_194 = vector.shape_cast %swap3A_193 : vector<1x16xi32> to vector<16xi32>
      %swap3A_195 = vector.shape_cast %select_n3A_190 : vector<16xi32> to vector<1x16xi32>
      tpu.vector_store %arg8[%swap3A_191, %swap3A_192], %swap3A_195 {strides = array<i32>} : memref<158x128xi32, #tpu.memory_space<vmem>>, vector<1x16xi32>,
      "tpu.region"() ({
        %run_scoped3A = tpu.sem_alloc : memref<!tpu.dma_semaphore, #tpu.memory_space<semaphore_mem>>
        %dma_start3A_384 = arith.constant 0 : i32
        %dma_start3A_385 = tpu.memref_slice %arg8[%add3A_31, %dma_start3A_384] : memref<158x128xi32, #tpu.memory_space<vmem>> -> memref<1x128xi32, #tpu.memory_space<vmem>>
        %dma_start3A_386 = tpu.memref_squeeze %dma_start3A_385 : memref<1x128xi32, #tpu.memory_space<vmem>> -> memref<128xi32, #tpu.memory_space<vmem>>
        %dma_start3A_387 = arith.constant 0 : i32
        %dma_start3A_388 = arith.constant 0 : i32
        %dma_start3A_389 = tpu.memref_slice %arg11[%dma_start3A_387, %dma_start3A_388] : memref<5248x128xf32, #tpu.memory_space<vmem_shared>> -> memref<5248x128xf32, #tpu.memory_space<vmem_shared>>
        tpu.enqueue_indirect_dma source(%arg9 : memref<128x128xf32, #tpu.memory_space<vmem>>) target(%dma_start3A_389 : memref<5248x128xf32, #tpu.memory_space<vmem_shared>>) offsets(%dma_start3A_386 : memref<128xi32, #tpu.memory_space<vmem>>) semaphore(%run_scoped3A : memref<!tpu.dma_semaphore, #tpu.memory_space<semaphore_mem>>) {add = true}
        %dma_wait3A_390 = arith.constant 0 : i32
        %dma_wait3A_391 = tpu.memref_slice %arg8[%add3A_31, %dma_wait3A_390] : memref<158x128xi32, #tpu.memory_space<vmem>> -> memref<1x128xi32, #tpu.memory_space<vmem>>
        %dma_wait3A_392 = tpu.memref_squeeze %dma_wait3A_391 : memref<1x128xi32, #tpu.memory_space<vmem>> -> memref<128xi32, #tpu.memory_space<vmem>>
        %dma_wait3A_393 = arith.constant 0 : i32
        %dma_wait3A_394 = arith.constant 0 : i32
        %dma_wait3A_395 = tpu.memref_slice %arg11[%dma_wait3A_393, %dma_wait3A_394] : memref<5248x128xf32, #tpu.memory_space<vmem_shared>> -> memref<5248x128xf32, #tpu.memory_space<vmem_shared>>
        tpu.wait_indirect_dma semaphore(%run_scoped3A : memref<!tpu.dma_semaphore, #tpu.memory_space<semaphore_mem>>) src(%arg9 : memref<128x128xf32, #tpu.memory_space<vmem>>) dst(%dma_wait3A_395 : memref<5248x128xf32, #tpu.memory_space<vmem_shared>>)
        tpu.yield
      }) : () -> ()
      %add3A_196 = arith.constant 2 : i32
      %add3A_197 = arith.addi %add3A_31, %add3A_196 : i32
      %lt3A_198 = arith.constant 158 : i32
      %lt3A_199 = arith.cmpi slt, %add3A_197, %lt3A_198 : i32
      %convert_element_type3A = arith.extui %lt3A_199 : i1 to i32
      %cond3A = arith.constant 0 : i32
      %cond3A_200 = arith.cmpi ne, %convert_element_type3A, %cond3A : i32
      scf.if %cond3A_200 {
        %add3A_384 = arith.constant 2 : i32
        %add3A_385 = arith.addi %add3A_31, %add3A_384 : i32
        %dma_start3A_386 = arith.constant 0 : i32
        %dma_start3A_387 = tpu.memref_slice %arg7[%add3A_385, %dma_start3A_386] : memref<158x128xi32, #tpu.memory_space<vmem>> -> memref<1x128xi32, #tpu.memory_space<vmem>>
        %dma_start3A_388 = tpu.memref_squeeze %dma_start3A_387 : memref<1x128xi32, #tpu.memory_space<vmem>> -> memref<128xi32, #tpu.memory_space<vmem>>
        %dma_start3A_389 = arith.constant 0 : i32
        %dma_start3A_390 = arith.constant 0 : i32
        %dma_start3A_391 = tpu.memref_slice %arg2[%dma_start3A_389, %dma_start3A_390] : memref<10000x128xf32, #tpu.memory_space<hbm>> -> memref<10000x128xf32, #tpu.memory_space<hbm>>
        tpu.enqueue_indirect_dma source(%dma_start3A_391 : memref<10000x128xf32, #tpu.memory_space<hbm>>) target(%arg9 : memref<128x128xf32, #tpu.memory_space<vmem>>) offsets(%dma_start3A_388 : memref<128xi32, #tpu.memory_space<vmem>>) semaphore(%arg12 : memref<!tpu.dma_semaphore, #tpu.memory_space<semaphore_mem>>)
      } else {
      }
      %add3A_201 = arith.constant 1 : i32
      %add3A_202 = arith.addi %mul3A_30, %add3A_201 : i32
      %dma_wait3A_203 = arith.constant 0 : i32
      %dma_wait3A_204 = tpu.memref_slice %arg7[%add3A_202, %dma_wait3A_203] : memref<158x128xi32, #tpu.memory_space<vmem>> -> memref<1x128xi32, #tpu.memory_space<vmem>>
      %dma_wait3A_205 = tpu.memref_squeeze %dma_wait3A_204 : memref<1x128xi32, #tpu.memory_space<vmem>> -> memref<128xi32, #tpu.memory_space<vmem>>
      %dma_wait3A_206 = arith.constant 0 : i32
      %dma_wait3A_207 = arith.constant 0 : i32
      %dma_wait3A_208 = tpu.memref_slice %arg2[%dma_wait3A_206, %dma_wait3A_207] : memref<10000x128xf32, #tpu.memory_space<hbm>> -> memref<10000x128xf32, #tpu.memory_space<hbm>>
      tpu.wait_indirect_dma semaphore(%arg13 : memref<!tpu.dma_semaphore, #tpu.memory_space<semaphore_mem>>) src(%dma_wait3A_208 : memref<10000x128xf32, #tpu.memory_space<hbm>>) dst(%arg10 : memref<128x128xf32, #tpu.memory_space<vmem>>)
      %get3A_209 = arith.index_cast %add3A_202 : i32 to index
      %get3A_210 = arith.constant 0 : index
      %get3A_211 = tpu.vector_load %arg8[%get3A_209, %get3A_210] {strides = array<i32>} : memref<158x128xi32, #tpu.memory_space<vmem>>, vector<1x16xi32>,
      %get3A_212 = vector.shape_cast %get3A_211 : vector<1x16xi32> to vector<16xi32>
      %sub3A_213 = vector.broadcast %mul3A_0 : i32 to vector<16xi32>
      %sub3A_214 = arith.subi %get3A_212, %sub3A_213 : vector<16xi32>
      %ge3A_215 = arith.constant 0 : i32
      %ge3A_216 = vector.broadcast %ge3A_215 : i32 to vector<16xi32>
      %ge3A_217 = arith.cmpi sge, %sub3A_214, %ge3A_216 : vector<16xi32>
      %lt3A_218 = arith.constant 5120 : i32
      %lt3A_219 = vector.broadcast %lt3A_218 : i32 to vector<16xi32>
      %lt3A_220 = arith.cmpi slt, %sub3A_214, %lt3A_219 : vector<16xi32>
      %and3A_221 = arith.andi %ge3A_217, %lt3A_220 : vector<16xi1>
      %jit3A_222 = arith.constant 5120 : i32
      %broadcast_in_dim3A_223 = vector.broadcast %jit3A_222 : i32 to vector<16xi32>
      %select_n3A_224 = arith.select %and3A_221, %sub3A_214, %broadcast_in_dim3A_223 : vector<16xi1>, vector<16xi32>
      %swap3A_225 = arith.index_cast %add3A_202 : i32 to index
      %swap3A_226 = arith.constant 0 : index
      %swap3A_227 = tpu.vector_load %arg8[%swap3A_225, %swap3A_226] {strides = array<i32>} : memref<158x128xi32, #tpu.memory_space<vmem>>, vector<1x16xi32>,
      %swap3A_228 = vector.shape_cast %swap3A_227 : vector<1x16xi32> to vector<16xi32>
      %swap3A_229 = vector.shape_cast %select_n3A_224 : vector<16xi32> to vector<1x16xi32>
      tpu.vector_store %arg8[%swap3A_225, %swap3A_226], %swap3A_229 {strides = array<i32>} : memref<158x128xi32, #tpu.memory_space<vmem>>, vector<1x16xi32>,
      %get3A_230 = arith.index_cast %add3A_202 : i32 to index
      %get3A_231 = arith.constant 16 : index
      %get3A_232 = tpu.vector_load %arg8[%get3A_230, %get3A_231] {strides = array<i32>} : memref<158x128xi32, #tpu.memory_space<vmem>>, vector<1x16xi32>,
      %get3A_233 = vector.shape_cast %get3A_232 : vector<1x16xi32> to vector<16xi32>
      %sub3A_234 = vector.broadcast %mul3A_0 : i32 to vector<16xi32>
      %sub3A_235 = arith.subi %get3A_233, %sub3A_234 : vector<16xi32>
      %ge3A_236 = arith.constant 0 : i32
      %ge3A_237 = vector.broadcast %ge3A_236 : i32 to vector<16xi32>
      %ge3A_238 = arith.cmpi sge, %sub3A_235, %ge3A_237 : vector<16xi32>
      %lt3A_239 = arith.constant 5120 : i32
      %lt3A_240 = vector.broadcast %lt3A_239 : i32 to vector<16xi32>
      %lt3A_241 = arith.cmpi slt, %sub3A_235, %lt3A_240 : vector<16xi32>
      %and3A_242 = arith.andi %ge3A_238, %lt3A_241 : vector<16xi1>
      %jit3A_243 = arith.constant 5120 : i32
      %broadcast_in_dim3A_244 = vector.broadcast %jit3A_243 : i32 to vector<16xi32>
      %select_n3A_245 = arith.select %and3A_242, %sub3A_235, %broadcast_in_dim3A_244 : vector<16xi1>, vector<16xi32>
      %swap3A_246 = arith.index_cast %add3A_202 : i32 to index
      %swap3A_247 = arith.constant 16 : index
      %swap3A_248 = tpu.vector_load %arg8[%swap3A_246, %swap3A_247] {strides = array<i32>} : memref<158x128xi32, #tpu.memory_space<vmem>>, vector<1x16xi32>,
      %swap3A_249 = vector.shape_cast %swap3A_248 : vector<1x16xi32> to vector<16xi32>
      %swap3A_250 = vector.shape_cast %select_n3A_245 : vector<16xi32> to vector<1x16xi32>
      tpu.vector_store %arg8[%swap3A_246, %swap3A_247], %swap3A_250 {strides = array<i32>} : memref<158x128xi32, #tpu.memory_space<vmem>>, vector<1x16xi32>,
      %get3A_251 = arith.index_cast %add3A_202 : i32 to index
      %get3A_252 = arith.constant 32 : index
      %get3A_253 = tpu.vector_load %arg8[%get3A_251, %get3A_252] {strides = array<i32>} : memref<158x128xi32, #tpu.memory_space<vmem>>, vector<1x16xi32>,
      %get3A_254 = vector.shape_cast %get3A_253 : vector<1x16xi32> to vector<16xi32>
      %sub3A_255 = vector.broadcast %mul3A_0 : i32 to vector<16xi32>
      %sub3A_256 = arith.subi %get3A_254, %sub3A_255 : vector<16xi32>
      %ge3A_257 = arith.constant 0 : i32
      %ge3A_258 = vector.broadcast %ge3A_257 : i32 to vector<16xi32>
      %ge3A_259 = arith.cmpi sge, %sub3A_256, %ge3A_258 : vector<16xi32>
      %lt3A_260 = arith.constant 5120 : i32
      %lt3A_261 = vector.broadcast %lt3A_260 : i32 to vector<16xi32>
      %lt3A_262 = arith.cmpi slt, %sub3A_256, %lt3A_261 : vector<16xi32>
      %and3A_263 = arith.andi %ge3A_259, %lt3A_262 : vector<16xi1>
      %jit3A_264 = arith.constant 5120 : i32
      %broadcast_in_dim3A_265 = vector.broadcast %jit3A_264 : i32 to vector<16xi32>
      %select_n3A_266 = arith.select %and3A_263, %sub3A_256, %broadcast_in_dim3A_265 : vector<16xi1>, vector<16xi32>
      %swap3A_267 = arith.index_cast %add3A_202 : i32 to index
      %swap3A_268 = arith.constant 32 : index
      %swap3A_269 = tpu.vector_load %arg8[%swap3A_267, %swap3A_268] {strides = array<i32>} : memref<158x128xi32, #tpu.memory_space<vmem>>, vector<1x16xi32>,
      %swap3A_270 = vector.shape_cast %swap3A_269 : vector<1x16xi32> to vector<16xi32>
      %swap3A_271 = vector.shape_cast %select_n3A_266 : vector<16xi32> to vector<1x16xi32>
      tpu.vector_store %arg8[%swap3A_267, %swap3A_268], %swap3A_271 {strides = array<i32>} : memref<158x128xi32, #tpu.memory_space<vmem>>, vector<1x16xi32>,
      %get3A_272 = arith.index_cast %add3A_202 : i32 to index
      %get3A_273 = arith.constant 48 : index
      %get3A_274 = tpu.vector_load %arg8[%get3A_272, %get3A_273] {strides = array<i32>} : memref<158x128xi32, #tpu.memory_space<vmem>>, vector<1x16xi32>,
      %get3A_275 = vector.shape_cast %get3A_274 : vector<1x16xi32> to vector<16xi32>
      %sub3A_276 = vector.broadcast %mul3A_0 : i32 to vector<16xi32>
      %sub3A_277 = arith.subi %get3A_275, %sub3A_276 : vector<16xi32>
      %ge3A_278 = arith.constant 0 : i32
      %ge3A_279 = vector.broadcast %ge3A_278 : i32 to vector<16xi32>
      %ge3A_280 = arith.cmpi sge, %sub3A_277, %ge3A_279 : vector<16xi32>
      %lt3A_281 = arith.constant 5120 : i32
      %lt3A_282 = vector.broadcast %lt3A_281 : i32 to vector<16xi32>
      %lt3A_283 = arith.cmpi slt, %sub3A_277, %lt3A_282 : vector<16xi32>
      %and3A_284 = arith.andi %ge3A_280, %lt3A_283 : vector<16xi1>
      %jit3A_285 = arith.constant 5120 : i32
      %broadcast_in_dim3A_286 = vector.broadcast %jit3A_285 : i32 to vector<16xi32>
      %select_n3A_287 = arith.select %and3A_284, %sub3A_277, %broadcast_in_dim3A_286 : vector<16xi1>, vector<16xi32>
      %swap3A_288 = arith.index_cast %add3A_202 : i32 to index
      %swap3A_289 = arith.constant 48 : index
      %swap3A_290 = tpu.vector_load %arg8[%swap3A_288, %swap3A_289] {strides = array<i32>} : memref<158x128xi32, #tpu.memory_space<vmem>>, vector<1x16xi32>,
      %swap3A_291 = vector.shape_cast %swap3A_290 : vector<1x16xi32> to vector<16xi32>
      %swap3A_292 = vector.shape_cast %select_n3A_287 : vector<16xi32> to vector<1x16xi32>
      tpu.vector_store %arg8[%swap3A_288, %swap3A_289], %swap3A_292 {strides = array<i32>} : memref<158x128xi32, #tpu.memory_space<vmem>>, vector<1x16xi32>,
      %get3A_293 = arith.index_cast %add3A_202 : i32 to index
      %get3A_294 = arith.constant 64 : index
      %get3A_295 = tpu.vector_load %arg8[%get3A_293, %get3A_294] {strides = array<i32>} : memref<158x128xi32, #tpu.memory_space<vmem>>, vector<1x16xi32>,
      %get3A_296 = vector.shape_cast %get3A_295 : vector<1x16xi32> to vector<16xi32>
      %sub3A_297 = vector.broadcast %mul3A_0 : i32 to vector<16xi32>
      %sub3A_298 = arith.subi %get3A_296, %sub3A_297 : vector<16xi32>
      %ge3A_299 = arith.constant 0 : i32
      %ge3A_300 = vector.broadcast %ge3A_299 : i32 to vector<16xi32>
      %ge3A_301 = arith.cmpi sge, %sub3A_298, %ge3A_300 : vector<16xi32>
      %lt3A_302 = arith.constant 5120 : i32
      %lt3A_303 = vector.broadcast %lt3A_302 : i32 to vector<16xi32>
      %lt3A_304 = arith.cmpi slt, %sub3A_298, %lt3A_303 : vector<16xi32>
      %and3A_305 = arith.andi %ge3A_301, %lt3A_304 : vector<16xi1>
      %jit3A_306 = arith.constant 5120 : i32
      %broadcast_in_dim3A_307 = vector.broadcast %jit3A_306 : i32 to vector<16xi32>
      %select_n3A_308 = arith.select %and3A_305, %sub3A_298, %broadcast_in_dim3A_307 : vector<16xi1>, vector<16xi32>
      %swap3A_309 = arith.index_cast %add3A_202 : i32 to index
      %swap3A_310 = arith.constant 64 : index
      %swap3A_311 = tpu.vector_load %arg8[%swap3A_309, %swap3A_310] {strides = array<i32>} : memref<158x128xi32, #tpu.memory_space<vmem>>, vector<1x16xi32>,
      %swap3A_312 = vector.shape_cast %swap3A_311 : vector<1x16xi32> to vector<16xi32>
      %swap3A_313 = vector.shape_cast %select_n3A_308 : vector<16xi32> to vector<1x16xi32>
      tpu.vector_store %arg8[%swap3A_309, %swap3A_310], %swap3A_313 {strides = array<i32>} : memref<158x128xi32, #tpu.memory_space<vmem>>, vector<1x16xi32>,
      %get3A_314 = arith.index_cast %add3A_202 : i32 to index
      %get3A_315 = arith.constant 80 : index
      %get3A_316 = tpu.vector_load %arg8[%get3A_314, %get3A_315] {strides = array<i32>} : memref<158x128xi32, #tpu.memory_space<vmem>>, vector<1x16xi32>,
      %get3A_317 = vector.shape_cast %get3A_316 : vector<1x16xi32> to vector<16xi32>
      %sub3A_318 = vector.broadcast %mul3A_0 : i32 to vector<16xi32>
      %sub3A_319 = arith.subi %get3A_317, %sub3A_318 : vector<16xi32>
      %ge3A_320 = arith.constant 0 : i32
      %ge3A_321 = vector.broadcast %ge3A_320 : i32 to vector<16xi32>
      %ge3A_322 = arith.cmpi sge, %sub3A_319, %ge3A_321 : vector<16xi32>
      %lt3A_323 = arith.constant 5120 : i32
      %lt3A_324 = vector.broadcast %lt3A_323 : i32 to vector<16xi32>
      %lt3A_325 = arith.cmpi slt, %sub3A_319, %lt3A_324 : vector<16xi32>
      %and3A_326 = arith.andi %ge3A_322, %lt3A_325 : vector<16xi1>
      %jit3A_327 = arith.constant 5120 : i32
      %broadcast_in_dim3A_328 = vector.broadcast %jit3A_327 : i32 to vector<16xi32>
      %select_n3A_329 = arith.select %and3A_326, %sub3A_319, %broadcast_in_dim3A_328 : vector<16xi1>, vector<16xi32>
      %swap3A_330 = arith.index_cast %add3A_202 : i32 to index
      %swap3A_331 = arith.constant 80 : index
      %swap3A_332 = tpu.vector_load %arg8[%swap3A_330, %swap3A_331] {strides = array<i32>} : memref<158x128xi32, #tpu.memory_space<vmem>>, vector<1x16xi32>,
      %swap3A_333 = vector.shape_cast %swap3A_332 : vector<1x16xi32> to vector<16xi32>
      %swap3A_334 = vector.shape_cast %select_n3A_329 : vector<16xi32> to vector<1x16xi32>
      tpu.vector_store %arg8[%swap3A_330, %swap3A_331], %swap3A_334 {strides = array<i32>} : memref<158x128xi32, #tpu.memory_space<vmem>>, vector<1x16xi32>,
      %get3A_335 = arith.index_cast %add3A_202 : i32 to index
      %get3A_336 = arith.constant 96 : index
      %get3A_337 = tpu.vector_load %arg8[%get3A_335, %get3A_336] {strides = array<i32>} : memref<158x128xi32, #tpu.memory_space<vmem>>, vector<1x16xi32>,
      %get3A_338 = vector.shape_cast %get3A_337 : vector<1x16xi32> to vector<16xi32>
      %sub3A_339 = vector.broadcast %mul3A_0 : i32 to vector<16xi32>
      %sub3A_340 = arith.subi %get3A_338, %sub3A_339 : vector<16xi32>
      %ge3A_341 = arith.constant 0 : i32
      %ge3A_342 = vector.broadcast %ge3A_341 : i32 to vector<16xi32>
      %ge3A_343 = arith.cmpi sge, %sub3A_340, %ge3A_342 : vector<16xi32>
      %lt3A_344 = arith.constant 5120 : i32
      %lt3A_345 = vector.broadcast %lt3A_344 : i32 to vector<16xi32>
      %lt3A_346 = arith.cmpi slt, %sub3A_340, %lt3A_345 : vector<16xi32>
      %and3A_347 = arith.andi %ge3A_343, %lt3A_346 : vector<16xi1>
      %jit3A_348 = arith.constant 5120 : i32
      %broadcast_in_dim3A_349 = vector.broadcast %jit3A_348 : i32 to vector<16xi32>
      %select_n3A_350 = arith.select %and3A_347, %sub3A_340, %broadcast_in_dim3A_349 : vector<16xi1>, vector<16xi32>
      %swap3A_351 = arith.index_cast %add3A_202 : i32 to index
      %swap3A_352 = arith.constant 96 : index
      %swap3A_353 = tpu.vector_load %arg8[%swap3A_351, %swap3A_352] {strides = array<i32>} : memref<158x128xi32, #tpu.memory_space<vmem>>, vector<1x16xi32>,
      %swap3A_354 = vector.shape_cast %swap3A_353 : vector<1x16xi32> to vector<16xi32>
      %swap3A_355 = vector.shape_cast %select_n3A_350 : vector<16xi32> to vector<1x16xi32>
      tpu.vector_store %arg8[%swap3A_351, %swap3A_352], %swap3A_355 {strides = array<i32>} : memref<158x128xi32, #tpu.memory_space<vmem>>, vector<1x16xi32>,
      %get3A_356 = arith.index_cast %add3A_202 : i32 to index
      %get3A_357 = arith.constant 112 : index
      %get3A_358 = tpu.vector_load %arg8[%get3A_356, %get3A_357] {strides = array<i32>} : memref<158x128xi32, #tpu.memory_space<vmem>>, vector<1x16xi32>,
      %get3A_359 = vector.shape_cast %get3A_358 : vector<1x16xi32> to vector<16xi32>
      %sub3A_360 = vector.broadcast %mul3A_0 : i32 to vector<16xi32>
      %sub3A_361 = arith.subi %get3A_359, %sub3A_360 : vector<16xi32>
      %ge3A_362 = arith.constant 0 : i32
      %ge3A_363 = vector.broadcast %ge3A_362 : i32 to vector<16xi32>
      %ge3A_364 = arith.cmpi sge, %sub3A_361, %ge3A_363 : vector<16xi32>
      %lt3A_365 = arith.constant 5120 : i32
      %lt3A_366 = vector.broadcast %lt3A_365 : i32 to vector<16xi32>
      %lt3A_367 = arith.cmpi slt, %sub3A_361, %lt3A_366 : vector<16xi32>
      %and3A_368 = arith.andi %ge3A_364, %lt3A_367 : vector<16xi1>
      %jit3A_369 = arith.constant 5120 : i32
      %broadcast_in_dim3A_370 = vector.broadcast %jit3A_369 : i32 to vector<16xi32>
      %select_n3A_371 = arith.select %and3A_368, %sub3A_361, %broadcast_in_dim3A_370 : vector<16xi1>, vector<16xi32>
      %swap3A_372 = arith.index_cast %add3A_202 : i32 to index
      %swap3A_373 = arith.constant 112 : index
      %swap3A_374 = tpu.vector_load %arg8[%swap3A_372, %swap3A_373] {strides = array<i32>} : memref<158x128xi32, #tpu.memory_space<vmem>>, vector<1x16xi32>,
      %swap3A_375 = vector.shape_cast %swap3A_374 : vector<1x16xi32> to vector<16xi32>
      %swap3A_376 = vector.shape_cast %select_n3A_371 : vector<16xi32> to vector<1x16xi32>
      tpu.vector_store %arg8[%swap3A_372, %swap3A_373], %swap3A_376 {strides = array<i32>} : memref<158x128xi32, #tpu.memory_space<vmem>>, vector<1x16xi32>,
      "tpu.region"() ({
        %run_scoped3A = tpu.sem_alloc : memref<!tpu.dma_semaphore, #tpu.memory_space<semaphore_mem>>
        %dma_start3A_384 = arith.constant 0 : i32
        %dma_start3A_385 = tpu.memref_slice %arg8[%add3A_202, %dma_start3A_384] : memref<158x128xi32, #tpu.memory_space<vmem>> -> memref<1x128xi32, #tpu.memory_space<vmem>>
        %dma_start3A_386 = tpu.memref_squeeze %dma_start3A_385 : memref<1x128xi32, #tpu.memory_space<vmem>> -> memref<128xi32, #tpu.memory_space<vmem>>
        %dma_start3A_387 = arith.constant 0 : i32
        %dma_start3A_388 = arith.constant 0 : i32
        %dma_start3A_389 = tpu.memref_slice %arg11[%dma_start3A_387, %dma_start3A_388] : memref<5248x128xf32, #tpu.memory_space<vmem_shared>> -> memref<5248x128xf32, #tpu.memory_space<vmem_shared>>
        tpu.enqueue_indirect_dma source(%arg10 : memref<128x128xf32, #tpu.memory_space<vmem>>) target(%dma_start3A_389 : memref<5248x128xf32, #tpu.memory_space<vmem_shared>>) offsets(%dma_start3A_386 : memref<128xi32, #tpu.memory_space<vmem>>) semaphore(%run_scoped3A : memref<!tpu.dma_semaphore, #tpu.memory_space<semaphore_mem>>) {add = true}
        %dma_wait3A_390 = arith.constant 0 : i32
        %dma_wait3A_391 = tpu.memref_slice %arg8[%add3A_202, %dma_wait3A_390] : memref<158x128xi32, #tpu.memory_space<vmem>> -> memref<1x128xi32, #tpu.memory_space<vmem>>
        %dma_wait3A_392 = tpu.memref_squeeze %dma_wait3A_391 : memref<1x128xi32, #tpu.memory_space<vmem>> -> memref<128xi32, #tpu.memory_space<vmem>>
        %dma_wait3A_393 = arith.constant 0 : i32
        %dma_wait3A_394 = arith.constant 0 : i32
        %dma_wait3A_395 = tpu.memref_slice %arg11[%dma_wait3A_393, %dma_wait3A_394] : memref<5248x128xf32, #tpu.memory_space<vmem_shared>> -> memref<5248x128xf32, #tpu.memory_space<vmem_shared>>
        tpu.wait_indirect_dma semaphore(%run_scoped3A : memref<!tpu.dma_semaphore, #tpu.memory_space<semaphore_mem>>) src(%arg10 : memref<128x128xf32, #tpu.memory_space<vmem>>) dst(%dma_wait3A_395 : memref<5248x128xf32, #tpu.memory_space<vmem_shared>>)
        tpu.yield
      }) : () -> ()
      %add3A_377 = arith.constant 2 : i32
      %add3A_378 = arith.addi %add3A_202, %add3A_377 : i32
      %lt3A_379 = arith.constant 158 : i32
      %lt3A_380 = arith.cmpi slt, %add3A_378, %lt3A_379 : i32
      %convert_element_type3A_381 = arith.extui %lt3A_380 : i1 to i32
      %cond3A_382 = arith.constant 0 : i32
      %cond3A_383 = arith.cmpi ne, %convert_element_type3A_381, %cond3A_382 : i32
      scf.if %cond3A_383 {
        %add3A_384 = arith.constant 2 : i32
        %add3A_385 = arith.addi %add3A_202, %add3A_384 : i32
        %dma_start3A_386 = arith.constant 0 : i32
        %dma_start3A_387 = tpu.memref_slice %arg7[%add3A_385, %dma_start3A_386] : memref<158x128xi32, #tpu.memory_space<vmem>> -> memref<1x128xi32, #tpu.memory_space<vmem>>
        %dma_start3A_388 = tpu.memref_squeeze %dma_start3A_387 : memref<1x128xi32, #tpu.memory_space<vmem>> -> memref<128xi32, #tpu.memory_space<vmem>>
        %dma_start3A_389 = arith.constant 0 : i32
        %dma_start3A_390 = arith.constant 0 : i32
        %dma_start3A_391 = tpu.memref_slice %arg2[%dma_start3A_389, %dma_start3A_390] : memref<10000x128xf32, #tpu.memory_space<hbm>> -> memref<10000x128xf32, #tpu.memory_space<hbm>>
        tpu.enqueue_indirect_dma source(%dma_start3A_391 : memref<10000x128xf32, #tpu.memory_space<hbm>>) target(%arg10 : memref<128x128xf32, #tpu.memory_space<vmem>>) offsets(%dma_start3A_388 : memref<128xi32, #tpu.memory_space<vmem>>) semaphore(%arg13 : memref<!tpu.dma_semaphore, #tpu.memory_space<semaphore_mem>>)
      } else {
      }
    }
    %scan3A_22 = arith.constant 79 : i32
    %barrier3A_23 = arith.constant 0 : index
    tpu.barrier barrier_id(%barrier3A_23)
    %mul3A_24 = arith.constant 320 : i32
    %mul3A_25 = arith.muli %arg1, %mul3A_24 : i32
    %mul3A_26 = arith.constant 320 : i32
    %mul3A_27 = arith.muli %arg1, %mul3A_26 : i32
    "tpu.region"() ({
      %run_scoped3A = tpu.sem_alloc : memref<!tpu.dma_semaphore, #tpu.memory_space<semaphore_mem>>
      %dma_start3A_28 = arith.constant 0 : i32
      %dma_start3A_29 = tpu.memref_slice %arg6[%arg0, %mul3A_27, %dma_start3A_28] : memref<2x5120x128xf32, #tpu.memory_space<hbm>> -> memref<1x320x128xf32, #tpu.memory_space<hbm>>
      %dma_start3A_30 = tpu.memref_squeeze %dma_start3A_29 : memref<1x320x128xf32, #tpu.memory_space<hbm>> -> memref<320x128xf32, #tpu.memory_space<hbm>>
      %dma_start3A_31 = arith.constant 0 : i32
      %dma_start3A_32 = tpu.memref_slice %arg11[%mul3A_25, %dma_start3A_31] : memref<5248x128xf32, #tpu.memory_space<vmem_shared>> -> memref<320x128xf32, #tpu.memory_space<vmem_shared>>
      tpu.enqueue_dma source(%dma_start3A_32 : memref<320x128xf32, #tpu.memory_space<vmem_shared>>) target(%dma_start3A_30 : memref<320x128xf32, #tpu.memory_space<hbm>>) target_semaphore(%run_scoped3A : memref<!tpu.dma_semaphore, #tpu.memory_space<semaphore_mem>>)
      %dma_wait3A = arith.constant 0 : i32
      %dma_wait3A_33 = tpu.memref_slice %arg6[%arg0, %mul3A_27, %dma_wait3A] : memref<2x5120x128xf32, #tpu.memory_space<hbm>> -> memref<1x320x128xf32, #tpu.memory_space<hbm>>
      %dma_wait3A_34 = tpu.memref_squeeze %dma_wait3A_33 : memref<1x320x128xf32, #tpu.memory_space<hbm>> -> memref<320x128xf32, #tpu.memory_space<hbm>>
      %dma_wait3A_35 = arith.constant 0 : i32
      %dma_wait3A_36 = tpu.memref_slice %arg11[%mul3A_25, %dma_wait3A_35] : memref<5248x128xf32, #tpu.memory_space<vmem_shared>> -> memref<320x128xf32, #tpu.memory_space<vmem_shared>>
      tpu.wait_dma2 semaphore(%run_scoped3A : memref<!tpu.dma_semaphore, #tpu.memory_space<semaphore_mem>>) src(%dma_wait3A_36 : memref<320x128xf32, #tpu.memory_space<vmem_shared>>) dst(%dma_wait3A_34 : memref<320x128xf32, #tpu.memory_space<hbm>>)
      tpu.yield
    }) : () -> ()
    return
  }
}

#map = affine_map<(d0, d1) -> (0, 0)>
#map1 = affine_map<(d0, d1) -> (0, 0, 0)>
module attributes {stable_mosaic.version = 14 : i64} {
  func.func @agg(%arg0: i32, %arg1: i32, %arg2: memref<10000x128xf32, #tpu.memory_space<hbm>>, %arg3: memref<16x158x128xi32, #tpu.memory_space<hbm>>, %arg4: memref<16x158x128xi32, #tpu.memory_space<hbm>>, %arg5: memref<5248x128xf32, #tpu.memory_space<hbm>>, %arg6: memref<2x5120x128xf32, #tpu.memory_space<hbm>>, %arg7: memref<158x128xi32, #tpu.memory_space<vmem>>, %arg8: memref<158x128xi32, #tpu.memory_space<vmem>>, %arg9: memref<128x128xf32, #tpu.memory_space<vmem>>, %arg10: memref<128x128xf32, #tpu.memory_space<vmem>>, %arg11: memref<5248x128xf32, #tpu.memory_space<vmem_shared>>, %arg12: memref<!tpu.dma_semaphore, #tpu.memory_space<semaphore_mem>>, %arg13: memref<!tpu.dma_semaphore, #tpu.memory_space<semaphore_mem>>) attributes {dimension_semantics = [#tpu.dimension_semantics<core_parallel>, #tpu.dimension_semantics<subcore_parallel>], iteration_bounds = array<i64: 2, 16>, scalar_prefetch = 0 : i64, scratch_operands = 7 : i64, tpu.core_type = #tpu.core_type<sc_vector_subcore>, window_params = [{transform_indices = #map}, {transform_indices = #map1}, {transform_indices = #map1}, {transform_indices = #map}, {transform_indices = #map1}]} {
    %mul3A = arith.constant 5120 : i32
    %mul3A_0 = arith.muli %arg0, %mul3A : i32
    "tpu.region"() ({
      %run_scoped3A = tpu.sem_alloc : memref<!tpu.dma_semaphore, #tpu.memory_space<semaphore_mem>>
      %dma_start3A_28 = arith.constant 0 : i32
      %dma_start3A_29 = arith.constant 0 : i32
      %dma_start3A_30 = tpu.memref_slice %arg3[%arg1, %dma_start3A_28, %dma_start3A_29] : memref<16x158x128xi32, #tpu.memory_space<hbm>> -> memref<1x158x128xi32, #tpu.memory_space<hbm>>
      %dma_start3A_31 = tpu.memref_squeeze %dma_start3A_30 : memref<1x158x128xi32, #tpu.memory_space<hbm>> -> memref<158x128xi32, #tpu.memory_space<hbm>>
      %dma_start3A_32 = arith.constant 0 : i32
      %dma_start3A_33 = arith.constant 0 : i32
      %dma_start3A_34 = tpu.memref_slice %arg3[%arg1, %dma_start3A_32, %dma_start3A_33] : memref<16x158x128xi32, #tpu.memory_space<hbm>> -> memref<1x158x128xi32, #tpu.memory_space<hbm>>
      %dma_start3A_35 = tpu.memref_squeeze %dma_start3A_34 : memref<1x158x128xi32, #tpu.memory_space<hbm>> -> memref<158x128xi32, #tpu.memory_space<hbm>>
      tpu.enqueue_dma source(%dma_start3A_35 : memref<158x128xi32, #tpu.memory_space<hbm>>) target(%arg7 : memref<158x128xi32, #tpu.memory_space<vmem>>) target_semaphore(%run_scoped3A : memref<!tpu.dma_semaphore, #tpu.memory_space<semaphore_mem>>)
      %dma_wait3A = arith.constant 0 : i32
      %dma_wait3A_36 = arith.constant 0 : i32
      %dma_wait3A_37 = tpu.memref_slice %arg3[%arg1, %dma_wait3A, %dma_wait3A_36] : memref<16x158x128xi32, #tpu.memory_space<hbm>> -> memref<1x158x128xi32, #tpu.memory_space<hbm>>
      %dma_wait3A_38 = tpu.memref_squeeze %dma_wait3A_37 : memref<1x158x128xi32, #tpu.memory_space<hbm>> -> memref<158x128xi32, #tpu.memory_space<hbm>>
      %dma_wait3A_39 = arith.constant 0 : i32
      %dma_wait3A_40 = arith.constant 0 : i32
      %dma_wait3A_41 = tpu.memref_slice %arg3[%arg1, %dma_wait3A_39, %dma_wait3A_40] : memref<16x158x128xi32, #tpu.memory_space<hbm>> -> memref<1x158x128xi32, #tpu.memory_space<hbm>>
      %dma_wait3A_42 = tpu.memref_squeeze %dma_wait3A_41 : memref<1x158x128xi32, #tpu.memory_space<hbm>> -> memref<158x128xi32, #tpu.memory_space<hbm>>
      tpu.wait_dma2 semaphore(%run_scoped3A : memref<!tpu.dma_semaphore, #tpu.memory_space<semaphore_mem>>) src(%dma_wait3A_42 : memref<158x128xi32, #tpu.memory_space<hbm>>) dst(%arg7 : memref<158x128xi32, #tpu.memory_space<vmem>>)
      tpu.yield
    }) : () -> ()
    "tpu.region"() ({
      %run_scoped3A = tpu.sem_alloc : memref<!tpu.dma_semaphore, #tpu.memory_space<semaphore_mem>>
      %dma_start3A_28 = arith.constant 0 : i32
      %dma_start3A_29 = arith.constant 0 : i32
      %dma_start3A_30 = tpu.memref_slice %arg4[%arg1, %dma_start3A_28, %dma_start3A_29] : memref<16x158x128xi32, #tpu.memory_space<hbm>> -> memref<1x158x128xi32, #tpu.memory_space<hbm>>
      %dma_start3A_31 = tpu.memref_squeeze %dma_start3A_30 : memref<1x158x128xi32, #tpu.memory_space<hbm>> -> memref<158x128xi32, #tpu.memory_space<hbm>>
      %dma_start3A_32 = arith.constant 0 : i32
      %dma_start3A_33 = arith.constant 0 : i32
      %dma_start3A_34 = tpu.memref_slice %arg4[%arg1, %dma_start3A_32, %dma_start3A_33] : memref<16x158x128xi32, #tpu.memory_space<hbm>> -> memref<1x158x128xi32, #tpu.memory_space<hbm>>
      %dma_start3A_35 = tpu.memref_squeeze %dma_start3A_34 : memref<1x158x128xi32, #tpu.memory_space<hbm>> -> memref<158x128xi32, #tpu.memory_space<hbm>>
      tpu.enqueue_dma source(%dma_start3A_35 : memref<158x128xi32, #tpu.memory_space<hbm>>) target(%arg8 : memref<158x128xi32, #tpu.memory_space<vmem>>) target_semaphore(%run_scoped3A : memref<!tpu.dma_semaphore, #tpu.memory_space<semaphore_mem>>)
      %dma_wait3A = arith.constant 0 : i32
      %dma_wait3A_36 = arith.constant 0 : i32
      %dma_wait3A_37 = tpu.memref_slice %arg4[%arg1, %dma_wait3A, %dma_wait3A_36] : memref<16x158x128xi32, #tpu.memory_space<hbm>> -> memref<1x158x128xi32, #tpu.memory_space<hbm>>
      %dma_wait3A_38 = tpu.memref_squeeze %dma_wait3A_37 : memref<1x158x128xi32, #tpu.memory_space<hbm>> -> memref<158x128xi32, #tpu.memory_space<hbm>>
      %dma_wait3A_39 = arith.constant 0 : i32
      %dma_wait3A_40 = arith.constant 0 : i32
      %dma_wait3A_41 = tpu.memref_slice %arg4[%arg1, %dma_wait3A_39, %dma_wait3A_40] : memref<16x158x128xi32, #tpu.memory_space<hbm>> -> memref<1x158x128xi32, #tpu.memory_space<hbm>>
      %dma_wait3A_42 = tpu.memref_squeeze %dma_wait3A_41 : memref<1x158x128xi32, #tpu.memory_space<hbm>> -> memref<158x128xi32, #tpu.memory_space<hbm>>
      tpu.wait_dma2 semaphore(%run_scoped3A : memref<!tpu.dma_semaphore, #tpu.memory_space<semaphore_mem>>) src(%dma_wait3A_42 : memref<158x128xi32, #tpu.memory_space<hbm>>) dst(%arg8 : memref<158x128xi32, #tpu.memory_space<vmem>>)
      tpu.yield
    }) : () -> ()
    %mul3A_1 = arith.constant 328 : i32
    %mul3A_2 = arith.muli %arg1, %mul3A_1 : i32
    %mul3A_3 = arith.constant 328 : i32
    %mul3A_4 = arith.muli %arg1, %mul3A_3 : i32
    "tpu.region"() ({
      %run_scoped3A = tpu.sem_alloc : memref<!tpu.dma_semaphore, #tpu.memory_space<semaphore_mem>>
      %dma_start3A_28 = arith.constant 0 : i32
      %dma_start3A_29 = tpu.memref_slice %arg11[%mul3A_4, %dma_start3A_28] : memref<5248x128xf32, #tpu.memory_space<vmem_shared>> -> memref<328x128xf32, #tpu.memory_space<vmem_shared>>
      %dma_start3A_30 = arith.constant 0 : i32
      %dma_start3A_31 = tpu.memref_slice %arg5[%mul3A_2, %dma_start3A_30] : memref<5248x128xf32, #tpu.memory_space<hbm>> -> memref<328x128xf32, #tpu.memory_space<hbm>>
      tpu.enqueue_dma source(%dma_start3A_31 : memref<328x128xf32, #tpu.memory_space<hbm>>) target(%dma_start3A_29 : memref<328x128xf32, #tpu.memory_space<vmem_shared>>) target_semaphore(%run_scoped3A : memref<!tpu.dma_semaphore, #tpu.memory_space<semaphore_mem>>)
      %dma_wait3A = arith.constant 0 : i32
      %dma_wait3A_32 = tpu.memref_slice %arg11[%mul3A_4, %dma_wait3A] : memref<5248x128xf32, #tpu.memory_space<vmem_shared>> -> memref<328x128xf32, #tpu.memory_space<vmem_shared>>
      %dma_wait3A_33 = arith.constant 0 : i32
      %dma_wait3A_34 = tpu.memref_slice %arg5[%mul3A_2, %dma_wait3A_33] : memref<5248x128xf32, #tpu.memory_space<hbm>> -> memref<328x128xf32, #tpu.memory_space<hbm>>
      tpu.wait_dma2 semaphore(%run_scoped3A : memref<!tpu.dma_semaphore, #tpu.memory_space<semaphore_mem>>) src(%dma_wait3A_34 : memref<328x128xf32, #tpu.memory_space<hbm>>) dst(%dma_wait3A_32 : memref<328x128xf32, #tpu.memory_space<vmem_shared>>)
      tpu.yield
    }) : () -> ()
    %barrier3A = arith.constant 0 : index
    tpu.barrier barrier_id(%barrier3A)
    %dma_start3A = arith.constant 0 : i32
    %dma_start3A_5 = arith.constant 0 : i32
    %dma_start3A_6 = tpu.memref_slice %arg7[%dma_start3A, %dma_start3A_5] : memref<158x128xi32, #tpu.memory_space<vmem>> -> memref<1x128xi32, #tpu.memory_space<vmem>>
    %dma_start3A_7 = tpu.memref_squeeze %dma_start3A_6 : memref<1x128xi32, #tpu.memory_space<vmem>> -> memref<128xi32, #tpu.memory_space<vmem>>
    %dma_start3A_8 = arith.constant 0 : i32
    %dma_start3A_9 = arith.constant 0 : i32
    %dma_start3A_10 = tpu.memref_slice %arg2[%dma_start3A_8, %dma_start3A_9] : memref<10000x128xf32, #tpu.memory_space<hbm>> -> memref<10000x128xf32, #tpu.memory_space<hbm>>
    tpu.enqueue_indirect_dma source(%dma_start3A_10 : memref<10000x128xf32, #tpu.memory_space<hbm>>) target(%arg9 : memref<128x128xf32, #tpu.memory_space<vmem>>) offsets(%dma_start3A_7 : memref<128xi32, #tpu.memory_space<vmem>>) semaphore(%arg12 : memref<!tpu.dma_semaphore, #tpu.memory_space<semaphore_mem>>)
    %dma_start3A_11 = arith.constant 1 : i32
    %dma_start3A_12 = arith.constant 0 : i32
    %dma_start3A_13 = tpu.memref_slice %arg7[%dma_start3A_11, %dma_start3A_12] : memref<158x128xi32, #tpu.memory_space<vmem>> -> memref<1x128xi32, #tpu.memory_space<vmem>>
    %dma_start3A_14 = tpu.memref_squeeze %dma_start3A_13 : memref<1x128xi32, #tpu.memory_space<vmem>> -> memref<128xi32, #tpu.memory_space<vmem>>
    %dma_start3A_15 = arith.constant 0 : i32
    %dma_start3A_16 = arith.constant 0 : i32
    %dma_start3A_17 = tpu.memref_slice %arg2[%dma_start3A_15, %dma_start3A_16] : memref<10000x128xf32, #tpu.memory_space<hbm>> -> memref<10000x128xf32, #tpu.memory_space<hbm>>
    tpu.enqueue_indirect_dma source(%dma_start3A_17 : memref<10000x128xf32, #tpu.memory_space<hbm>>) target(%arg10 : memref<128x128xf32, #tpu.memory_space<vmem>>) offsets(%dma_start3A_14 : memref<128xi32, #tpu.memory_space<vmem>>) semaphore(%arg13 : memref<!tpu.dma_semaphore, #tpu.memory_space<semaphore_mem>>)
    %scan3A = arith.constant 0 : i32
    %scan3A_18 = arith.constant 0 : i32
    %scan3A_19 = arith.constant 79 : i32
    %scan3A_20 = arith.addi %scan3A_18, %scan3A_19 : i32
    %scan3A_21 = arith.constant 1 : i32
    scf.for %scan3A_28 = %scan3A_18 to %scan3A_20 step %scan3A_21  : i32 {
      %mul3A_29 = arith.constant 2 : i32
      %mul3A_30 = arith.muli %scan3A_28, %mul3A_29 : i32
      %add3A = arith.constant 0 : i32
      %add3A_31 = arith.addi %mul3A_30, %add3A : i32
      %dma_wait3A = arith.constant 0 : i32
      %dma_wait3A_32 = tpu.memref_slice %arg7[%add3A_31, %dma_wait3A] : memref<158x128xi32, #tpu.memory_space<vmem>> -> memref<1x128xi32, #tpu.memory_space<vmem>>
      %dma_wait3A_33 = tpu.memref_squeeze %dma_wait3A_32 : memref<1x128xi32, #tpu.memory_space<vmem>> -> memref<128xi32, #tpu.memory_space<vmem>>
      %dma_wait3A_34 = arith.constant 0 : i32
      %dma_wait3A_35 = arith.constant 0 : i32
      %dma_wait3A_36 = tpu.memref_slice %arg2[%dma_wait3A_34, %dma_wait3A_35] : memref<10000x128xf32, #tpu.memory_space<hbm>> -> memref<10000x128xf32, #tpu.memory_space<hbm>>
      tpu.wait_indirect_dma semaphore(%arg12 : memref<!tpu.dma_semaphore, #tpu.memory_space<semaphore_mem>>) src(%dma_wait3A_36 : memref<10000x128xf32, #tpu.memory_space<hbm>>) dst(%arg9 : memref<128x128xf32, #tpu.memory_space<vmem>>)
      %get3A = arith.index_cast %add3A_31 : i32 to index
      %get3A_37 = arith.constant 0 : index
      %get3A_38 = tpu.vector_load %arg8[%get3A, %get3A_37] {strides = array<i32>} : memref<158x128xi32, #tpu.memory_space<vmem>>, vector<1x16xi32>,
      %get3A_39 = vector.shape_cast %get3A_38 : vector<1x16xi32> to vector<16xi32>
      %sub3A = vector.broadcast %mul3A_0 : i32 to vector<16xi32>
      %sub3A_40 = arith.subi %get3A_39, %sub3A : vector<16xi32>
      %ge3A = arith.constant 0 : i32
      %ge3A_41 = vector.broadcast %ge3A : i32 to vector<16xi32>
      %ge3A_42 = arith.cmpi sge, %sub3A_40, %ge3A_41 : vector<16xi32>
      %lt3A = arith.constant 5120 : i32
      %lt3A_43 = vector.broadcast %lt3A : i32 to vector<16xi32>
      %lt3A_44 = arith.cmpi slt, %sub3A_40, %lt3A_43 : vector<16xi32>
      %and3A = arith.andi %ge3A_42, %lt3A_44 : vector<16xi1>
      %jit3A = arith.constant 5120 : i32
      %broadcast_in_dim3A = vector.broadcast %jit3A : i32 to vector<16xi32>
      %select_n3A = arith.select %and3A, %sub3A_40, %broadcast_in_dim3A : vector<16xi1>, vector<16xi32>
      %swap3A = arith.index_cast %add3A_31 : i32 to index
      %swap3A_45 = arith.constant 0 : index
      %swap3A_46 = tpu.vector_load %arg8[%swap3A, %swap3A_45] {strides = array<i32>} : memref<158x128xi32, #tpu.memory_space<vmem>>, vector<1x16xi32>,
      %swap3A_47 = vector.shape_cast %swap3A_46 : vector<1x16xi32> to vector<16xi32>
      %swap3A_48 = vector.shape_cast %select_n3A : vector<16xi32> to vector<1x16xi32>
      tpu.vector_store %arg8[%swap3A, %swap3A_45], %swap3A_48 {strides = array<i32>} : memref<158x128xi32, #tpu.memory_space<vmem>>, vector<1x16xi32>,
      %get3A_49 = arith.index_cast %add3A_31 : i32 to index
      %get3A_50 = arith.constant 16 : index
      %get3A_51 = tpu.vector_load %arg8[%get3A_49, %get3A_50] {strides = array<i32>} : memref<158x128xi32, #tpu.memory_space<vmem>>, vector<1x16xi32>,
      %get3A_52 = vector.shape_cast %get3A_51 : vector<1x16xi32> to vector<16xi32>
      %sub3A_53 = vector.broadcast %mul3A_0 : i32 to vector<16xi32>
      %sub3A_54 = arith.subi %get3A_52, %sub3A_53 : vector<16xi32>
      %ge3A_55 = arith.constant 0 : i32
      %ge3A_56 = vector.broadcast %ge3A_55 : i32 to vector<16xi32>
      %ge3A_57 = arith.cmpi sge, %sub3A_54, %ge3A_56 : vector<16xi32>
      %lt3A_58 = arith.constant 5120 : i32
      %lt3A_59 = vector.broadcast %lt3A_58 : i32 to vector<16xi32>
      %lt3A_60 = arith.cmpi slt, %sub3A_54, %lt3A_59 : vector<16xi32>
      %and3A_61 = arith.andi %ge3A_57, %lt3A_60 : vector<16xi1>
      %jit3A_62 = arith.constant 5120 : i32
      %broadcast_in_dim3A_63 = vector.broadcast %jit3A_62 : i32 to vector<16xi32>
      %select_n3A_64 = arith.select %and3A_61, %sub3A_54, %broadcast_in_dim3A_63 : vector<16xi1>, vector<16xi32>
      %swap3A_65 = arith.index_cast %add3A_31 : i32 to index
      %swap3A_66 = arith.constant 16 : index
      %swap3A_67 = tpu.vector_load %arg8[%swap3A_65, %swap3A_66] {strides = array<i32>} : memref<158x128xi32, #tpu.memory_space<vmem>>, vector<1x16xi32>,
      %swap3A_68 = vector.shape_cast %swap3A_67 : vector<1x16xi32> to vector<16xi32>
      %swap3A_69 = vector.shape_cast %select_n3A_64 : vector<16xi32> to vector<1x16xi32>
      tpu.vector_store %arg8[%swap3A_65, %swap3A_66], %swap3A_69 {strides = array<i32>} : memref<158x128xi32, #tpu.memory_space<vmem>>, vector<1x16xi32>,
      %get3A_70 = arith.index_cast %add3A_31 : i32 to index
      %get3A_71 = arith.constant 32 : index
      %get3A_72 = tpu.vector_load %arg8[%get3A_70, %get3A_71] {strides = array<i32>} : memref<158x128xi32, #tpu.memory_space<vmem>>, vector<1x16xi32>,
      %get3A_73 = vector.shape_cast %get3A_72 : vector<1x16xi32> to vector<16xi32>
      %sub3A_74 = vector.broadcast %mul3A_0 : i32 to vector<16xi32>
      %sub3A_75 = arith.subi %get3A_73, %sub3A_74 : vector<16xi32>
      %ge3A_76 = arith.constant 0 : i32
      %ge3A_77 = vector.broadcast %ge3A_76 : i32 to vector<16xi32>
      %ge3A_78 = arith.cmpi sge, %sub3A_75, %ge3A_77 : vector<16xi32>
      %lt3A_79 = arith.constant 5120 : i32
      %lt3A_80 = vector.broadcast %lt3A_79 : i32 to vector<16xi32>
      %lt3A_81 = arith.cmpi slt, %sub3A_75, %lt3A_80 : vector<16xi32>
      %and3A_82 = arith.andi %ge3A_78, %lt3A_81 : vector<16xi1>
      %jit3A_83 = arith.constant 5120 : i32
      %broadcast_in_dim3A_84 = vector.broadcast %jit3A_83 : i32 to vector<16xi32>
      %select_n3A_85 = arith.select %and3A_82, %sub3A_75, %broadcast_in_dim3A_84 : vector<16xi1>, vector<16xi32>
      %swap3A_86 = arith.index_cast %add3A_31 : i32 to index
      %swap3A_87 = arith.constant 32 : index
      %swap3A_88 = tpu.vector_load %arg8[%swap3A_86, %swap3A_87] {strides = array<i32>} : memref<158x128xi32, #tpu.memory_space<vmem>>, vector<1x16xi32>,
      %swap3A_89 = vector.shape_cast %swap3A_88 : vector<1x16xi32> to vector<16xi32>
      %swap3A_90 = vector.shape_cast %select_n3A_85 : vector<16xi32> to vector<1x16xi32>
      tpu.vector_store %arg8[%swap3A_86, %swap3A_87], %swap3A_90 {strides = array<i32>} : memref<158x128xi32, #tpu.memory_space<vmem>>, vector<1x16xi32>,
      %get3A_91 = arith.index_cast %add3A_31 : i32 to index
      %get3A_92 = arith.constant 48 : index
      %get3A_93 = tpu.vector_load %arg8[%get3A_91, %get3A_92] {strides = array<i32>} : memref<158x128xi32, #tpu.memory_space<vmem>>, vector<1x16xi32>,
      %get3A_94 = vector.shape_cast %get3A_93 : vector<1x16xi32> to vector<16xi32>
      %sub3A_95 = vector.broadcast %mul3A_0 : i32 to vector<16xi32>
      %sub3A_96 = arith.subi %get3A_94, %sub3A_95 : vector<16xi32>
      %ge3A_97 = arith.constant 0 : i32
      %ge3A_98 = vector.broadcast %ge3A_97 : i32 to vector<16xi32>
      %ge3A_99 = arith.cmpi sge, %sub3A_96, %ge3A_98 : vector<16xi32>
      %lt3A_100 = arith.constant 5120 : i32
      %lt3A_101 = vector.broadcast %lt3A_100 : i32 to vector<16xi32>
      %lt3A_102 = arith.cmpi slt, %sub3A_96, %lt3A_101 : vector<16xi32>
      %and3A_103 = arith.andi %ge3A_99, %lt3A_102 : vector<16xi1>
      %jit3A_104 = arith.constant 5120 : i32
      %broadcast_in_dim3A_105 = vector.broadcast %jit3A_104 : i32 to vector<16xi32>
      %select_n3A_106 = arith.select %and3A_103, %sub3A_96, %broadcast_in_dim3A_105 : vector<16xi1>, vector<16xi32>
      %swap3A_107 = arith.index_cast %add3A_31 : i32 to index
      %swap3A_108 = arith.constant 48 : index
      %swap3A_109 = tpu.vector_load %arg8[%swap3A_107, %swap3A_108] {strides = array<i32>} : memref<158x128xi32, #tpu.memory_space<vmem>>, vector<1x16xi32>,
      %swap3A_110 = vector.shape_cast %swap3A_109 : vector<1x16xi32> to vector<16xi32>
      %swap3A_111 = vector.shape_cast %select_n3A_106 : vector<16xi32> to vector<1x16xi32>
      tpu.vector_store %arg8[%swap3A_107, %swap3A_108], %swap3A_111 {strides = array<i32>} : memref<158x128xi32, #tpu.memory_space<vmem>>, vector<1x16xi32>,
      %get3A_112 = arith.index_cast %add3A_31 : i32 to index
      %get3A_113 = arith.constant 64 : index
      %get3A_114 = tpu.vector_load %arg8[%get3A_112, %get3A_113] {strides = array<i32>} : memref<158x128xi32, #tpu.memory_space<vmem>>, vector<1x16xi32>,
      %get3A_115 = vector.shape_cast %get3A_114 : vector<1x16xi32> to vector<16xi32>
      %sub3A_116 = vector.broadcast %mul3A_0 : i32 to vector<16xi32>
      %sub3A_117 = arith.subi %get3A_115, %sub3A_116 : vector<16xi32>
      %ge3A_118 = arith.constant 0 : i32
      %ge3A_119 = vector.broadcast %ge3A_118 : i32 to vector<16xi32>
      %ge3A_120 = arith.cmpi sge, %sub3A_117, %ge3A_119 : vector<16xi32>
      %lt3A_121 = arith.constant 5120 : i32
      %lt3A_122 = vector.broadcast %lt3A_121 : i32 to vector<16xi32>
      %lt3A_123 = arith.cmpi slt, %sub3A_117, %lt3A_122 : vector<16xi32>
      %and3A_124 = arith.andi %ge3A_120, %lt3A_123 : vector<16xi1>
      %jit3A_125 = arith.constant 5120 : i32
      %broadcast_in_dim3A_126 = vector.broadcast %jit3A_125 : i32 to vector<16xi32>
      %select_n3A_127 = arith.select %and3A_124, %sub3A_117, %broadcast_in_dim3A_126 : vector<16xi1>, vector<16xi32>
      %swap3A_128 = arith.index_cast %add3A_31 : i32 to index
      %swap3A_129 = arith.constant 64 : index
      %swap3A_130 = tpu.vector_load %arg8[%swap3A_128, %swap3A_129] {strides = array<i32>} : memref<158x128xi32, #tpu.memory_space<vmem>>, vector<1x16xi32>,
      %swap3A_131 = vector.shape_cast %swap3A_130 : vector<1x16xi32> to vector<16xi32>
      %swap3A_132 = vector.shape_cast %select_n3A_127 : vector<16xi32> to vector<1x16xi32>
      tpu.vector_store %arg8[%swap3A_128, %swap3A_129], %swap3A_132 {strides = array<i32>} : memref<158x128xi32, #tpu.memory_space<vmem>>, vector<1x16xi32>,
      %get3A_133 = arith.index_cast %add3A_31 : i32 to index
      %get3A_134 = arith.constant 80 : index
      %get3A_135 = tpu.vector_load %arg8[%get3A_133, %get3A_134] {strides = array<i32>} : memref<158x128xi32, #tpu.memory_space<vmem>>, vector<1x16xi32>,
      %get3A_136 = vector.shape_cast %get3A_135 : vector<1x16xi32> to vector<16xi32>
      %sub3A_137 = vector.broadcast %mul3A_0 : i32 to vector<16xi32>
      %sub3A_138 = arith.subi %get3A_136, %sub3A_137 : vector<16xi32>
      %ge3A_139 = arith.constant 0 : i32
      %ge3A_140 = vector.broadcast %ge3A_139 : i32 to vector<16xi32>
      %ge3A_141 = arith.cmpi sge, %sub3A_138, %ge3A_140 : vector<16xi32>
      %lt3A_142 = arith.constant 5120 : i32
      %lt3A_143 = vector.broadcast %lt3A_142 : i32 to vector<16xi32>
      %lt3A_144 = arith.cmpi slt, %sub3A_138, %lt3A_143 : vector<16xi32>
      %and3A_145 = arith.andi %ge3A_141, %lt3A_144 : vector<16xi1>
      %jit3A_146 = arith.constant 5120 : i32
      %broadcast_in_dim3A_147 = vector.broadcast %jit3A_146 : i32 to vector<16xi32>
      %select_n3A_148 = arith.select %and3A_145, %sub3A_138, %broadcast_in_dim3A_147 : vector<16xi1>, vector<16xi32>
      %swap3A_149 = arith.index_cast %add3A_31 : i32 to index
      %swap3A_150 = arith.constant 80 : index
      %swap3A_151 = tpu.vector_load %arg8[%swap3A_149, %swap3A_150] {strides = array<i32>} : memref<158x128xi32, #tpu.memory_space<vmem>>, vector<1x16xi32>,
      %swap3A_152 = vector.shape_cast %swap3A_151 : vector<1x16xi32> to vector<16xi32>
      %swap3A_153 = vector.shape_cast %select_n3A_148 : vector<16xi32> to vector<1x16xi32>
      tpu.vector_store %arg8[%swap3A_149, %swap3A_150], %swap3A_153 {strides = array<i32>} : memref<158x128xi32, #tpu.memory_space<vmem>>, vector<1x16xi32>,
      %get3A_154 = arith.index_cast %add3A_31 : i32 to index
      %get3A_155 = arith.constant 96 : index
      %get3A_156 = tpu.vector_load %arg8[%get3A_154, %get3A_155] {strides = array<i32>} : memref<158x128xi32, #tpu.memory_space<vmem>>, vector<1x16xi32>,
      %get3A_157 = vector.shape_cast %get3A_156 : vector<1x16xi32> to vector<16xi32>
      %sub3A_158 = vector.broadcast %mul3A_0 : i32 to vector<16xi32>
      %sub3A_159 = arith.subi %get3A_157, %sub3A_158 : vector<16xi32>
      %ge3A_160 = arith.constant 0 : i32
      %ge3A_161 = vector.broadcast %ge3A_160 : i32 to vector<16xi32>
      %ge3A_162 = arith.cmpi sge, %sub3A_159, %ge3A_161 : vector<16xi32>
      %lt3A_163 = arith.constant 5120 : i32
      %lt3A_164 = vector.broadcast %lt3A_163 : i32 to vector<16xi32>
      %lt3A_165 = arith.cmpi slt, %sub3A_159, %lt3A_164 : vector<16xi32>
      %and3A_166 = arith.andi %ge3A_162, %lt3A_165 : vector<16xi1>
      %jit3A_167 = arith.constant 5120 : i32
      %broadcast_in_dim3A_168 = vector.broadcast %jit3A_167 : i32 to vector<16xi32>
      %select_n3A_169 = arith.select %and3A_166, %sub3A_159, %broadcast_in_dim3A_168 : vector<16xi1>, vector<16xi32>
      %swap3A_170 = arith.index_cast %add3A_31 : i32 to index
      %swap3A_171 = arith.constant 96 : index
      %swap3A_172 = tpu.vector_load %arg8[%swap3A_170, %swap3A_171] {strides = array<i32>} : memref<158x128xi32, #tpu.memory_space<vmem>>, vector<1x16xi32>,
      %swap3A_173 = vector.shape_cast %swap3A_172 : vector<1x16xi32> to vector<16xi32>
      %swap3A_174 = vector.shape_cast %select_n3A_169 : vector<16xi32> to vector<1x16xi32>
      tpu.vector_store %arg8[%swap3A_170, %swap3A_171], %swap3A_174 {strides = array<i32>} : memref<158x128xi32, #tpu.memory_space<vmem>>, vector<1x16xi32>,
      %get3A_175 = arith.index_cast %add3A_31 : i32 to index
      %get3A_176 = arith.constant 112 : index
      %get3A_177 = tpu.vector_load %arg8[%get3A_175, %get3A_176] {strides = array<i32>} : memref<158x128xi32, #tpu.memory_space<vmem>>, vector<1x16xi32>,
      %get3A_178 = vector.shape_cast %get3A_177 : vector<1x16xi32> to vector<16xi32>
      %sub3A_179 = vector.broadcast %mul3A_0 : i32 to vector<16xi32>
      %sub3A_180 = arith.subi %get3A_178, %sub3A_179 : vector<16xi32>
      %ge3A_181 = arith.constant 0 : i32
      %ge3A_182 = vector.broadcast %ge3A_181 : i32 to vector<16xi32>
      %ge3A_183 = arith.cmpi sge, %sub3A_180, %ge3A_182 : vector<16xi32>
      %lt3A_184 = arith.constant 5120 : i32
      %lt3A_185 = vector.broadcast %lt3A_184 : i32 to vector<16xi32>
      %lt3A_186 = arith.cmpi slt, %sub3A_180, %lt3A_185 : vector<16xi32>
      %and3A_187 = arith.andi %ge3A_183, %lt3A_186 : vector<16xi1>
      %jit3A_188 = arith.constant 5120 : i32
      %broadcast_in_dim3A_189 = vector.broadcast %jit3A_188 : i32 to vector<16xi32>
      %select_n3A_190 = arith.select %and3A_187, %sub3A_180, %broadcast_in_dim3A_189 : vector<16xi1>, vector<16xi32>
      %swap3A_191 = arith.index_cast %add3A_31 : i32 to index
      %swap3A_192 = arith.constant 112 : index
      %swap3A_193 = tpu.vector_load %arg8[%swap3A_191, %swap3A_192] {strides = array<i32>} : memref<158x128xi32, #tpu.memory_space<vmem>>, vector<1x16xi32>,
      %swap3A_194 = vector.shape_cast %swap3A_193 : vector<1x16xi32> to vector<16xi32>
      %swap3A_195 = vector.shape_cast %select_n3A_190 : vector<16xi32> to vector<1x16xi32>
      tpu.vector_store %arg8[%swap3A_191, %swap3A_192], %swap3A_195 {strides = array<i32>} : memref<158x128xi32, #tpu.memory_space<vmem>>, vector<1x16xi32>,
      "tpu.region"() ({
        %run_scoped3A = tpu.sem_alloc : memref<!tpu.dma_semaphore, #tpu.memory_space<semaphore_mem>>
        %dma_start3A_384 = arith.constant 0 : i32
        %dma_start3A_385 = tpu.memref_slice %arg8[%add3A_31, %dma_start3A_384] : memref<158x128xi32, #tpu.memory_space<vmem>> -> memref<1x128xi32, #tpu.memory_space<vmem>>
        %dma_start3A_386 = tpu.memref_squeeze %dma_start3A_385 : memref<1x128xi32, #tpu.memory_space<vmem>> -> memref<128xi32, #tpu.memory_space<vmem>>
        %dma_start3A_387 = arith.constant 0 : i32
        %dma_start3A_388 = arith.constant 0 : i32
        %dma_start3A_389 = tpu.memref_slice %arg11[%dma_start3A_387, %dma_start3A_388] : memref<5248x128xf32, #tpu.memory_space<vmem_shared>> -> memref<5248x128xf32, #tpu.memory_space<vmem_shared>>
        tpu.enqueue_indirect_dma source(%arg9 : memref<128x128xf32, #tpu.memory_space<vmem>>) target(%dma_start3A_389 : memref<5248x128xf32, #tpu.memory_space<vmem_shared>>) offsets(%dma_start3A_386 : memref<128xi32, #tpu.memory_space<vmem>>) semaphore(%run_scoped3A : memref<!tpu.dma_semaphore, #tpu.memory_space<semaphore_mem>>) {add = true}
        %dma_wait3A_390 = arith.constant 0 : i32
        %dma_wait3A_391 = tpu.memref_slice %arg8[%add3A_31, %dma_wait3A_390] : memref<158x128xi32, #tpu.memory_space<vmem>> -> memref<1x128xi32, #tpu.memory_space<vmem>>
        %dma_wait3A_392 = tpu.memref_squeeze %dma_wait3A_391 : memref<1x128xi32, #tpu.memory_space<vmem>> -> memref<128xi32, #tpu.memory_space<vmem>>
        %dma_wait3A_393 = arith.constant 0 : i32
        %dma_wait3A_394 = arith.constant 0 : i32
        %dma_wait3A_395 = tpu.memref_slice %arg11[%dma_wait3A_393, %dma_wait3A_394] : memref<5248x128xf32, #tpu.memory_space<vmem_shared>> -> memref<5248x128xf32, #tpu.memory_space<vmem_shared>>
        tpu.wait_indirect_dma semaphore(%run_scoped3A : memref<!tpu.dma_semaphore, #tpu.memory_space<semaphore_mem>>) src(%arg9 : memref<128x128xf32, #tpu.memory_space<vmem>>) dst(%dma_wait3A_395 : memref<5248x128xf32, #tpu.memory_space<vmem_shared>>)
        tpu.yield
      }) : () -> ()
      %add3A_196 = arith.constant 2 : i32
      %add3A_197 = arith.addi %add3A_31, %add3A_196 : i32
      %lt3A_198 = arith.constant 158 : i32
      %lt3A_199 = arith.cmpi slt, %add3A_197, %lt3A_198 : i32
      %convert_element_type3A = arith.extui %lt3A_199 : i1 to i32
      %cond3A = arith.constant 0 : i32
      %cond3A_200 = arith.cmpi ne, %convert_element_type3A, %cond3A : i32
      scf.if %cond3A_200 {
        %add3A_384 = arith.constant 2 : i32
        %add3A_385 = arith.addi %add3A_31, %add3A_384 : i32
        %dma_start3A_386 = arith.constant 0 : i32
        %dma_start3A_387 = tpu.memref_slice %arg7[%add3A_385, %dma_start3A_386] : memref<158x128xi32, #tpu.memory_space<vmem>> -> memref<1x128xi32, #tpu.memory_space<vmem>>
        %dma_start3A_388 = tpu.memref_squeeze %dma_start3A_387 : memref<1x128xi32, #tpu.memory_space<vmem>> -> memref<128xi32, #tpu.memory_space<vmem>>
        %dma_start3A_389 = arith.constant 0 : i32
        %dma_start3A_390 = arith.constant 0 : i32
        %dma_start3A_391 = tpu.memref_slice %arg2[%dma_start3A_389, %dma_start3A_390] : memref<10000x128xf32, #tpu.memory_space<hbm>> -> memref<10000x128xf32, #tpu.memory_space<hbm>>
        tpu.enqueue_indirect_dma source(%dma_start3A_391 : memref<10000x128xf32, #tpu.memory_space<hbm>>) target(%arg9 : memref<128x128xf32, #tpu.memory_space<vmem>>) offsets(%dma_start3A_388 : memref<128xi32, #tpu.memory_space<vmem>>) semaphore(%arg12 : memref<!tpu.dma_semaphore, #tpu.memory_space<semaphore_mem>>)
      } else {
      }
      %add3A_201 = arith.constant 1 : i32
      %add3A_202 = arith.addi %mul3A_30, %add3A_201 : i32
      %dma_wait3A_203 = arith.constant 0 : i32
      %dma_wait3A_204 = tpu.memref_slice %arg7[%add3A_202, %dma_wait3A_203] : memref<158x128xi32, #tpu.memory_space<vmem>> -> memref<1x128xi32, #tpu.memory_space<vmem>>
      %dma_wait3A_205 = tpu.memref_squeeze %dma_wait3A_204 : memref<1x128xi32, #tpu.memory_space<vmem>> -> memref<128xi32, #tpu.memory_space<vmem>>
      %dma_wait3A_206 = arith.constant 0 : i32
      %dma_wait3A_207 = arith.constant 0 : i32
      %dma_wait3A_208 = tpu.memref_slice %arg2[%dma_wait3A_206, %dma_wait3A_207] : memref<10000x128xf32, #tpu.memory_space<hbm>> -> memref<10000x128xf32, #tpu.memory_space<hbm>>
      tpu.wait_indirect_dma semaphore(%arg13 : memref<!tpu.dma_semaphore, #tpu.memory_space<semaphore_mem>>) src(%dma_wait3A_208 : memref<10000x128xf32, #tpu.memory_space<hbm>>) dst(%arg10 : memref<128x128xf32, #tpu.memory_space<vmem>>)
      %get3A_209 = arith.index_cast %add3A_202 : i32 to index
      %get3A_210 = arith.constant 0 : index
      %get3A_211 = tpu.vector_load %arg8[%get3A_209, %get3A_210] {strides = array<i32>} : memref<158x128xi32, #tpu.memory_space<vmem>>, vector<1x16xi32>,
      %get3A_212 = vector.shape_cast %get3A_211 : vector<1x16xi32> to vector<16xi32>
      %sub3A_213 = vector.broadcast %mul3A_0 : i32 to vector<16xi32>
      %sub3A_214 = arith.subi %get3A_212, %sub3A_213 : vector<16xi32>
      %ge3A_215 = arith.constant 0 : i32
      %ge3A_216 = vector.broadcast %ge3A_215 : i32 to vector<16xi32>
      %ge3A_217 = arith.cmpi sge, %sub3A_214, %ge3A_216 : vector<16xi32>
      %lt3A_218 = arith.constant 5120 : i32
      %lt3A_219 = vector.broadcast %lt3A_218 : i32 to vector<16xi32>
      %lt3A_220 = arith.cmpi slt, %sub3A_214, %lt3A_219 : vector<16xi32>
      %and3A_221 = arith.andi %ge3A_217, %lt3A_220 : vector<16xi1>
      %jit3A_222 = arith.constant 5120 : i32
      %broadcast_in_dim3A_223 = vector.broadcast %jit3A_222 : i32 to vector<16xi32>
      %select_n3A_224 = arith.select %and3A_221, %sub3A_214, %broadcast_in_dim3A_223 : vector<16xi1>, vector<16xi32>
      %swap3A_225 = arith.index_cast %add3A_202 : i32 to index
      %swap3A_226 = arith.constant 0 : index
      %swap3A_227 = tpu.vector_load %arg8[%swap3A_225, %swap3A_226] {strides = array<i32>} : memref<158x128xi32, #tpu.memory_space<vmem>>, vector<1x16xi32>,
      %swap3A_228 = vector.shape_cast %swap3A_227 : vector<1x16xi32> to vector<16xi32>
      %swap3A_229 = vector.shape_cast %select_n3A_224 : vector<16xi32> to vector<1x16xi32>
      tpu.vector_store %arg8[%swap3A_225, %swap3A_226], %swap3A_229 {strides = array<i32>} : memref<158x128xi32, #tpu.memory_space<vmem>>, vector<1x16xi32>,
      %get3A_230 = arith.index_cast %add3A_202 : i32 to index
      %get3A_231 = arith.constant 16 : index
      %get3A_232 = tpu.vector_load %arg8[%get3A_230, %get3A_231] {strides = array<i32>} : memref<158x128xi32, #tpu.memory_space<vmem>>, vector<1x16xi32>,
      %get3A_233 = vector.shape_cast %get3A_232 : vector<1x16xi32> to vector<16xi32>
      %sub3A_234 = vector.broadcast %mul3A_0 : i32 to vector<16xi32>
      %sub3A_235 = arith.subi %get3A_233, %sub3A_234 : vector<16xi32>
      %ge3A_236 = arith.constant 0 : i32
      %ge3A_237 = vector.broadcast %ge3A_236 : i32 to vector<16xi32>
      %ge3A_238 = arith.cmpi sge, %sub3A_235, %ge3A_237 : vector<16xi32>
      %lt3A_239 = arith.constant 5120 : i32
      %lt3A_240 = vector.broadcast %lt3A_239 : i32 to vector<16xi32>
      %lt3A_241 = arith.cmpi slt, %sub3A_235, %lt3A_240 : vector<16xi32>
      %and3A_242 = arith.andi %ge3A_238, %lt3A_241 : vector<16xi1>
      %jit3A_243 = arith.constant 5120 : i32
      %broadcast_in_dim3A_244 = vector.broadcast %jit3A_243 : i32 to vector<16xi32>
      %select_n3A_245 = arith.select %and3A_242, %sub3A_235, %broadcast_in_dim3A_244 : vector<16xi1>, vector<16xi32>
      %swap3A_246 = arith.index_cast %add3A_202 : i32 to index
      %swap3A_247 = arith.constant 16 : index
      %swap3A_248 = tpu.vector_load %arg8[%swap3A_246, %swap3A_247] {strides = array<i32>} : memref<158x128xi32, #tpu.memory_space<vmem>>, vector<1x16xi32>,
      %swap3A_249 = vector.shape_cast %swap3A_248 : vector<1x16xi32> to vector<16xi32>
      %swap3A_250 = vector.shape_cast %select_n3A_245 : vector<16xi32> to vector<1x16xi32>
      tpu.vector_store %arg8[%swap3A_246, %swap3A_247], %swap3A_250 {strides = array<i32>} : memref<158x128xi32, #tpu.memory_space<vmem>>, vector<1x16xi32>,
      %get3A_251 = arith.index_cast %add3A_202 : i32 to index
      %get3A_252 = arith.constant 32 : index
      %get3A_253 = tpu.vector_load %arg8[%get3A_251, %get3A_252] {strides = array<i32>} : memref<158x128xi32, #tpu.memory_space<vmem>>, vector<1x16xi32>,
      %get3A_254 = vector.shape_cast %get3A_253 : vector<1x16xi32> to vector<16xi32>
      %sub3A_255 = vector.broadcast %mul3A_0 : i32 to vector<16xi32>
      %sub3A_256 = arith.subi %get3A_254, %sub3A_255 : vector<16xi32>
      %ge3A_257 = arith.constant 0 : i32
      %ge3A_258 = vector.broadcast %ge3A_257 : i32 to vector<16xi32>
      %ge3A_259 = arith.cmpi sge, %sub3A_256, %ge3A_258 : vector<16xi32>
      %lt3A_260 = arith.constant 5120 : i32
      %lt3A_261 = vector.broadcast %lt3A_260 : i32 to vector<16xi32>
      %lt3A_262 = arith.cmpi slt, %sub3A_256, %lt3A_261 : vector<16xi32>
      %and3A_263 = arith.andi %ge3A_259, %lt3A_262 : vector<16xi1>
      %jit3A_264 = arith.constant 5120 : i32
      %broadcast_in_dim3A_265 = vector.broadcast %jit3A_264 : i32 to vector<16xi32>
      %select_n3A_266 = arith.select %and3A_263, %sub3A_256, %broadcast_in_dim3A_265 : vector<16xi1>, vector<16xi32>
      %swap3A_267 = arith.index_cast %add3A_202 : i32 to index
      %swap3A_268 = arith.constant 32 : index
      %swap3A_269 = tpu.vector_load %arg8[%swap3A_267, %swap3A_268] {strides = array<i32>} : memref<158x128xi32, #tpu.memory_space<vmem>>, vector<1x16xi32>,
      %swap3A_270 = vector.shape_cast %swap3A_269 : vector<1x16xi32> to vector<16xi32>
      %swap3A_271 = vector.shape_cast %select_n3A_266 : vector<16xi32> to vector<1x16xi32>
      tpu.vector_store %arg8[%swap3A_267, %swap3A_268], %swap3A_271 {strides = array<i32>} : memref<158x128xi32, #tpu.memory_space<vmem>>, vector<1x16xi32>,
      %get3A_272 = arith.index_cast %add3A_202 : i32 to index
      %get3A_273 = arith.constant 48 : index
      %get3A_274 = tpu.vector_load %arg8[%get3A_272, %get3A_273] {strides = array<i32>} : memref<158x128xi32, #tpu.memory_space<vmem>>, vector<1x16xi32>,
      %get3A_275 = vector.shape_cast %get3A_274 : vector<1x16xi32> to vector<16xi32>
      %sub3A_276 = vector.broadcast %mul3A_0 : i32 to vector<16xi32>
      %sub3A_277 = arith.subi %get3A_275, %sub3A_276 : vector<16xi32>
      %ge3A_278 = arith.constant 0 : i32
      %ge3A_279 = vector.broadcast %ge3A_278 : i32 to vector<16xi32>
      %ge3A_280 = arith.cmpi sge, %sub3A_277, %ge3A_279 : vector<16xi32>
      %lt3A_281 = arith.constant 5120 : i32
      %lt3A_282 = vector.broadcast %lt3A_281 : i32 to vector<16xi32>
      %lt3A_283 = arith.cmpi slt, %sub3A_277, %lt3A_282 : vector<16xi32>
      %and3A_284 = arith.andi %ge3A_280, %lt3A_283 : vector<16xi1>
      %jit3A_285 = arith.constant 5120 : i32
      %broadcast_in_dim3A_286 = vector.broadcast %jit3A_285 : i32 to vector<16xi32>
      %select_n3A_287 = arith.select %and3A_284, %sub3A_277, %broadcast_in_dim3A_286 : vector<16xi1>, vector<16xi32>
      %swap3A_288 = arith.index_cast %add3A_202 : i32 to index
      %swap3A_289 = arith.constant 48 : index
      %swap3A_290 = tpu.vector_load %arg8[%swap3A_288, %swap3A_289] {strides = array<i32>} : memref<158x128xi32, #tpu.memory_space<vmem>>, vector<1x16xi32>,
      %swap3A_291 = vector.shape_cast %swap3A_290 : vector<1x16xi32> to vector<16xi32>
      %swap3A_292 = vector.shape_cast %select_n3A_287 : vector<16xi32> to vector<1x16xi32>
      tpu.vector_store %arg8[%swap3A_288, %swap3A_289], %swap3A_292 {strides = array<i32>} : memref<158x128xi32, #tpu.memory_space<vmem>>, vector<1x16xi32>,
      %get3A_293 = arith.index_cast %add3A_202 : i32 to index
      %get3A_294 = arith.constant 64 : index
      %get3A_295 = tpu.vector_load %arg8[%get3A_293, %get3A_294] {strides = array<i32>} : memref<158x128xi32, #tpu.memory_space<vmem>>, vector<1x16xi32>,
      %get3A_296 = vector.shape_cast %get3A_295 : vector<1x16xi32> to vector<16xi32>
      %sub3A_297 = vector.broadcast %mul3A_0 : i32 to vector<16xi32>
      %sub3A_298 = arith.subi %get3A_296, %sub3A_297 : vector<16xi32>
      %ge3A_299 = arith.constant 0 : i32
      %ge3A_300 = vector.broadcast %ge3A_299 : i32 to vector<16xi32>
      %ge3A_301 = arith.cmpi sge, %sub3A_298, %ge3A_300 : vector<16xi32>
      %lt3A_302 = arith.constant 5120 : i32
      %lt3A_303 = vector.broadcast %lt3A_302 : i32 to vector<16xi32>
      %lt3A_304 = arith.cmpi slt, %sub3A_298, %lt3A_303 : vector<16xi32>
      %and3A_305 = arith.andi %ge3A_301, %lt3A_304 : vector<16xi1>
      %jit3A_306 = arith.constant 5120 : i32
      %broadcast_in_dim3A_307 = vector.broadcast %jit3A_306 : i32 to vector<16xi32>
      %select_n3A_308 = arith.select %and3A_305, %sub3A_298, %broadcast_in_dim3A_307 : vector<16xi1>, vector<16xi32>
      %swap3A_309 = arith.index_cast %add3A_202 : i32 to index
      %swap3A_310 = arith.constant 64 : index
      %swap3A_311 = tpu.vector_load %arg8[%swap3A_309, %swap3A_310] {strides = array<i32>} : memref<158x128xi32, #tpu.memory_space<vmem>>, vector<1x16xi32>,
      %swap3A_312 = vector.shape_cast %swap3A_311 : vector<1x16xi32> to vector<16xi32>
      %swap3A_313 = vector.shape_cast %select_n3A_308 : vector<16xi32> to vector<1x16xi32>
      tpu.vector_store %arg8[%swap3A_309, %swap3A_310], %swap3A_313 {strides = array<i32>} : memref<158x128xi32, #tpu.memory_space<vmem>>, vector<1x16xi32>,
      %get3A_314 = arith.index_cast %add3A_202 : i32 to index
      %get3A_315 = arith.constant 80 : index
      %get3A_316 = tpu.vector_load %arg8[%get3A_314, %get3A_315] {strides = array<i32>} : memref<158x128xi32, #tpu.memory_space<vmem>>, vector<1x16xi32>,
      %get3A_317 = vector.shape_cast %get3A_316 : vector<1x16xi32> to vector<16xi32>
      %sub3A_318 = vector.broadcast %mul3A_0 : i32 to vector<16xi32>
      %sub3A_319 = arith.subi %get3A_317, %sub3A_318 : vector<16xi32>
      %ge3A_320 = arith.constant 0 : i32
      %ge3A_321 = vector.broadcast %ge3A_320 : i32 to vector<16xi32>
      %ge3A_322 = arith.cmpi sge, %sub3A_319, %ge3A_321 : vector<16xi32>
      %lt3A_323 = arith.constant 5120 : i32
      %lt3A_324 = vector.broadcast %lt3A_323 : i32 to vector<16xi32>
      %lt3A_325 = arith.cmpi slt, %sub3A_319, %lt3A_324 : vector<16xi32>
      %and3A_326 = arith.andi %ge3A_322, %lt3A_325 : vector<16xi1>
      %jit3A_327 = arith.constant 5120 : i32
      %broadcast_in_dim3A_328 = vector.broadcast %jit3A_327 : i32 to vector<16xi32>
      %select_n3A_329 = arith.select %and3A_326, %sub3A_319, %broadcast_in_dim3A_328 : vector<16xi1>, vector<16xi32>
      %swap3A_330 = arith.index_cast %add3A_202 : i32 to index
      %swap3A_331 = arith.constant 80 : index
      %swap3A_332 = tpu.vector_load %arg8[%swap3A_330, %swap3A_331] {strides = array<i32>} : memref<158x128xi32, #tpu.memory_space<vmem>>, vector<1x16xi32>,
      %swap3A_333 = vector.shape_cast %swap3A_332 : vector<1x16xi32> to vector<16xi32>
      %swap3A_334 = vector.shape_cast %select_n3A_329 : vector<16xi32> to vector<1x16xi32>
      tpu.vector_store %arg8[%swap3A_330, %swap3A_331], %swap3A_334 {strides = array<i32>} : memref<158x128xi32, #tpu.memory_space<vmem>>, vector<1x16xi32>,
      %get3A_335 = arith.index_cast %add3A_202 : i32 to index
      %get3A_336 = arith.constant 96 : index
      %get3A_337 = tpu.vector_load %arg8[%get3A_335, %get3A_336] {strides = array<i32>} : memref<158x128xi32, #tpu.memory_space<vmem>>, vector<1x16xi32>,
      %get3A_338 = vector.shape_cast %get3A_337 : vector<1x16xi32> to vector<16xi32>
      %sub3A_339 = vector.broadcast %mul3A_0 : i32 to vector<16xi32>
      %sub3A_340 = arith.subi %get3A_338, %sub3A_339 : vector<16xi32>
      %ge3A_341 = arith.constant 0 : i32
      %ge3A_342 = vector.broadcast %ge3A_341 : i32 to vector<16xi32>
      %ge3A_343 = arith.cmpi sge, %sub3A_340, %ge3A_342 : vector<16xi32>
      %lt3A_344 = arith.constant 5120 : i32
      %lt3A_345 = vector.broadcast %lt3A_344 : i32 to vector<16xi32>
      %lt3A_346 = arith.cmpi slt, %sub3A_340, %lt3A_345 : vector<16xi32>
      %and3A_347 = arith.andi %ge3A_343, %lt3A_346 : vector<16xi1>
      %jit3A_348 = arith.constant 5120 : i32
      %broadcast_in_dim3A_349 = vector.broadcast %jit3A_348 : i32 to vector<16xi32>
      %select_n3A_350 = arith.select %and3A_347, %sub3A_340, %broadcast_in_dim3A_349 : vector<16xi1>, vector<16xi32>
      %swap3A_351 = arith.index_cast %add3A_202 : i32 to index
      %swap3A_352 = arith.constant 96 : index
      %swap3A_353 = tpu.vector_load %arg8[%swap3A_351, %swap3A_352] {strides = array<i32>} : memref<158x128xi32, #tpu.memory_space<vmem>>, vector<1x16xi32>,
      %swap3A_354 = vector.shape_cast %swap3A_353 : vector<1x16xi32> to vector<16xi32>
      %swap3A_355 = vector.shape_cast %select_n3A_350 : vector<16xi32> to vector<1x16xi32>
      tpu.vector_store %arg8[%swap3A_351, %swap3A_352], %swap3A_355 {strides = array<i32>} : memref<158x128xi32, #tpu.memory_space<vmem>>, vector<1x16xi32>,
      %get3A_356 = arith.index_cast %add3A_202 : i32 to index
      %get3A_357 = arith.constant 112 : index
      %get3A_358 = tpu.vector_load %arg8[%get3A_356, %get3A_357] {strides = array<i32>} : memref<158x128xi32, #tpu.memory_space<vmem>>, vector<1x16xi32>,
      %get3A_359 = vector.shape_cast %get3A_358 : vector<1x16xi32> to vector<16xi32>
      %sub3A_360 = vector.broadcast %mul3A_0 : i32 to vector<16xi32>
      %sub3A_361 = arith.subi %get3A_359, %sub3A_360 : vector<16xi32>
      %ge3A_362 = arith.constant 0 : i32
      %ge3A_363 = vector.broadcast %ge3A_362 : i32 to vector<16xi32>
      %ge3A_364 = arith.cmpi sge, %sub3A_361, %ge3A_363 : vector<16xi32>
      %lt3A_365 = arith.constant 5120 : i32
      %lt3A_366 = vector.broadcast %lt3A_365 : i32 to vector<16xi32>
      %lt3A_367 = arith.cmpi slt, %sub3A_361, %lt3A_366 : vector<16xi32>
      %and3A_368 = arith.andi %ge3A_364, %lt3A_367 : vector<16xi1>
      %jit3A_369 = arith.constant 5120 : i32
      %broadcast_in_dim3A_370 = vector.broadcast %jit3A_369 : i32 to vector<16xi32>
      %select_n3A_371 = arith.select %and3A_368, %sub3A_361, %broadcast_in_dim3A_370 : vector<16xi1>, vector<16xi32>
      %swap3A_372 = arith.index_cast %add3A_202 : i32 to index
      %swap3A_373 = arith.constant 112 : index
      %swap3A_374 = tpu.vector_load %arg8[%swap3A_372, %swap3A_373] {strides = array<i32>} : memref<158x128xi32, #tpu.memory_space<vmem>>, vector<1x16xi32>,
      %swap3A_375 = vector.shape_cast %swap3A_374 : vector<1x16xi32> to vector<16xi32>
      %swap3A_376 = vector.shape_cast %select_n3A_371 : vector<16xi32> to vector<1x16xi32>
      tpu.vector_store %arg8[%swap3A_372, %swap3A_373], %swap3A_376 {strides = array<i32>} : memref<158x128xi32, #tpu.memory_space<vmem>>, vector<1x16xi32>,
      "tpu.region"() ({
        %run_scoped3A = tpu.sem_alloc : memref<!tpu.dma_semaphore, #tpu.memory_space<semaphore_mem>>
        %dma_start3A_384 = arith.constant 0 : i32
        %dma_start3A_385 = tpu.memref_slice %arg8[%add3A_202, %dma_start3A_384] : memref<158x128xi32, #tpu.memory_space<vmem>> -> memref<1x128xi32, #tpu.memory_space<vmem>>
        %dma_start3A_386 = tpu.memref_squeeze %dma_start3A_385 : memref<1x128xi32, #tpu.memory_space<vmem>> -> memref<128xi32, #tpu.memory_space<vmem>>
        %dma_start3A_387 = arith.constant 0 : i32
        %dma_start3A_388 = arith.constant 0 : i32
        %dma_start3A_389 = tpu.memref_slice %arg11[%dma_start3A_387, %dma_start3A_388] : memref<5248x128xf32, #tpu.memory_space<vmem_shared>> -> memref<5248x128xf32, #tpu.memory_space<vmem_shared>>
        tpu.enqueue_indirect_dma source(%arg10 : memref<128x128xf32, #tpu.memory_space<vmem>>) target(%dma_start3A_389 : memref<5248x128xf32, #tpu.memory_space<vmem_shared>>) offsets(%dma_start3A_386 : memref<128xi32, #tpu.memory_space<vmem>>) semaphore(%run_scoped3A : memref<!tpu.dma_semaphore, #tpu.memory_space<semaphore_mem>>) {add = true}
        %dma_wait3A_390 = arith.constant 0 : i32
        %dma_wait3A_391 = tpu.memref_slice %arg8[%add3A_202, %dma_wait3A_390] : memref<158x128xi32, #tpu.memory_space<vmem>> -> memref<1x128xi32, #tpu.memory_space<vmem>>
        %dma_wait3A_392 = tpu.memref_squeeze %dma_wait3A_391 : memref<1x128xi32, #tpu.memory_space<vmem>> -> memref<128xi32, #tpu.memory_space<vmem>>
        %dma_wait3A_393 = arith.constant 0 : i32
        %dma_wait3A_394 = arith.constant 0 : i32
        %dma_wait3A_395 = tpu.memref_slice %arg11[%dma_wait3A_393, %dma_wait3A_394] : memref<5248x128xf32, #tpu.memory_space<vmem_shared>> -> memref<5248x128xf32, #tpu.memory_space<vmem_shared>>
        tpu.wait_indirect_dma semaphore(%run_scoped3A : memref<!tpu.dma_semaphore, #tpu.memory_space<semaphore_mem>>) src(%arg10 : memref<128x128xf32, #tpu.memory_space<vmem>>) dst(%dma_wait3A_395 : memref<5248x128xf32, #tpu.memory_space<vmem_shared>>)
        tpu.yield
      }) : () -> ()
      %add3A_377 = arith.constant 2 : i32
      %add3A_378 = arith.addi %add3A_202, %add3A_377 : i32
      %lt3A_379 = arith.constant 158 : i32
      %lt3A_380 = arith.cmpi slt, %add3A_378, %lt3A_379 : i32
      %convert_element_type3A_381 = arith.extui %lt3A_380 : i1 to i32
      %cond3A_382 = arith.constant 0 : i32
      %cond3A_383 = arith.cmpi ne, %convert_element_type3A_381, %cond3A_382 : i32
      scf.if %cond3A_383 {
        %add3A_384 = arith.constant 2 : i32
        %add3A_385 = arith.addi %add3A_202, %add3A_384 : i32
        %dma_start3A_386 = arith.constant 0 : i32
        %dma_start3A_387 = tpu.memref_slice %arg7[%add3A_385, %dma_start3A_386] : memref<158x128xi32, #tpu.memory_space<vmem>> -> memref<1x128xi32, #tpu.memory_space<vmem>>
        %dma_start3A_388 = tpu.memref_squeeze %dma_start3A_387 : memref<1x128xi32, #tpu.memory_space<vmem>> -> memref<128xi32, #tpu.memory_space<vmem>>
        %dma_start3A_389 = arith.constant 0 : i32
        %dma_start3A_390 = arith.constant 0 : i32
        %dma_start3A_391 = tpu.memref_slice %arg2[%dma_start3A_389, %dma_start3A_390] : memref<10000x128xf32, #tpu.memory_space<hbm>> -> memref<10000x128xf32, #tpu.memory_space<hbm>>
        tpu.enqueue_indirect_dma source(%dma_start3A_391 : memref<10000x128xf32, #tpu.memory_space<hbm>>) target(%arg10 : memref<128x128xf32, #tpu.memory_space<vmem>>) offsets(%dma_start3A_388 : memref<128xi32, #tpu.memory_space<vmem>>) semaphore(%arg13 : memref<!tpu.dma_semaphore, #tpu.memory_space<semaphore_mem>>)
      } else {
      }
    }
    %scan3A_22 = arith.constant 79 : i32
    %barrier3A_23 = arith.constant 0 : index
    tpu.barrier barrier_id(%barrier3A_23)
    %mul3A_24 = arith.constant 320 : i32
    %mul3A_25 = arith.muli %arg1, %mul3A_24 : i32
    %mul3A_26 = arith.constant 320 : i32
    %mul3A_27 = arith.muli %arg1, %mul3A_26 : i32
    "tpu.region"() ({
      %run_scoped3A = tpu.sem_alloc : memref<!tpu.dma_semaphore, #tpu.memory_space<semaphore_mem>>
      %dma_start3A_28 = arith.constant 0 : i32
      %dma_start3A_29 = tpu.memref_slice %arg6[%arg0, %mul3A_27, %dma_start3A_28] : memref<2x5120x128xf32, #tpu.memory_space<hbm>> -> memref<1x320x128xf32, #tpu.memory_space<hbm>>
      %dma_start3A_30 = tpu.memref_squeeze %dma_start3A_29 : memref<1x320x128xf32, #tpu.memory_space<hbm>> -> memref<320x128xf32, #tpu.memory_space<hbm>>
      %dma_start3A_31 = arith.constant 0 : i32
      %dma_start3A_32 = tpu.memref_slice %arg11[%mul3A_25, %dma_start3A_31] : memref<5248x128xf32, #tpu.memory_space<vmem_shared>> -> memref<320x128xf32, #tpu.memory_space<vmem_shared>>
      tpu.enqueue_dma source(%dma_start3A_32 : memref<320x128xf32, #tpu.memory_space<vmem_shared>>) target(%dma_start3A_30 : memref<320x128xf32, #tpu.memory_space<hbm>>) target_semaphore(%run_scoped3A : memref<!tpu.dma_semaphore, #tpu.memory_space<semaphore_mem>>)
      %dma_wait3A = arith.constant 0 : i32
      %dma_wait3A_33 = tpu.memref_slice %arg6[%arg0, %mul3A_27, %dma_wait3A] : memref<2x5120x128xf32, #tpu.memory_space<hbm>> -> memref<1x320x128xf32, #tpu.memory_space<hbm>>
      %dma_wait3A_34 = tpu.memref_squeeze %dma_wait3A_33 : memref<1x320x128xf32, #tpu.memory_space<hbm>> -> memref<320x128xf32, #tpu.memory_space<hbm>>
      %dma_wait3A_35 = arith.constant 0 : i32
      %dma_wait3A_36 = tpu.memref_slice %arg11[%mul3A_25, %dma_wait3A_35] : memref<5248x128xf32, #tpu.memory_space<vmem_shared>> -> memref<320x128xf32, #tpu.memory_space<vmem_shared>>
      tpu.wait_dma2 semaphore(%run_scoped3A : memref<!tpu.dma_semaphore, #tpu.memory_space<semaphore_mem>>) src(%dma_wait3A_36 : memref<320x128xf32, #tpu.memory_space<vmem_shared>>) dst(%dma_wait3A_34 : memref<320x128xf32, #tpu.memory_space<hbm>>)
      tpu.yield
    }) : () -> ()
    return
  }
}

#map = affine_map<(d0, d1) -> (0, 0)>
#map1 = affine_map<(d0, d1) -> (0, 0, 0)>
module attributes {stable_mosaic.version = 14 : i64} {
  func.func @agg(%arg0: i32, %arg1: i32, %arg2: memref<10000x128xf32, #tpu.memory_space<hbm>>, %arg3: memref<16x158x128xi32, #tpu.memory_space<hbm>>, %arg4: memref<16x158x128xi32, #tpu.memory_space<hbm>>, %arg5: memref<5248x128xf32, #tpu.memory_space<hbm>>, %arg6: memref<2x5120x128xf32, #tpu.memory_space<hbm>>, %arg7: memref<158x128xi32, #tpu.memory_space<vmem>>, %arg8: memref<158x128xi32, #tpu.memory_space<vmem>>, %arg9: memref<128x128xf32, #tpu.memory_space<vmem>>, %arg10: memref<128x128xf32, #tpu.memory_space<vmem>>, %arg11: memref<5248x128xf32, #tpu.memory_space<vmem_shared>>, %arg12: memref<!tpu.dma_semaphore, #tpu.memory_space<semaphore_mem>>, %arg13: memref<!tpu.dma_semaphore, #tpu.memory_space<semaphore_mem>>) attributes {dimension_semantics = [#tpu.dimension_semantics<core_parallel>, #tpu.dimension_semantics<subcore_parallel>], iteration_bounds = array<i64: 2, 16>, scalar_prefetch = 0 : i64, scratch_operands = 7 : i64, tpu.core_type = #tpu.core_type<sc_vector_subcore>, window_params = [{transform_indices = #map}, {transform_indices = #map1}, {transform_indices = #map1}, {transform_indices = #map}, {transform_indices = #map1}]} {
    %mul3A = arith.constant 5120 : i32
    %mul3A_0 = arith.muli %arg0, %mul3A : i32
    "tpu.region"() ({
      %run_scoped3A = tpu.sem_alloc : memref<!tpu.dma_semaphore, #tpu.memory_space<semaphore_mem>>
      %dma_start3A_28 = arith.constant 0 : i32
      %dma_start3A_29 = arith.constant 0 : i32
      %dma_start3A_30 = tpu.memref_slice %arg3[%arg1, %dma_start3A_28, %dma_start3A_29] : memref<16x158x128xi32, #tpu.memory_space<hbm>> -> memref<1x158x128xi32, #tpu.memory_space<hbm>>
      %dma_start3A_31 = tpu.memref_squeeze %dma_start3A_30 : memref<1x158x128xi32, #tpu.memory_space<hbm>> -> memref<158x128xi32, #tpu.memory_space<hbm>>
      %dma_start3A_32 = arith.constant 0 : i32
      %dma_start3A_33 = arith.constant 0 : i32
      %dma_start3A_34 = tpu.memref_slice %arg3[%arg1, %dma_start3A_32, %dma_start3A_33] : memref<16x158x128xi32, #tpu.memory_space<hbm>> -> memref<1x158x128xi32, #tpu.memory_space<hbm>>
      %dma_start3A_35 = tpu.memref_squeeze %dma_start3A_34 : memref<1x158x128xi32, #tpu.memory_space<hbm>> -> memref<158x128xi32, #tpu.memory_space<hbm>>
      tpu.enqueue_dma source(%dma_start3A_35 : memref<158x128xi32, #tpu.memory_space<hbm>>) target(%arg7 : memref<158x128xi32, #tpu.memory_space<vmem>>) target_semaphore(%run_scoped3A : memref<!tpu.dma_semaphore, #tpu.memory_space<semaphore_mem>>)
      %dma_wait3A = arith.constant 0 : i32
      %dma_wait3A_36 = arith.constant 0 : i32
      %dma_wait3A_37 = tpu.memref_slice %arg3[%arg1, %dma_wait3A, %dma_wait3A_36] : memref<16x158x128xi32, #tpu.memory_space<hbm>> -> memref<1x158x128xi32, #tpu.memory_space<hbm>>
      %dma_wait3A_38 = tpu.memref_squeeze %dma_wait3A_37 : memref<1x158x128xi32, #tpu.memory_space<hbm>> -> memref<158x128xi32, #tpu.memory_space<hbm>>
      %dma_wait3A_39 = arith.constant 0 : i32
      %dma_wait3A_40 = arith.constant 0 : i32
      %dma_wait3A_41 = tpu.memref_slice %arg3[%arg1, %dma_wait3A_39, %dma_wait3A_40] : memref<16x158x128xi32, #tpu.memory_space<hbm>> -> memref<1x158x128xi32, #tpu.memory_space<hbm>>
      %dma_wait3A_42 = tpu.memref_squeeze %dma_wait3A_41 : memref<1x158x128xi32, #tpu.memory_space<hbm>> -> memref<158x128xi32, #tpu.memory_space<hbm>>
      tpu.wait_dma2 semaphore(%run_scoped3A : memref<!tpu.dma_semaphore, #tpu.memory_space<semaphore_mem>>) src(%dma_wait3A_42 : memref<158x128xi32, #tpu.memory_space<hbm>>) dst(%arg7 : memref<158x128xi32, #tpu.memory_space<vmem>>)
      tpu.yield
    }) : () -> ()
    "tpu.region"() ({
      %run_scoped3A = tpu.sem_alloc : memref<!tpu.dma_semaphore, #tpu.memory_space<semaphore_mem>>
      %dma_start3A_28 = arith.constant 0 : i32
      %dma_start3A_29 = arith.constant 0 : i32
      %dma_start3A_30 = tpu.memref_slice %arg4[%arg1, %dma_start3A_28, %dma_start3A_29] : memref<16x158x128xi32, #tpu.memory_space<hbm>> -> memref<1x158x128xi32, #tpu.memory_space<hbm>>
      %dma_start3A_31 = tpu.memref_squeeze %dma_start3A_30 : memref<1x158x128xi32, #tpu.memory_space<hbm>> -> memref<158x128xi32, #tpu.memory_space<hbm>>
      %dma_start3A_32 = arith.constant 0 : i32
      %dma_start3A_33 = arith.constant 0 : i32
      %dma_start3A_34 = tpu.memref_slice %arg4[%arg1, %dma_start3A_32, %dma_start3A_33] : memref<16x158x128xi32, #tpu.memory_space<hbm>> -> memref<1x158x128xi32, #tpu.memory_space<hbm>>
      %dma_start3A_35 = tpu.memref_squeeze %dma_start3A_34 : memref<1x158x128xi32, #tpu.memory_space<hbm>> -> memref<158x128xi32, #tpu.memory_space<hbm>>
      tpu.enqueue_dma source(%dma_start3A_35 : memref<158x128xi32, #tpu.memory_space<hbm>>) target(%arg8 : memref<158x128xi32, #tpu.memory_space<vmem>>) target_semaphore(%run_scoped3A : memref<!tpu.dma_semaphore, #tpu.memory_space<semaphore_mem>>)
      %dma_wait3A = arith.constant 0 : i32
      %dma_wait3A_36 = arith.constant 0 : i32
      %dma_wait3A_37 = tpu.memref_slice %arg4[%arg1, %dma_wait3A, %dma_wait3A_36] : memref<16x158x128xi32, #tpu.memory_space<hbm>> -> memref<1x158x128xi32, #tpu.memory_space<hbm>>
      %dma_wait3A_38 = tpu.memref_squeeze %dma_wait3A_37 : memref<1x158x128xi32, #tpu.memory_space<hbm>> -> memref<158x128xi32, #tpu.memory_space<hbm>>
      %dma_wait3A_39 = arith.constant 0 : i32
      %dma_wait3A_40 = arith.constant 0 : i32
      %dma_wait3A_41 = tpu.memref_slice %arg4[%arg1, %dma_wait3A_39, %dma_wait3A_40] : memref<16x158x128xi32, #tpu.memory_space<hbm>> -> memref<1x158x128xi32, #tpu.memory_space<hbm>>
      %dma_wait3A_42 = tpu.memref_squeeze %dma_wait3A_41 : memref<1x158x128xi32, #tpu.memory_space<hbm>> -> memref<158x128xi32, #tpu.memory_space<hbm>>
      tpu.wait_dma2 semaphore(%run_scoped3A : memref<!tpu.dma_semaphore, #tpu.memory_space<semaphore_mem>>) src(%dma_wait3A_42 : memref<158x128xi32, #tpu.memory_space<hbm>>) dst(%arg8 : memref<158x128xi32, #tpu.memory_space<vmem>>)
      tpu.yield
    }) : () -> ()
    %mul3A_1 = arith.constant 328 : i32
    %mul3A_2 = arith.muli %arg1, %mul3A_1 : i32
    %mul3A_3 = arith.constant 328 : i32
    %mul3A_4 = arith.muli %arg1, %mul3A_3 : i32
    "tpu.region"() ({
      %run_scoped3A = tpu.sem_alloc : memref<!tpu.dma_semaphore, #tpu.memory_space<semaphore_mem>>
      %dma_start3A_28 = arith.constant 0 : i32
      %dma_start3A_29 = tpu.memref_slice %arg11[%mul3A_4, %dma_start3A_28] : memref<5248x128xf32, #tpu.memory_space<vmem_shared>> -> memref<328x128xf32, #tpu.memory_space<vmem_shared>>
      %dma_start3A_30 = arith.constant 0 : i32
      %dma_start3A_31 = tpu.memref_slice %arg5[%mul3A_2, %dma_start3A_30] : memref<5248x128xf32, #tpu.memory_space<hbm>> -> memref<328x128xf32, #tpu.memory_space<hbm>>
      tpu.enqueue_dma source(%dma_start3A_31 : memref<328x128xf32, #tpu.memory_space<hbm>>) target(%dma_start3A_29 : memref<328x128xf32, #tpu.memory_space<vmem_shared>>) target_semaphore(%run_scoped3A : memref<!tpu.dma_semaphore, #tpu.memory_space<semaphore_mem>>)
      %dma_wait3A = arith.constant 0 : i32
      %dma_wait3A_32 = tpu.memref_slice %arg11[%mul3A_4, %dma_wait3A] : memref<5248x128xf32, #tpu.memory_space<vmem_shared>> -> memref<328x128xf32, #tpu.memory_space<vmem_shared>>
      %dma_wait3A_33 = arith.constant 0 : i32
      %dma_wait3A_34 = tpu.memref_slice %arg5[%mul3A_2, %dma_wait3A_33] : memref<5248x128xf32, #tpu.memory_space<hbm>> -> memref<328x128xf32, #tpu.memory_space<hbm>>
      tpu.wait_dma2 semaphore(%run_scoped3A : memref<!tpu.dma_semaphore, #tpu.memory_space<semaphore_mem>>) src(%dma_wait3A_34 : memref<328x128xf32, #tpu.memory_space<hbm>>) dst(%dma_wait3A_32 : memref<328x128xf32, #tpu.memory_space<vmem_shared>>)
      tpu.yield
    }) : () -> ()
    %barrier3A = arith.constant 0 : index
    tpu.barrier barrier_id(%barrier3A)
    %dma_start3A = arith.constant 0 : i32
    %dma_start3A_5 = arith.constant 0 : i32
    %dma_start3A_6 = tpu.memref_slice %arg7[%dma_start3A, %dma_start3A_5] : memref<158x128xi32, #tpu.memory_space<vmem>> -> memref<1x128xi32, #tpu.memory_space<vmem>>
    %dma_start3A_7 = tpu.memref_squeeze %dma_start3A_6 : memref<1x128xi32, #tpu.memory_space<vmem>> -> memref<128xi32, #tpu.memory_space<vmem>>
    %dma_start3A_8 = arith.constant 0 : i32
    %dma_start3A_9 = arith.constant 0 : i32
    %dma_start3A_10 = tpu.memref_slice %arg2[%dma_start3A_8, %dma_start3A_9] : memref<10000x128xf32, #tpu.memory_space<hbm>> -> memref<10000x128xf32, #tpu.memory_space<hbm>>
    tpu.enqueue_indirect_dma source(%dma_start3A_10 : memref<10000x128xf32, #tpu.memory_space<hbm>>) target(%arg9 : memref<128x128xf32, #tpu.memory_space<vmem>>) offsets(%dma_start3A_7 : memref<128xi32, #tpu.memory_space<vmem>>) semaphore(%arg12 : memref<!tpu.dma_semaphore, #tpu.memory_space<semaphore_mem>>)
    %dma_start3A_11 = arith.constant 1 : i32
    %dma_start3A_12 = arith.constant 0 : i32
    %dma_start3A_13 = tpu.memref_slice %arg7[%dma_start3A_11, %dma_start3A_12] : memref<158x128xi32, #tpu.memory_space<vmem>> -> memref<1x128xi32, #tpu.memory_space<vmem>>
    %dma_start3A_14 = tpu.memref_squeeze %dma_start3A_13 : memref<1x128xi32, #tpu.memory_space<vmem>> -> memref<128xi32, #tpu.memory_space<vmem>>
    %dma_start3A_15 = arith.constant 0 : i32
    %dma_start3A_16 = arith.constant 0 : i32
    %dma_start3A_17 = tpu.memref_slice %arg2[%dma_start3A_15, %dma_start3A_16] : memref<10000x128xf32, #tpu.memory_space<hbm>> -> memref<10000x128xf32, #tpu.memory_space<hbm>>
    tpu.enqueue_indirect_dma source(%dma_start3A_17 : memref<10000x128xf32, #tpu.memory_space<hbm>>) target(%arg10 : memref<128x128xf32, #tpu.memory_space<vmem>>) offsets(%dma_start3A_14 : memref<128xi32, #tpu.memory_space<vmem>>) semaphore(%arg13 : memref<!tpu.dma_semaphore, #tpu.memory_space<semaphore_mem>>)
    %scan3A = arith.constant 0 : i32
    %scan3A_18 = arith.constant 0 : i32
    %scan3A_19 = arith.constant 79 : i32
    %scan3A_20 = arith.addi %scan3A_18, %scan3A_19 : i32
    %scan3A_21 = arith.constant 1 : i32
    scf.for %scan3A_28 = %scan3A_18 to %scan3A_20 step %scan3A_21  : i32 {
      %mul3A_29 = arith.constant 2 : i32
      %mul3A_30 = arith.muli %scan3A_28, %mul3A_29 : i32
      %add3A = arith.constant 0 : i32
      %add3A_31 = arith.addi %mul3A_30, %add3A : i32
      %dma_wait3A = arith.constant 0 : i32
      %dma_wait3A_32 = tpu.memref_slice %arg7[%add3A_31, %dma_wait3A] : memref<158x128xi32, #tpu.memory_space<vmem>> -> memref<1x128xi32, #tpu.memory_space<vmem>>
      %dma_wait3A_33 = tpu.memref_squeeze %dma_wait3A_32 : memref<1x128xi32, #tpu.memory_space<vmem>> -> memref<128xi32, #tpu.memory_space<vmem>>
      %dma_wait3A_34 = arith.constant 0 : i32
      %dma_wait3A_35 = arith.constant 0 : i32
      %dma_wait3A_36 = tpu.memref_slice %arg2[%dma_wait3A_34, %dma_wait3A_35] : memref<10000x128xf32, #tpu.memory_space<hbm>> -> memref<10000x128xf32, #tpu.memory_space<hbm>>
      tpu.wait_indirect_dma semaphore(%arg12 : memref<!tpu.dma_semaphore, #tpu.memory_space<semaphore_mem>>) src(%dma_wait3A_36 : memref<10000x128xf32, #tpu.memory_space<hbm>>) dst(%arg9 : memref<128x128xf32, #tpu.memory_space<vmem>>)
      %get3A = arith.index_cast %add3A_31 : i32 to index
      %get3A_37 = arith.constant 0 : index
      %get3A_38 = tpu.vector_load %arg8[%get3A, %get3A_37] {strides = array<i32>} : memref<158x128xi32, #tpu.memory_space<vmem>>, vector<1x16xi32>,
      %get3A_39 = vector.shape_cast %get3A_38 : vector<1x16xi32> to vector<16xi32>
      %sub3A = vector.broadcast %mul3A_0 : i32 to vector<16xi32>
      %sub3A_40 = arith.subi %get3A_39, %sub3A : vector<16xi32>
      %ge3A = arith.constant 0 : i32
      %ge3A_41 = vector.broadcast %ge3A : i32 to vector<16xi32>
      %ge3A_42 = arith.cmpi sge, %sub3A_40, %ge3A_41 : vector<16xi32>
      %lt3A = arith.constant 5120 : i32
      %lt3A_43 = vector.broadcast %lt3A : i32 to vector<16xi32>
      %lt3A_44 = arith.cmpi slt, %sub3A_40, %lt3A_43 : vector<16xi32>
      %and3A = arith.andi %ge3A_42, %lt3A_44 : vector<16xi1>
      %jit3A = arith.constant 5120 : i32
      %broadcast_in_dim3A = vector.broadcast %jit3A : i32 to vector<16xi32>
      %select_n3A = arith.select %and3A, %sub3A_40, %broadcast_in_dim3A : vector<16xi1>, vector<16xi32>
      %swap3A = arith.index_cast %add3A_31 : i32 to index
      %swap3A_45 = arith.constant 0 : index
      %swap3A_46 = tpu.vector_load %arg8[%swap3A, %swap3A_45] {strides = array<i32>} : memref<158x128xi32, #tpu.memory_space<vmem>>, vector<1x16xi32>,
      %swap3A_47 = vector.shape_cast %swap3A_46 : vector<1x16xi32> to vector<16xi32>
      %swap3A_48 = vector.shape_cast %select_n3A : vector<16xi32> to vector<1x16xi32>
      tpu.vector_store %arg8[%swap3A, %swap3A_45], %swap3A_48 {strides = array<i32>} : memref<158x128xi32, #tpu.memory_space<vmem>>, vector<1x16xi32>,
      %get3A_49 = arith.index_cast %add3A_31 : i32 to index
      %get3A_50 = arith.constant 16 : index
      %get3A_51 = tpu.vector_load %arg8[%get3A_49, %get3A_50] {strides = array<i32>} : memref<158x128xi32, #tpu.memory_space<vmem>>, vector<1x16xi32>,
      %get3A_52 = vector.shape_cast %get3A_51 : vector<1x16xi32> to vector<16xi32>
      %sub3A_53 = vector.broadcast %mul3A_0 : i32 to vector<16xi32>
      %sub3A_54 = arith.subi %get3A_52, %sub3A_53 : vector<16xi32>
      %ge3A_55 = arith.constant 0 : i32
      %ge3A_56 = vector.broadcast %ge3A_55 : i32 to vector<16xi32>
      %ge3A_57 = arith.cmpi sge, %sub3A_54, %ge3A_56 : vector<16xi32>
      %lt3A_58 = arith.constant 5120 : i32
      %lt3A_59 = vector.broadcast %lt3A_58 : i32 to vector<16xi32>
      %lt3A_60 = arith.cmpi slt, %sub3A_54, %lt3A_59 : vector<16xi32>
      %and3A_61 = arith.andi %ge3A_57, %lt3A_60 : vector<16xi1>
      %jit3A_62 = arith.constant 5120 : i32
      %broadcast_in_dim3A_63 = vector.broadcast %jit3A_62 : i32 to vector<16xi32>
      %select_n3A_64 = arith.select %and3A_61, %sub3A_54, %broadcast_in_dim3A_63 : vector<16xi1>, vector<16xi32>
      %swap3A_65 = arith.index_cast %add3A_31 : i32 to index
      %swap3A_66 = arith.constant 16 : index
      %swap3A_67 = tpu.vector_load %arg8[%swap3A_65, %swap3A_66] {strides = array<i32>} : memref<158x128xi32, #tpu.memory_space<vmem>>, vector<1x16xi32>,
      %swap3A_68 = vector.shape_cast %swap3A_67 : vector<1x16xi32> to vector<16xi32>
      %swap3A_69 = vector.shape_cast %select_n3A_64 : vector<16xi32> to vector<1x16xi32>
      tpu.vector_store %arg8[%swap3A_65, %swap3A_66], %swap3A_69 {strides = array<i32>} : memref<158x128xi32, #tpu.memory_space<vmem>>, vector<1x16xi32>,
      %get3A_70 = arith.index_cast %add3A_31 : i32 to index
      %get3A_71 = arith.constant 32 : index
      %get3A_72 = tpu.vector_load %arg8[%get3A_70, %get3A_71] {strides = array<i32>} : memref<158x128xi32, #tpu.memory_space<vmem>>, vector<1x16xi32>,
      %get3A_73 = vector.shape_cast %get3A_72 : vector<1x16xi32> to vector<16xi32>
      %sub3A_74 = vector.broadcast %mul3A_0 : i32 to vector<16xi32>
      %sub3A_75 = arith.subi %get3A_73, %sub3A_74 : vector<16xi32>
      %ge3A_76 = arith.constant 0 : i32
      %ge3A_77 = vector.broadcast %ge3A_76 : i32 to vector<16xi32>
      %ge3A_78 = arith.cmpi sge, %sub3A_75, %ge3A_77 : vector<16xi32>
      %lt3A_79 = arith.constant 5120 : i32
      %lt3A_80 = vector.broadcast %lt3A_79 : i32 to vector<16xi32>
      %lt3A_81 = arith.cmpi slt, %sub3A_75, %lt3A_80 : vector<16xi32>
      %and3A_82 = arith.andi %ge3A_78, %lt3A_81 : vector<16xi1>
      %jit3A_83 = arith.constant 5120 : i32
      %broadcast_in_dim3A_84 = vector.broadcast %jit3A_83 : i32 to vector<16xi32>
      %select_n3A_85 = arith.select %and3A_82, %sub3A_75, %broadcast_in_dim3A_84 : vector<16xi1>, vector<16xi32>
      %swap3A_86 = arith.index_cast %add3A_31 : i32 to index
      %swap3A_87 = arith.constant 32 : index
      %swap3A_88 = tpu.vector_load %arg8[%swap3A_86, %swap3A_87] {strides = array<i32>} : memref<158x128xi32, #tpu.memory_space<vmem>>, vector<1x16xi32>,
      %swap3A_89 = vector.shape_cast %swap3A_88 : vector<1x16xi32> to vector<16xi32>
      %swap3A_90 = vector.shape_cast %select_n3A_85 : vector<16xi32> to vector<1x16xi32>
      tpu.vector_store %arg8[%swap3A_86, %swap3A_87], %swap3A_90 {strides = array<i32>} : memref<158x128xi32, #tpu.memory_space<vmem>>, vector<1x16xi32>,
      %get3A_91 = arith.index_cast %add3A_31 : i32 to index
      %get3A_92 = arith.constant 48 : index
      %get3A_93 = tpu.vector_load %arg8[%get3A_91, %get3A_92] {strides = array<i32>} : memref<158x128xi32, #tpu.memory_space<vmem>>, vector<1x16xi32>,
      %get3A_94 = vector.shape_cast %get3A_93 : vector<1x16xi32> to vector<16xi32>
      %sub3A_95 = vector.broadcast %mul3A_0 : i32 to vector<16xi32>
      %sub3A_96 = arith.subi %get3A_94, %sub3A_95 : vector<16xi32>
      %ge3A_97 = arith.constant 0 : i32
      %ge3A_98 = vector.broadcast %ge3A_97 : i32 to vector<16xi32>
      %ge3A_99 = arith.cmpi sge, %sub3A_96, %ge3A_98 : vector<16xi32>
      %lt3A_100 = arith.constant 5120 : i32
      %lt3A_101 = vector.broadcast %lt3A_100 : i32 to vector<16xi32>
      %lt3A_102 = arith.cmpi slt, %sub3A_96, %lt3A_101 : vector<16xi32>
      %and3A_103 = arith.andi %ge3A_99, %lt3A_102 : vector<16xi1>
      %jit3A_104 = arith.constant 5120 : i32
      %broadcast_in_dim3A_105 = vector.broadcast %jit3A_104 : i32 to vector<16xi32>
      %select_n3A_106 = arith.select %and3A_103, %sub3A_96, %broadcast_in_dim3A_105 : vector<16xi1>, vector<16xi32>
      %swap3A_107 = arith.index_cast %add3A_31 : i32 to index
      %swap3A_108 = arith.constant 48 : index
      %swap3A_109 = tpu.vector_load %arg8[%swap3A_107, %swap3A_108] {strides = array<i32>} : memref<158x128xi32, #tpu.memory_space<vmem>>, vector<1x16xi32>,
      %swap3A_110 = vector.shape_cast %swap3A_109 : vector<1x16xi32> to vector<16xi32>
      %swap3A_111 = vector.shape_cast %select_n3A_106 : vector<16xi32> to vector<1x16xi32>
      tpu.vector_store %arg8[%swap3A_107, %swap3A_108], %swap3A_111 {strides = array<i32>} : memref<158x128xi32, #tpu.memory_space<vmem>>, vector<1x16xi32>,
      %get3A_112 = arith.index_cast %add3A_31 : i32 to index
      %get3A_113 = arith.constant 64 : index
      %get3A_114 = tpu.vector_load %arg8[%get3A_112, %get3A_113] {strides = array<i32>} : memref<158x128xi32, #tpu.memory_space<vmem>>, vector<1x16xi32>,
      %get3A_115 = vector.shape_cast %get3A_114 : vector<1x16xi32> to vector<16xi32>
      %sub3A_116 = vector.broadcast %mul3A_0 : i32 to vector<16xi32>
      %sub3A_117 = arith.subi %get3A_115, %sub3A_116 : vector<16xi32>
      %ge3A_118 = arith.constant 0 : i32
      %ge3A_119 = vector.broadcast %ge3A_118 : i32 to vector<16xi32>
      %ge3A_120 = arith.cmpi sge, %sub3A_117, %ge3A_119 : vector<16xi32>
      %lt3A_121 = arith.constant 5120 : i32
      %lt3A_122 = vector.broadcast %lt3A_121 : i32 to vector<16xi32>
      %lt3A_123 = arith.cmpi slt, %sub3A_117, %lt3A_122 : vector<16xi32>
      %and3A_124 = arith.andi %ge3A_120, %lt3A_123 : vector<16xi1>
      %jit3A_125 = arith.constant 5120 : i32
      %broadcast_in_dim3A_126 = vector.broadcast %jit3A_125 : i32 to vector<16xi32>
      %select_n3A_127 = arith.select %and3A_124, %sub3A_117, %broadcast_in_dim3A_126 : vector<16xi1>, vector<16xi32>
      %swap3A_128 = arith.index_cast %add3A_31 : i32 to index
      %swap3A_129 = arith.constant 64 : index
      %swap3A_130 = tpu.vector_load %arg8[%swap3A_128, %swap3A_129] {strides = array<i32>} : memref<158x128xi32, #tpu.memory_space<vmem>>, vector<1x16xi32>,
      %swap3A_131 = vector.shape_cast %swap3A_130 : vector<1x16xi32> to vector<16xi32>
      %swap3A_132 = vector.shape_cast %select_n3A_127 : vector<16xi32> to vector<1x16xi32>
      tpu.vector_store %arg8[%swap3A_128, %swap3A_129], %swap3A_132 {strides = array<i32>} : memref<158x128xi32, #tpu.memory_space<vmem>>, vector<1x16xi32>,
      %get3A_133 = arith.index_cast %add3A_31 : i32 to index
      %get3A_134 = arith.constant 80 : index
      %get3A_135 = tpu.vector_load %arg8[%get3A_133, %get3A_134] {strides = array<i32>} : memref<158x128xi32, #tpu.memory_space<vmem>>, vector<1x16xi32>,
      %get3A_136 = vector.shape_cast %get3A_135 : vector<1x16xi32> to vector<16xi32>
      %sub3A_137 = vector.broadcast %mul3A_0 : i32 to vector<16xi32>
      %sub3A_138 = arith.subi %get3A_136, %sub3A_137 : vector<16xi32>
      %ge3A_139 = arith.constant 0 : i32
      %ge3A_140 = vector.broadcast %ge3A_139 : i32 to vector<16xi32>
      %ge3A_141 = arith.cmpi sge, %sub3A_138, %ge3A_140 : vector<16xi32>
      %lt3A_142 = arith.constant 5120 : i32
      %lt3A_143 = vector.broadcast %lt3A_142 : i32 to vector<16xi32>
      %lt3A_144 = arith.cmpi slt, %sub3A_138, %lt3A_143 : vector<16xi32>
      %and3A_145 = arith.andi %ge3A_141, %lt3A_144 : vector<16xi1>
      %jit3A_146 = arith.constant 5120 : i32
      %broadcast_in_dim3A_147 = vector.broadcast %jit3A_146 : i32 to vector<16xi32>
      %select_n3A_148 = arith.select %and3A_145, %sub3A_138, %broadcast_in_dim3A_147 : vector<16xi1>, vector<16xi32>
      %swap3A_149 = arith.index_cast %add3A_31 : i32 to index
      %swap3A_150 = arith.constant 80 : index
      %swap3A_151 = tpu.vector_load %arg8[%swap3A_149, %swap3A_150] {strides = array<i32>} : memref<158x128xi32, #tpu.memory_space<vmem>>, vector<1x16xi32>,
      %swap3A_152 = vector.shape_cast %swap3A_151 : vector<1x16xi32> to vector<16xi32>
      %swap3A_153 = vector.shape_cast %select_n3A_148 : vector<16xi32> to vector<1x16xi32>
      tpu.vector_store %arg8[%swap3A_149, %swap3A_150], %swap3A_153 {strides = array<i32>} : memref<158x128xi32, #tpu.memory_space<vmem>>, vector<1x16xi32>,
      %get3A_154 = arith.index_cast %add3A_31 : i32 to index
      %get3A_155 = arith.constant 96 : index
      %get3A_156 = tpu.vector_load %arg8[%get3A_154, %get3A_155] {strides = array<i32>} : memref<158x128xi32, #tpu.memory_space<vmem>>, vector<1x16xi32>,
      %get3A_157 = vector.shape_cast %get3A_156 : vector<1x16xi32> to vector<16xi32>
      %sub3A_158 = vector.broadcast %mul3A_0 : i32 to vector<16xi32>
      %sub3A_159 = arith.subi %get3A_157, %sub3A_158 : vector<16xi32>
      %ge3A_160 = arith.constant 0 : i32
      %ge3A_161 = vector.broadcast %ge3A_160 : i32 to vector<16xi32>
      %ge3A_162 = arith.cmpi sge, %sub3A_159, %ge3A_161 : vector<16xi32>
      %lt3A_163 = arith.constant 5120 : i32
      %lt3A_164 = vector.broadcast %lt3A_163 : i32 to vector<16xi32>
      %lt3A_165 = arith.cmpi slt, %sub3A_159, %lt3A_164 : vector<16xi32>
      %and3A_166 = arith.andi %ge3A_162, %lt3A_165 : vector<16xi1>
      %jit3A_167 = arith.constant 5120 : i32
      %broadcast_in_dim3A_168 = vector.broadcast %jit3A_167 : i32 to vector<16xi32>
      %select_n3A_169 = arith.select %and3A_166, %sub3A_159, %broadcast_in_dim3A_168 : vector<16xi1>, vector<16xi32>
      %swap3A_170 = arith.index_cast %add3A_31 : i32 to index
      %swap3A_171 = arith.constant 96 : index
      %swap3A_172 = tpu.vector_load %arg8[%swap3A_170, %swap3A_171] {strides = array<i32>} : memref<158x128xi32, #tpu.memory_space<vmem>>, vector<1x16xi32>,
      %swap3A_173 = vector.shape_cast %swap3A_172 : vector<1x16xi32> to vector<16xi32>
      %swap3A_174 = vector.shape_cast %select_n3A_169 : vector<16xi32> to vector<1x16xi32>
      tpu.vector_store %arg8[%swap3A_170, %swap3A_171], %swap3A_174 {strides = array<i32>} : memref<158x128xi32, #tpu.memory_space<vmem>>, vector<1x16xi32>,
      %get3A_175 = arith.index_cast %add3A_31 : i32 to index
      %get3A_176 = arith.constant 112 : index
      %get3A_177 = tpu.vector_load %arg8[%get3A_175, %get3A_176] {strides = array<i32>} : memref<158x128xi32, #tpu.memory_space<vmem>>, vector<1x16xi32>,
      %get3A_178 = vector.shape_cast %get3A_177 : vector<1x16xi32> to vector<16xi32>
      %sub3A_179 = vector.broadcast %mul3A_0 : i32 to vector<16xi32>
      %sub3A_180 = arith.subi %get3A_178, %sub3A_179 : vector<16xi32>
      %ge3A_181 = arith.constant 0 : i32
      %ge3A_182 = vector.broadcast %ge3A_181 : i32 to vector<16xi32>
      %ge3A_183 = arith.cmpi sge, %sub3A_180, %ge3A_182 : vector<16xi32>
      %lt3A_184 = arith.constant 5120 : i32
      %lt3A_185 = vector.broadcast %lt3A_184 : i32 to vector<16xi32>
      %lt3A_186 = arith.cmpi slt, %sub3A_180, %lt3A_185 : vector<16xi32>
      %and3A_187 = arith.andi %ge3A_183, %lt3A_186 : vector<16xi1>
      %jit3A_188 = arith.constant 5120 : i32
      %broadcast_in_dim3A_189 = vector.broadcast %jit3A_188 : i32 to vector<16xi32>
      %select_n3A_190 = arith.select %and3A_187, %sub3A_180, %broadcast_in_dim3A_189 : vector<16xi1>, vector<16xi32>
      %swap3A_191 = arith.index_cast %add3A_31 : i32 to index
      %swap3A_192 = arith.constant 112 : index
      %swap3A_193 = tpu.vector_load %arg8[%swap3A_191, %swap3A_192] {strides = array<i32>} : memref<158x128xi32, #tpu.memory_space<vmem>>, vector<1x16xi32>,
      %swap3A_194 = vector.shape_cast %swap3A_193 : vector<1x16xi32> to vector<16xi32>
      %swap3A_195 = vector.shape_cast %select_n3A_190 : vector<16xi32> to vector<1x16xi32>
      tpu.vector_store %arg8[%swap3A_191, %swap3A_192], %swap3A_195 {strides = array<i32>} : memref<158x128xi32, #tpu.memory_space<vmem>>, vector<1x16xi32>,
      "tpu.region"() ({
        %run_scoped3A = tpu.sem_alloc : memref<!tpu.dma_semaphore, #tpu.memory_space<semaphore_mem>>
        %dma_start3A_384 = arith.constant 0 : i32
        %dma_start3A_385 = tpu.memref_slice %arg8[%add3A_31, %dma_start3A_384] : memref<158x128xi32, #tpu.memory_space<vmem>> -> memref<1x128xi32, #tpu.memory_space<vmem>>
        %dma_start3A_386 = tpu.memref_squeeze %dma_start3A_385 : memref<1x128xi32, #tpu.memory_space<vmem>> -> memref<128xi32, #tpu.memory_space<vmem>>
        %dma_start3A_387 = arith.constant 0 : i32
        %dma_start3A_388 = arith.constant 0 : i32
        %dma_start3A_389 = tpu.memref_slice %arg11[%dma_start3A_387, %dma_start3A_388] : memref<5248x128xf32, #tpu.memory_space<vmem_shared>> -> memref<5248x128xf32, #tpu.memory_space<vmem_shared>>
        tpu.enqueue_indirect_dma source(%arg9 : memref<128x128xf32, #tpu.memory_space<vmem>>) target(%dma_start3A_389 : memref<5248x128xf32, #tpu.memory_space<vmem_shared>>) offsets(%dma_start3A_386 : memref<128xi32, #tpu.memory_space<vmem>>) semaphore(%run_scoped3A : memref<!tpu.dma_semaphore, #tpu.memory_space<semaphore_mem>>) {add = true}
        %dma_wait3A_390 = arith.constant 0 : i32
        %dma_wait3A_391 = tpu.memref_slice %arg8[%add3A_31, %dma_wait3A_390] : memref<158x128xi32, #tpu.memory_space<vmem>> -> memref<1x128xi32, #tpu.memory_space<vmem>>
        %dma_wait3A_392 = tpu.memref_squeeze %dma_wait3A_391 : memref<1x128xi32, #tpu.memory_space<vmem>> -> memref<128xi32, #tpu.memory_space<vmem>>
        %dma_wait3A_393 = arith.constant 0 : i32
        %dma_wait3A_394 = arith.constant 0 : i32
        %dma_wait3A_395 = tpu.memref_slice %arg11[%dma_wait3A_393, %dma_wait3A_394] : memref<5248x128xf32, #tpu.memory_space<vmem_shared>> -> memref<5248x128xf32, #tpu.memory_space<vmem_shared>>
        tpu.wait_indirect_dma semaphore(%run_scoped3A : memref<!tpu.dma_semaphore, #tpu.memory_space<semaphore_mem>>) src(%arg9 : memref<128x128xf32, #tpu.memory_space<vmem>>) dst(%dma_wait3A_395 : memref<5248x128xf32, #tpu.memory_space<vmem_shared>>)
        tpu.yield
      }) : () -> ()
      %add3A_196 = arith.constant 2 : i32
      %add3A_197 = arith.addi %add3A_31, %add3A_196 : i32
      %lt3A_198 = arith.constant 158 : i32
      %lt3A_199 = arith.cmpi slt, %add3A_197, %lt3A_198 : i32
      %convert_element_type3A = arith.extui %lt3A_199 : i1 to i32
      %cond3A = arith.constant 0 : i32
      %cond3A_200 = arith.cmpi ne, %convert_element_type3A, %cond3A : i32
      scf.if %cond3A_200 {
        %add3A_384 = arith.constant 2 : i32
        %add3A_385 = arith.addi %add3A_31, %add3A_384 : i32
        %dma_start3A_386 = arith.constant 0 : i32
        %dma_start3A_387 = tpu.memref_slice %arg7[%add3A_385, %dma_start3A_386] : memref<158x128xi32, #tpu.memory_space<vmem>> -> memref<1x128xi32, #tpu.memory_space<vmem>>
        %dma_start3A_388 = tpu.memref_squeeze %dma_start3A_387 : memref<1x128xi32, #tpu.memory_space<vmem>> -> memref<128xi32, #tpu.memory_space<vmem>>
        %dma_start3A_389 = arith.constant 0 : i32
        %dma_start3A_390 = arith.constant 0 : i32
        %dma_start3A_391 = tpu.memref_slice %arg2[%dma_start3A_389, %dma_start3A_390] : memref<10000x128xf32, #tpu.memory_space<hbm>> -> memref<10000x128xf32, #tpu.memory_space<hbm>>
        tpu.enqueue_indirect_dma source(%dma_start3A_391 : memref<10000x128xf32, #tpu.memory_space<hbm>>) target(%arg9 : memref<128x128xf32, #tpu.memory_space<vmem>>) offsets(%dma_start3A_388 : memref<128xi32, #tpu.memory_space<vmem>>) semaphore(%arg12 : memref<!tpu.dma_semaphore, #tpu.memory_space<semaphore_mem>>)
      } else {
      }
      %add3A_201 = arith.constant 1 : i32
      %add3A_202 = arith.addi %mul3A_30, %add3A_201 : i32
      %dma_wait3A_203 = arith.constant 0 : i32
      %dma_wait3A_204 = tpu.memref_slice %arg7[%add3A_202, %dma_wait3A_203] : memref<158x128xi32, #tpu.memory_space<vmem>> -> memref<1x128xi32, #tpu.memory_space<vmem>>
      %dma_wait3A_205 = tpu.memref_squeeze %dma_wait3A_204 : memref<1x128xi32, #tpu.memory_space<vmem>> -> memref<128xi32, #tpu.memory_space<vmem>>
      %dma_wait3A_206 = arith.constant 0 : i32
      %dma_wait3A_207 = arith.constant 0 : i32
      %dma_wait3A_208 = tpu.memref_slice %arg2[%dma_wait3A_206, %dma_wait3A_207] : memref<10000x128xf32, #tpu.memory_space<hbm>> -> memref<10000x128xf32, #tpu.memory_space<hbm>>
      tpu.wait_indirect_dma semaphore(%arg13 : memref<!tpu.dma_semaphore, #tpu.memory_space<semaphore_mem>>) src(%dma_wait3A_208 : memref<10000x128xf32, #tpu.memory_space<hbm>>) dst(%arg10 : memref<128x128xf32, #tpu.memory_space<vmem>>)
      %get3A_209 = arith.index_cast %add3A_202 : i32 to index
      %get3A_210 = arith.constant 0 : index
      %get3A_211 = tpu.vector_load %arg8[%get3A_209, %get3A_210] {strides = array<i32>} : memref<158x128xi32, #tpu.memory_space<vmem>>, vector<1x16xi32>,
      %get3A_212 = vector.shape_cast %get3A_211 : vector<1x16xi32> to vector<16xi32>
      %sub3A_213 = vector.broadcast %mul3A_0 : i32 to vector<16xi32>
      %sub3A_214 = arith.subi %get3A_212, %sub3A_213 : vector<16xi32>
      %ge3A_215 = arith.constant 0 : i32
      %ge3A_216 = vector.broadcast %ge3A_215 : i32 to vector<16xi32>
      %ge3A_217 = arith.cmpi sge, %sub3A_214, %ge3A_216 : vector<16xi32>
      %lt3A_218 = arith.constant 5120 : i32
      %lt3A_219 = vector.broadcast %lt3A_218 : i32 to vector<16xi32>
      %lt3A_220 = arith.cmpi slt, %sub3A_214, %lt3A_219 : vector<16xi32>
      %and3A_221 = arith.andi %ge3A_217, %lt3A_220 : vector<16xi1>
      %jit3A_222 = arith.constant 5120 : i32
      %broadcast_in_dim3A_223 = vector.broadcast %jit3A_222 : i32 to vector<16xi32>
      %select_n3A_224 = arith.select %and3A_221, %sub3A_214, %broadcast_in_dim3A_223 : vector<16xi1>, vector<16xi32>
      %swap3A_225 = arith.index_cast %add3A_202 : i32 to index
      %swap3A_226 = arith.constant 0 : index
      %swap3A_227 = tpu.vector_load %arg8[%swap3A_225, %swap3A_226] {strides = array<i32>} : memref<158x128xi32, #tpu.memory_space<vmem>>, vector<1x16xi32>,
      %swap3A_228 = vector.shape_cast %swap3A_227 : vector<1x16xi32> to vector<16xi32>
      %swap3A_229 = vector.shape_cast %select_n3A_224 : vector<16xi32> to vector<1x16xi32>
      tpu.vector_store %arg8[%swap3A_225, %swap3A_226], %swap3A_229 {strides = array<i32>} : memref<158x128xi32, #tpu.memory_space<vmem>>, vector<1x16xi32>,
      %get3A_230 = arith.index_cast %add3A_202 : i32 to index
      %get3A_231 = arith.constant 16 : index
      %get3A_232 = tpu.vector_load %arg8[%get3A_230, %get3A_231] {strides = array<i32>} : memref<158x128xi32, #tpu.memory_space<vmem>>, vector<1x16xi32>,
      %get3A_233 = vector.shape_cast %get3A_232 : vector<1x16xi32> to vector<16xi32>
      %sub3A_234 = vector.broadcast %mul3A_0 : i32 to vector<16xi32>
      %sub3A_235 = arith.subi %get3A_233, %sub3A_234 : vector<16xi32>
      %ge3A_236 = arith.constant 0 : i32
      %ge3A_237 = vector.broadcast %ge3A_236 : i32 to vector<16xi32>
      %ge3A_238 = arith.cmpi sge, %sub3A_235, %ge3A_237 : vector<16xi32>
      %lt3A_239 = arith.constant 5120 : i32
      %lt3A_240 = vector.broadcast %lt3A_239 : i32 to vector<16xi32>
      %lt3A_241 = arith.cmpi slt, %sub3A_235, %lt3A_240 : vector<16xi32>
      %and3A_242 = arith.andi %ge3A_238, %lt3A_241 : vector<16xi1>
      %jit3A_243 = arith.constant 5120 : i32
      %broadcast_in_dim3A_244 = vector.broadcast %jit3A_243 : i32 to vector<16xi32>
      %select_n3A_245 = arith.select %and3A_242, %sub3A_235, %broadcast_in_dim3A_244 : vector<16xi1>, vector<16xi32>
      %swap3A_246 = arith.index_cast %add3A_202 : i32 to index
      %swap3A_247 = arith.constant 16 : index
      %swap3A_248 = tpu.vector_load %arg8[%swap3A_246, %swap3A_247] {strides = array<i32>} : memref<158x128xi32, #tpu.memory_space<vmem>>, vector<1x16xi32>,
      %swap3A_249 = vector.shape_cast %swap3A_248 : vector<1x16xi32> to vector<16xi32>
      %swap3A_250 = vector.shape_cast %select_n3A_245 : vector<16xi32> to vector<1x16xi32>
      tpu.vector_store %arg8[%swap3A_246, %swap3A_247], %swap3A_250 {strides = array<i32>} : memref<158x128xi32, #tpu.memory_space<vmem>>, vector<1x16xi32>,
      %get3A_251 = arith.index_cast %add3A_202 : i32 to index
      %get3A_252 = arith.constant 32 : index
      %get3A_253 = tpu.vector_load %arg8[%get3A_251, %get3A_252] {strides = array<i32>} : memref<158x128xi32, #tpu.memory_space<vmem>>, vector<1x16xi32>,
      %get3A_254 = vector.shape_cast %get3A_253 : vector<1x16xi32> to vector<16xi32>
      %sub3A_255 = vector.broadcast %mul3A_0 : i32 to vector<16xi32>
      %sub3A_256 = arith.subi %get3A_254, %sub3A_255 : vector<16xi32>
      %ge3A_257 = arith.constant 0 : i32
      %ge3A_258 = vector.broadcast %ge3A_257 : i32 to vector<16xi32>
      %ge3A_259 = arith.cmpi sge, %sub3A_256, %ge3A_258 : vector<16xi32>
      %lt3A_260 = arith.constant 5120 : i32
      %lt3A_261 = vector.broadcast %lt3A_260 : i32 to vector<16xi32>
      %lt3A_262 = arith.cmpi slt, %sub3A_256, %lt3A_261 : vector<16xi32>
      %and3A_263 = arith.andi %ge3A_259, %lt3A_262 : vector<16xi1>
      %jit3A_264 = arith.constant 5120 : i32
      %broadcast_in_dim3A_265 = vector.broadcast %jit3A_264 : i32 to vector<16xi32>
      %select_n3A_266 = arith.select %and3A_263, %sub3A_256, %broadcast_in_dim3A_265 : vector<16xi1>, vector<16xi32>
      %swap3A_267 = arith.index_cast %add3A_202 : i32 to index
      %swap3A_268 = arith.constant 32 : index
      %swap3A_269 = tpu.vector_load %arg8[%swap3A_267, %swap3A_268] {strides = array<i32>} : memref<158x128xi32, #tpu.memory_space<vmem>>, vector<1x16xi32>,
      %swap3A_270 = vector.shape_cast %swap3A_269 : vector<1x16xi32> to vector<16xi32>
      %swap3A_271 = vector.shape_cast %select_n3A_266 : vector<16xi32> to vector<1x16xi32>
      tpu.vector_store %arg8[%swap3A_267, %swap3A_268], %swap3A_271 {strides = array<i32>} : memref<158x128xi32, #tpu.memory_space<vmem>>, vector<1x16xi32>,
      %get3A_272 = arith.index_cast %add3A_202 : i32 to index
      %get3A_273 = arith.constant 48 : index
      %get3A_274 = tpu.vector_load %arg8[%get3A_272, %get3A_273] {strides = array<i32>} : memref<158x128xi32, #tpu.memory_space<vmem>>, vector<1x16xi32>,
      %get3A_275 = vector.shape_cast %get3A_274 : vector<1x16xi32> to vector<16xi32>
      %sub3A_276 = vector.broadcast %mul3A_0 : i32 to vector<16xi32>
      %sub3A_277 = arith.subi %get3A_275, %sub3A_276 : vector<16xi32>
      %ge3A_278 = arith.constant 0 : i32
      %ge3A_279 = vector.broadcast %ge3A_278 : i32 to vector<16xi32>
      %ge3A_280 = arith.cmpi sge, %sub3A_277, %ge3A_279 : vector<16xi32>
      %lt3A_281 = arith.constant 5120 : i32
      %lt3A_282 = vector.broadcast %lt3A_281 : i32 to vector<16xi32>
      %lt3A_283 = arith.cmpi slt, %sub3A_277, %lt3A_282 : vector<16xi32>
      %and3A_284 = arith.andi %ge3A_280, %lt3A_283 : vector<16xi1>
      %jit3A_285 = arith.constant 5120 : i32
      %broadcast_in_dim3A_286 = vector.broadcast %jit3A_285 : i32 to vector<16xi32>
      %select_n3A_287 = arith.select %and3A_284, %sub3A_277, %broadcast_in_dim3A_286 : vector<16xi1>, vector<16xi32>
      %swap3A_288 = arith.index_cast %add3A_202 : i32 to index
      %swap3A_289 = arith.constant 48 : index
      %swap3A_290 = tpu.vector_load %arg8[%swap3A_288, %swap3A_289] {strides = array<i32>} : memref<158x128xi32, #tpu.memory_space<vmem>>, vector<1x16xi32>,
      %swap3A_291 = vector.shape_cast %swap3A_290 : vector<1x16xi32> to vector<16xi32>
      %swap3A_292 = vector.shape_cast %select_n3A_287 : vector<16xi32> to vector<1x16xi32>
      tpu.vector_store %arg8[%swap3A_288, %swap3A_289], %swap3A_292 {strides = array<i32>} : memref<158x128xi32, #tpu.memory_space<vmem>>, vector<1x16xi32>,
      %get3A_293 = arith.index_cast %add3A_202 : i32 to index
      %get3A_294 = arith.constant 64 : index
      %get3A_295 = tpu.vector_load %arg8[%get3A_293, %get3A_294] {strides = array<i32>} : memref<158x128xi32, #tpu.memory_space<vmem>>, vector<1x16xi32>,
      %get3A_296 = vector.shape_cast %get3A_295 : vector<1x16xi32> to vector<16xi32>
      %sub3A_297 = vector.broadcast %mul3A_0 : i32 to vector<16xi32>
      %sub3A_298 = arith.subi %get3A_296, %sub3A_297 : vector<16xi32>
      %ge3A_299 = arith.constant 0 : i32
      %ge3A_300 = vector.broadcast %ge3A_299 : i32 to vector<16xi32>
      %ge3A_301 = arith.cmpi sge, %sub3A_298, %ge3A_300 : vector<16xi32>
      %lt3A_302 = arith.constant 5120 : i32
      %lt3A_303 = vector.broadcast %lt3A_302 : i32 to vector<16xi32>
      %lt3A_304 = arith.cmpi slt, %sub3A_298, %lt3A_303 : vector<16xi32>
      %and3A_305 = arith.andi %ge3A_301, %lt3A_304 : vector<16xi1>
      %jit3A_306 = arith.constant 5120 : i32
      %broadcast_in_dim3A_307 = vector.broadcast %jit3A_306 : i32 to vector<16xi32>
      %select_n3A_308 = arith.select %and3A_305, %sub3A_298, %broadcast_in_dim3A_307 : vector<16xi1>, vector<16xi32>
      %swap3A_309 = arith.index_cast %add3A_202 : i32 to index
      %swap3A_310 = arith.constant 64 : index
      %swap3A_311 = tpu.vector_load %arg8[%swap3A_309, %swap3A_310] {strides = array<i32>} : memref<158x128xi32, #tpu.memory_space<vmem>>, vector<1x16xi32>,
      %swap3A_312 = vector.shape_cast %swap3A_311 : vector<1x16xi32> to vector<16xi32>
      %swap3A_313 = vector.shape_cast %select_n3A_308 : vector<16xi32> to vector<1x16xi32>
      tpu.vector_store %arg8[%swap3A_309, %swap3A_310], %swap3A_313 {strides = array<i32>} : memref<158x128xi32, #tpu.memory_space<vmem>>, vector<1x16xi32>,
      %get3A_314 = arith.index_cast %add3A_202 : i32 to index
      %get3A_315 = arith.constant 80 : index
      %get3A_316 = tpu.vector_load %arg8[%get3A_314, %get3A_315] {strides = array<i32>} : memref<158x128xi32, #tpu.memory_space<vmem>>, vector<1x16xi32>,
      %get3A_317 = vector.shape_cast %get3A_316 : vector<1x16xi32> to vector<16xi32>
      %sub3A_318 = vector.broadcast %mul3A_0 : i32 to vector<16xi32>
      %sub3A_319 = arith.subi %get3A_317, %sub3A_318 : vector<16xi32>
      %ge3A_320 = arith.constant 0 : i32
      %ge3A_321 = vector.broadcast %ge3A_320 : i32 to vector<16xi32>
      %ge3A_322 = arith.cmpi sge, %sub3A_319, %ge3A_321 : vector<16xi32>
      %lt3A_323 = arith.constant 5120 : i32
      %lt3A_324 = vector.broadcast %lt3A_323 : i32 to vector<16xi32>
      %lt3A_325 = arith.cmpi slt, %sub3A_319, %lt3A_324 : vector<16xi32>
      %and3A_326 = arith.andi %ge3A_322, %lt3A_325 : vector<16xi1>
      %jit3A_327 = arith.constant 5120 : i32
      %broadcast_in_dim3A_328 = vector.broadcast %jit3A_327 : i32 to vector<16xi32>
      %select_n3A_329 = arith.select %and3A_326, %sub3A_319, %broadcast_in_dim3A_328 : vector<16xi1>, vector<16xi32>
      %swap3A_330 = arith.index_cast %add3A_202 : i32 to index
      %swap3A_331 = arith.constant 80 : index
      %swap3A_332 = tpu.vector_load %arg8[%swap3A_330, %swap3A_331] {strides = array<i32>} : memref<158x128xi32, #tpu.memory_space<vmem>>, vector<1x16xi32>,
      %swap3A_333 = vector.shape_cast %swap3A_332 : vector<1x16xi32> to vector<16xi32>
      %swap3A_334 = vector.shape_cast %select_n3A_329 : vector<16xi32> to vector<1x16xi32>
      tpu.vector_store %arg8[%swap3A_330, %swap3A_331], %swap3A_334 {strides = array<i32>} : memref<158x128xi32, #tpu.memory_space<vmem>>, vector<1x16xi32>,
      %get3A_335 = arith.index_cast %add3A_202 : i32 to index
      %get3A_336 = arith.constant 96 : index
      %get3A_337 = tpu.vector_load %arg8[%get3A_335, %get3A_336] {strides = array<i32>} : memref<158x128xi32, #tpu.memory_space<vmem>>, vector<1x16xi32>,
      %get3A_338 = vector.shape_cast %get3A_337 : vector<1x16xi32> to vector<16xi32>
      %sub3A_339 = vector.broadcast %mul3A_0 : i32 to vector<16xi32>
      %sub3A_340 = arith.subi %get3A_338, %sub3A_339 : vector<16xi32>
      %ge3A_341 = arith.constant 0 : i32
      %ge3A_342 = vector.broadcast %ge3A_341 : i32 to vector<16xi32>
      %ge3A_343 = arith.cmpi sge, %sub3A_340, %ge3A_342 : vector<16xi32>
      %lt3A_344 = arith.constant 5120 : i32
      %lt3A_345 = vector.broadcast %lt3A_344 : i32 to vector<16xi32>
      %lt3A_346 = arith.cmpi slt, %sub3A_340, %lt3A_345 : vector<16xi32>
      %and3A_347 = arith.andi %ge3A_343, %lt3A_346 : vector<16xi1>
      %jit3A_348 = arith.constant 5120 : i32
      %broadcast_in_dim3A_349 = vector.broadcast %jit3A_348 : i32 to vector<16xi32>
      %select_n3A_350 = arith.select %and3A_347, %sub3A_340, %broadcast_in_dim3A_349 : vector<16xi1>, vector<16xi32>
      %swap3A_351 = arith.index_cast %add3A_202 : i32 to index
      %swap3A_352 = arith.constant 96 : index
      %swap3A_353 = tpu.vector_load %arg8[%swap3A_351, %swap3A_352] {strides = array<i32>} : memref<158x128xi32, #tpu.memory_space<vmem>>, vector<1x16xi32>,
      %swap3A_354 = vector.shape_cast %swap3A_353 : vector<1x16xi32> to vector<16xi32>
      %swap3A_355 = vector.shape_cast %select_n3A_350 : vector<16xi32> to vector<1x16xi32>
      tpu.vector_store %arg8[%swap3A_351, %swap3A_352], %swap3A_355 {strides = array<i32>} : memref<158x128xi32, #tpu.memory_space<vmem>>, vector<1x16xi32>,
      %get3A_356 = arith.index_cast %add3A_202 : i32 to index
      %get3A_357 = arith.constant 112 : index
      %get3A_358 = tpu.vector_load %arg8[%get3A_356, %get3A_357] {strides = array<i32>} : memref<158x128xi32, #tpu.memory_space<vmem>>, vector<1x16xi32>,
      %get3A_359 = vector.shape_cast %get3A_358 : vector<1x16xi32> to vector<16xi32>
      %sub3A_360 = vector.broadcast %mul3A_0 : i32 to vector<16xi32>
      %sub3A_361 = arith.subi %get3A_359, %sub3A_360 : vector<16xi32>
      %ge3A_362 = arith.constant 0 : i32
      %ge3A_363 = vector.broadcast %ge3A_362 : i32 to vector<16xi32>
      %ge3A_364 = arith.cmpi sge, %sub3A_361, %ge3A_363 : vector<16xi32>
      %lt3A_365 = arith.constant 5120 : i32
      %lt3A_366 = vector.broadcast %lt3A_365 : i32 to vector<16xi32>
      %lt3A_367 = arith.cmpi slt, %sub3A_361, %lt3A_366 : vector<16xi32>
      %and3A_368 = arith.andi %ge3A_364, %lt3A_367 : vector<16xi1>
      %jit3A_369 = arith.constant 5120 : i32
      %broadcast_in_dim3A_370 = vector.broadcast %jit3A_369 : i32 to vector<16xi32>
      %select_n3A_371 = arith.select %and3A_368, %sub3A_361, %broadcast_in_dim3A_370 : vector<16xi1>, vector<16xi32>
      %swap3A_372 = arith.index_cast %add3A_202 : i32 to index
      %swap3A_373 = arith.constant 112 : index
      %swap3A_374 = tpu.vector_load %arg8[%swap3A_372, %swap3A_373] {strides = array<i32>} : memref<158x128xi32, #tpu.memory_space<vmem>>, vector<1x16xi32>,
      %swap3A_375 = vector.shape_cast %swap3A_374 : vector<1x16xi32> to vector<16xi32>
      %swap3A_376 = vector.shape_cast %select_n3A_371 : vector<16xi32> to vector<1x16xi32>
      tpu.vector_store %arg8[%swap3A_372, %swap3A_373], %swap3A_376 {strides = array<i32>} : memref<158x128xi32, #tpu.memory_space<vmem>>, vector<1x16xi32>,
      "tpu.region"() ({
        %run_scoped3A = tpu.sem_alloc : memref<!tpu.dma_semaphore, #tpu.memory_space<semaphore_mem>>
        %dma_start3A_384 = arith.constant 0 : i32
        %dma_start3A_385 = tpu.memref_slice %arg8[%add3A_202, %dma_start3A_384] : memref<158x128xi32, #tpu.memory_space<vmem>> -> memref<1x128xi32, #tpu.memory_space<vmem>>
        %dma_start3A_386 = tpu.memref_squeeze %dma_start3A_385 : memref<1x128xi32, #tpu.memory_space<vmem>> -> memref<128xi32, #tpu.memory_space<vmem>>
        %dma_start3A_387 = arith.constant 0 : i32
        %dma_start3A_388 = arith.constant 0 : i32
        %dma_start3A_389 = tpu.memref_slice %arg11[%dma_start3A_387, %dma_start3A_388] : memref<5248x128xf32, #tpu.memory_space<vmem_shared>> -> memref<5248x128xf32, #tpu.memory_space<vmem_shared>>
        tpu.enqueue_indirect_dma source(%arg10 : memref<128x128xf32, #tpu.memory_space<vmem>>) target(%dma_start3A_389 : memref<5248x128xf32, #tpu.memory_space<vmem_shared>>) offsets(%dma_start3A_386 : memref<128xi32, #tpu.memory_space<vmem>>) semaphore(%run_scoped3A : memref<!tpu.dma_semaphore, #tpu.memory_space<semaphore_mem>>) {add = true}
        %dma_wait3A_390 = arith.constant 0 : i32
        %dma_wait3A_391 = tpu.memref_slice %arg8[%add3A_202, %dma_wait3A_390] : memref<158x128xi32, #tpu.memory_space<vmem>> -> memref<1x128xi32, #tpu.memory_space<vmem>>
        %dma_wait3A_392 = tpu.memref_squeeze %dma_wait3A_391 : memref<1x128xi32, #tpu.memory_space<vmem>> -> memref<128xi32, #tpu.memory_space<vmem>>
        %dma_wait3A_393 = arith.constant 0 : i32
        %dma_wait3A_394 = arith.constant 0 : i32
        %dma_wait3A_395 = tpu.memref_slice %arg11[%dma_wait3A_393, %dma_wait3A_394] : memref<5248x128xf32, #tpu.memory_space<vmem_shared>> -> memref<5248x128xf32, #tpu.memory_space<vmem_shared>>
        tpu.wait_indirect_dma semaphore(%run_scoped3A : memref<!tpu.dma_semaphore, #tpu.memory_space<semaphore_mem>>) src(%arg10 : memref<128x128xf32, #tpu.memory_space<vmem>>) dst(%dma_wait3A_395 : memref<5248x128xf32, #tpu.memory_space<vmem_shared>>)
        tpu.yield
      }) : () -> ()
      %add3A_377 = arith.constant 2 : i32
      %add3A_378 = arith.addi %add3A_202, %add3A_377 : i32
      %lt3A_379 = arith.constant 158 : i32
      %lt3A_380 = arith.cmpi slt, %add3A_378, %lt3A_379 : i32
      %convert_element_type3A_381 = arith.extui %lt3A_380 : i1 to i32
      %cond3A_382 = arith.constant 0 : i32
      %cond3A_383 = arith.cmpi ne, %convert_element_type3A_381, %cond3A_382 : i32
      scf.if %cond3A_383 {
        %add3A_384 = arith.constant 2 : i32
        %add3A_385 = arith.addi %add3A_202, %add3A_384 : i32
        %dma_start3A_386 = arith.constant 0 : i32
        %dma_start3A_387 = tpu.memref_slice %arg7[%add3A_385, %dma_start3A_386] : memref<158x128xi32, #tpu.memory_space<vmem>> -> memref<1x128xi32, #tpu.memory_space<vmem>>
        %dma_start3A_388 = tpu.memref_squeeze %dma_start3A_387 : memref<1x128xi32, #tpu.memory_space<vmem>> -> memref<128xi32, #tpu.memory_space<vmem>>
        %dma_start3A_389 = arith.constant 0 : i32
        %dma_start3A_390 = arith.constant 0 : i32
        %dma_start3A_391 = tpu.memref_slice %arg2[%dma_start3A_389, %dma_start3A_390] : memref<10000x128xf32, #tpu.memory_space<hbm>> -> memref<10000x128xf32, #tpu.memory_space<hbm>>
        tpu.enqueue_indirect_dma source(%dma_start3A_391 : memref<10000x128xf32, #tpu.memory_space<hbm>>) target(%arg10 : memref<128x128xf32, #tpu.memory_space<vmem>>) offsets(%dma_start3A_388 : memref<128xi32, #tpu.memory_space<vmem>>) semaphore(%arg13 : memref<!tpu.dma_semaphore, #tpu.memory_space<semaphore_mem>>)
      } else {
      }
    }
    %scan3A_22 = arith.constant 79 : i32
    %barrier3A_23 = arith.constant 0 : index
    tpu.barrier barrier_id(%barrier3A_23)
    %mul3A_24 = arith.constant 320 : i32
    %mul3A_25 = arith.muli %arg1, %mul3A_24 : i32
    %mul3A_26 = arith.constant 320 : i32
    %mul3A_27 = arith.muli %arg1, %mul3A_26 : i32
    "tpu.region"() ({
      %run_scoped3A = tpu.sem_alloc : memref<!tpu.dma_semaphore, #tpu.memory_space<semaphore_mem>>
      %dma_start3A_28 = arith.constant 0 : i32
      %dma_start3A_29 = tpu.memref_slice %arg6[%arg0, %mul3A_27, %dma_start3A_28] : memref<2x5120x128xf32, #tpu.memory_space<hbm>> -> memref<1x320x128xf32, #tpu.memory_space<hbm>>
      %dma_start3A_30 = tpu.memref_squeeze %dma_start3A_29 : memref<1x320x128xf32, #tpu.memory_space<hbm>> -> memref<320x128xf32, #tpu.memory_space<hbm>>
      %dma_start3A_31 = arith.constant 0 : i32
      %dma_start3A_32 = tpu.memref_slice %arg11[%mul3A_25, %dma_start3A_31] : memref<5248x128xf32, #tpu.memory_space<vmem_shared>> -> memref<320x128xf32, #tpu.memory_space<vmem_shared>>
      tpu.enqueue_dma source(%dma_start3A_32 : memref<320x128xf32, #tpu.memory_space<vmem_shared>>) target(%dma_start3A_30 : memref<320x128xf32, #tpu.memory_space<hbm>>) target_semaphore(%run_scoped3A : memref<!tpu.dma_semaphore, #tpu.memory_space<semaphore_mem>>)
      %dma_wait3A = arith.constant 0 : i32
      %dma_wait3A_33 = tpu.memref_slice %arg6[%arg0, %mul3A_27, %dma_wait3A] : memref<2x5120x128xf32, #tpu.memory_space<hbm>> -> memref<1x320x128xf32, #tpu.memory_space<hbm>>
      %dma_wait3A_34 = tpu.memref_squeeze %dma_wait3A_33 : memref<1x320x128xf32, #tpu.memory_space<hbm>> -> memref<320x128xf32, #tpu.memory_space<hbm>>
      %dma_wait3A_35 = arith.constant 0 : i32
      %dma_wait3A_36 = tpu.memref_slice %arg11[%mul3A_25, %dma_wait3A_35] : memref<5248x128xf32, #tpu.memory_space<vmem_shared>> -> memref<320x128xf32, #tpu.memory_space<vmem_shared>>
      tpu.wait_dma2 semaphore(%run_scoped3A : memref<!tpu.dma_semaphore, #tpu.memory_space<semaphore_mem>>) src(%dma_wait3A_36 : memref<320x128xf32, #tpu.memory_space<vmem_shared>>) dst(%dma_wait3A_34 : memref<320x128xf32, #tpu.memory_space<hbm>>)
      tpu.yield
    }) : () -> ()
    return
  }
}

#map = affine_map<(d0, d1) -> (0, 0)>
#map1 = affine_map<(d0, d1) -> (0, 0, 0)>
module attributes {stable_mosaic.version = 14 : i64} {
  func.func @agg(%arg0: i32, %arg1: i32, %arg2: memref<10000x128xf32, #tpu.memory_space<hbm>>, %arg3: memref<16x158x128xi32, #tpu.memory_space<hbm>>, %arg4: memref<16x158x128xi32, #tpu.memory_space<hbm>>, %arg5: memref<5248x128xf32, #tpu.memory_space<hbm>>, %arg6: memref<2x5120x128xf32, #tpu.memory_space<hbm>>, %arg7: memref<158x128xi32, #tpu.memory_space<vmem>>, %arg8: memref<158x128xi32, #tpu.memory_space<vmem>>, %arg9: memref<128x128xf32, #tpu.memory_space<vmem>>, %arg10: memref<128x128xf32, #tpu.memory_space<vmem>>, %arg11: memref<5248x128xf32, #tpu.memory_space<vmem_shared>>, %arg12: memref<!tpu.dma_semaphore, #tpu.memory_space<semaphore_mem>>, %arg13: memref<!tpu.dma_semaphore, #tpu.memory_space<semaphore_mem>>) attributes {dimension_semantics = [#tpu.dimension_semantics<core_parallel>, #tpu.dimension_semantics<subcore_parallel>], iteration_bounds = array<i64: 2, 16>, scalar_prefetch = 0 : i64, scratch_operands = 7 : i64, tpu.core_type = #tpu.core_type<sc_vector_subcore>, window_params = [{transform_indices = #map}, {transform_indices = #map1}, {transform_indices = #map1}, {transform_indices = #map}, {transform_indices = #map1}]} {
    %mul3A = arith.constant 5120 : i32
    %mul3A_0 = arith.muli %arg0, %mul3A : i32
    "tpu.region"() ({
      %run_scoped3A = tpu.sem_alloc : memref<!tpu.dma_semaphore, #tpu.memory_space<semaphore_mem>>
      %dma_start3A_28 = arith.constant 0 : i32
      %dma_start3A_29 = arith.constant 0 : i32
      %dma_start3A_30 = tpu.memref_slice %arg3[%arg1, %dma_start3A_28, %dma_start3A_29] : memref<16x158x128xi32, #tpu.memory_space<hbm>> -> memref<1x158x128xi32, #tpu.memory_space<hbm>>
      %dma_start3A_31 = tpu.memref_squeeze %dma_start3A_30 : memref<1x158x128xi32, #tpu.memory_space<hbm>> -> memref<158x128xi32, #tpu.memory_space<hbm>>
      %dma_start3A_32 = arith.constant 0 : i32
      %dma_start3A_33 = arith.constant 0 : i32
      %dma_start3A_34 = tpu.memref_slice %arg3[%arg1, %dma_start3A_32, %dma_start3A_33] : memref<16x158x128xi32, #tpu.memory_space<hbm>> -> memref<1x158x128xi32, #tpu.memory_space<hbm>>
      %dma_start3A_35 = tpu.memref_squeeze %dma_start3A_34 : memref<1x158x128xi32, #tpu.memory_space<hbm>> -> memref<158x128xi32, #tpu.memory_space<hbm>>
      tpu.enqueue_dma source(%dma_start3A_35 : memref<158x128xi32, #tpu.memory_space<hbm>>) target(%arg7 : memref<158x128xi32, #tpu.memory_space<vmem>>) target_semaphore(%run_scoped3A : memref<!tpu.dma_semaphore, #tpu.memory_space<semaphore_mem>>)
      %dma_wait3A = arith.constant 0 : i32
      %dma_wait3A_36 = arith.constant 0 : i32
      %dma_wait3A_37 = tpu.memref_slice %arg3[%arg1, %dma_wait3A, %dma_wait3A_36] : memref<16x158x128xi32, #tpu.memory_space<hbm>> -> memref<1x158x128xi32, #tpu.memory_space<hbm>>
      %dma_wait3A_38 = tpu.memref_squeeze %dma_wait3A_37 : memref<1x158x128xi32, #tpu.memory_space<hbm>> -> memref<158x128xi32, #tpu.memory_space<hbm>>
      %dma_wait3A_39 = arith.constant 0 : i32
      %dma_wait3A_40 = arith.constant 0 : i32
      %dma_wait3A_41 = tpu.memref_slice %arg3[%arg1, %dma_wait3A_39, %dma_wait3A_40] : memref<16x158x128xi32, #tpu.memory_space<hbm>> -> memref<1x158x128xi32, #tpu.memory_space<hbm>>
      %dma_wait3A_42 = tpu.memref_squeeze %dma_wait3A_41 : memref<1x158x128xi32, #tpu.memory_space<hbm>> -> memref<158x128xi32, #tpu.memory_space<hbm>>
      tpu.wait_dma2 semaphore(%run_scoped3A : memref<!tpu.dma_semaphore, #tpu.memory_space<semaphore_mem>>) src(%dma_wait3A_42 : memref<158x128xi32, #tpu.memory_space<hbm>>) dst(%arg7 : memref<158x128xi32, #tpu.memory_space<vmem>>)
      tpu.yield
    }) : () -> ()
    "tpu.region"() ({
      %run_scoped3A = tpu.sem_alloc : memref<!tpu.dma_semaphore, #tpu.memory_space<semaphore_mem>>
      %dma_start3A_28 = arith.constant 0 : i32
      %dma_start3A_29 = arith.constant 0 : i32
      %dma_start3A_30 = tpu.memref_slice %arg4[%arg1, %dma_start3A_28, %dma_start3A_29] : memref<16x158x128xi32, #tpu.memory_space<hbm>> -> memref<1x158x128xi32, #tpu.memory_space<hbm>>
      %dma_start3A_31 = tpu.memref_squeeze %dma_start3A_30 : memref<1x158x128xi32, #tpu.memory_space<hbm>> -> memref<158x128xi32, #tpu.memory_space<hbm>>
      %dma_start3A_32 = arith.constant 0 : i32
      %dma_start3A_33 = arith.constant 0 : i32
      %dma_start3A_34 = tpu.memref_slice %arg4[%arg1, %dma_start3A_32, %dma_start3A_33] : memref<16x158x128xi32, #tpu.memory_space<hbm>> -> memref<1x158x128xi32, #tpu.memory_space<hbm>>
      %dma_start3A_35 = tpu.memref_squeeze %dma_start3A_34 : memref<1x158x128xi32, #tpu.memory_space<hbm>> -> memref<158x128xi32, #tpu.memory_space<hbm>>
      tpu.enqueue_dma source(%dma_start3A_35 : memref<158x128xi32, #tpu.memory_space<hbm>>) target(%arg8 : memref<158x128xi32, #tpu.memory_space<vmem>>) target_semaphore(%run_scoped3A : memref<!tpu.dma_semaphore, #tpu.memory_space<semaphore_mem>>)
      %dma_wait3A = arith.constant 0 : i32
      %dma_wait3A_36 = arith.constant 0 : i32
      %dma_wait3A_37 = tpu.memref_slice %arg4[%arg1, %dma_wait3A, %dma_wait3A_36] : memref<16x158x128xi32, #tpu.memory_space<hbm>> -> memref<1x158x128xi32, #tpu.memory_space<hbm>>
      %dma_wait3A_38 = tpu.memref_squeeze %dma_wait3A_37 : memref<1x158x128xi32, #tpu.memory_space<hbm>> -> memref<158x128xi32, #tpu.memory_space<hbm>>
      %dma_wait3A_39 = arith.constant 0 : i32
      %dma_wait3A_40 = arith.constant 0 : i32
      %dma_wait3A_41 = tpu.memref_slice %arg4[%arg1, %dma_wait3A_39, %dma_wait3A_40] : memref<16x158x128xi32, #tpu.memory_space<hbm>> -> memref<1x158x128xi32, #tpu.memory_space<hbm>>
      %dma_wait3A_42 = tpu.memref_squeeze %dma_wait3A_41 : memref<1x158x128xi32, #tpu.memory_space<hbm>> -> memref<158x128xi32, #tpu.memory_space<hbm>>
      tpu.wait_dma2 semaphore(%run_scoped3A : memref<!tpu.dma_semaphore, #tpu.memory_space<semaphore_mem>>) src(%dma_wait3A_42 : memref<158x128xi32, #tpu.memory_space<hbm>>) dst(%arg8 : memref<158x128xi32, #tpu.memory_space<vmem>>)
      tpu.yield
    }) : () -> ()
    %mul3A_1 = arith.constant 328 : i32
    %mul3A_2 = arith.muli %arg1, %mul3A_1 : i32
    %mul3A_3 = arith.constant 328 : i32
    %mul3A_4 = arith.muli %arg1, %mul3A_3 : i32
    "tpu.region"() ({
      %run_scoped3A = tpu.sem_alloc : memref<!tpu.dma_semaphore, #tpu.memory_space<semaphore_mem>>
      %dma_start3A_28 = arith.constant 0 : i32
      %dma_start3A_29 = tpu.memref_slice %arg11[%mul3A_4, %dma_start3A_28] : memref<5248x128xf32, #tpu.memory_space<vmem_shared>> -> memref<328x128xf32, #tpu.memory_space<vmem_shared>>
      %dma_start3A_30 = arith.constant 0 : i32
      %dma_start3A_31 = tpu.memref_slice %arg5[%mul3A_2, %dma_start3A_30] : memref<5248x128xf32, #tpu.memory_space<hbm>> -> memref<328x128xf32, #tpu.memory_space<hbm>>
      tpu.enqueue_dma source(%dma_start3A_31 : memref<328x128xf32, #tpu.memory_space<hbm>>) target(%dma_start3A_29 : memref<328x128xf32, #tpu.memory_space<vmem_shared>>) target_semaphore(%run_scoped3A : memref<!tpu.dma_semaphore, #tpu.memory_space<semaphore_mem>>)
      %dma_wait3A = arith.constant 0 : i32
      %dma_wait3A_32 = tpu.memref_slice %arg11[%mul3A_4, %dma_wait3A] : memref<5248x128xf32, #tpu.memory_space<vmem_shared>> -> memref<328x128xf32, #tpu.memory_space<vmem_shared>>
      %dma_wait3A_33 = arith.constant 0 : i32
      %dma_wait3A_34 = tpu.memref_slice %arg5[%mul3A_2, %dma_wait3A_33] : memref<5248x128xf32, #tpu.memory_space<hbm>> -> memref<328x128xf32, #tpu.memory_space<hbm>>
      tpu.wait_dma2 semaphore(%run_scoped3A : memref<!tpu.dma_semaphore, #tpu.memory_space<semaphore_mem>>) src(%dma_wait3A_34 : memref<328x128xf32, #tpu.memory_space<hbm>>) dst(%dma_wait3A_32 : memref<328x128xf32, #tpu.memory_space<vmem_shared>>)
      tpu.yield
    }) : () -> ()
    %barrier3A = arith.constant 0 : index
    tpu.barrier barrier_id(%barrier3A)
    %dma_start3A = arith.constant 0 : i32
    %dma_start3A_5 = arith.constant 0 : i32
    %dma_start3A_6 = tpu.memref_slice %arg7[%dma_start3A, %dma_start3A_5] : memref<158x128xi32, #tpu.memory_space<vmem>> -> memref<1x128xi32, #tpu.memory_space<vmem>>
    %dma_start3A_7 = tpu.memref_squeeze %dma_start3A_6 : memref<1x128xi32, #tpu.memory_space<vmem>> -> memref<128xi32, #tpu.memory_space<vmem>>
    %dma_start3A_8 = arith.constant 0 : i32
    %dma_start3A_9 = arith.constant 0 : i32
    %dma_start3A_10 = tpu.memref_slice %arg2[%dma_start3A_8, %dma_start3A_9] : memref<10000x128xf32, #tpu.memory_space<hbm>> -> memref<10000x128xf32, #tpu.memory_space<hbm>>
    tpu.enqueue_indirect_dma source(%dma_start3A_10 : memref<10000x128xf32, #tpu.memory_space<hbm>>) target(%arg9 : memref<128x128xf32, #tpu.memory_space<vmem>>) offsets(%dma_start3A_7 : memref<128xi32, #tpu.memory_space<vmem>>) semaphore(%arg12 : memref<!tpu.dma_semaphore, #tpu.memory_space<semaphore_mem>>)
    %dma_start3A_11 = arith.constant 1 : i32
    %dma_start3A_12 = arith.constant 0 : i32
    %dma_start3A_13 = tpu.memref_slice %arg7[%dma_start3A_11, %dma_start3A_12] : memref<158x128xi32, #tpu.memory_space<vmem>> -> memref<1x128xi32, #tpu.memory_space<vmem>>
    %dma_start3A_14 = tpu.memref_squeeze %dma_start3A_13 : memref<1x128xi32, #tpu.memory_space<vmem>> -> memref<128xi32, #tpu.memory_space<vmem>>
    %dma_start3A_15 = arith.constant 0 : i32
    %dma_start3A_16 = arith.constant 0 : i32
    %dma_start3A_17 = tpu.memref_slice %arg2[%dma_start3A_15, %dma_start3A_16] : memref<10000x128xf32, #tpu.memory_space<hbm>> -> memref<10000x128xf32, #tpu.memory_space<hbm>>
    tpu.enqueue_indirect_dma source(%dma_start3A_17 : memref<10000x128xf32, #tpu.memory_space<hbm>>) target(%arg10 : memref<128x128xf32, #tpu.memory_space<vmem>>) offsets(%dma_start3A_14 : memref<128xi32, #tpu.memory_space<vmem>>) semaphore(%arg13 : memref<!tpu.dma_semaphore, #tpu.memory_space<semaphore_mem>>)
    %scan3A = arith.constant 0 : i32
    %scan3A_18 = arith.constant 0 : i32
    %scan3A_19 = arith.constant 79 : i32
    %scan3A_20 = arith.addi %scan3A_18, %scan3A_19 : i32
    %scan3A_21 = arith.constant 1 : i32
    scf.for %scan3A_28 = %scan3A_18 to %scan3A_20 step %scan3A_21  : i32 {
      %mul3A_29 = arith.constant 2 : i32
      %mul3A_30 = arith.muli %scan3A_28, %mul3A_29 : i32
      %add3A = arith.constant 0 : i32
      %add3A_31 = arith.addi %mul3A_30, %add3A : i32
      %dma_wait3A = arith.constant 0 : i32
      %dma_wait3A_32 = tpu.memref_slice %arg7[%add3A_31, %dma_wait3A] : memref<158x128xi32, #tpu.memory_space<vmem>> -> memref<1x128xi32, #tpu.memory_space<vmem>>
      %dma_wait3A_33 = tpu.memref_squeeze %dma_wait3A_32 : memref<1x128xi32, #tpu.memory_space<vmem>> -> memref<128xi32, #tpu.memory_space<vmem>>
      %dma_wait3A_34 = arith.constant 0 : i32
      %dma_wait3A_35 = arith.constant 0 : i32
      %dma_wait3A_36 = tpu.memref_slice %arg2[%dma_wait3A_34, %dma_wait3A_35] : memref<10000x128xf32, #tpu.memory_space<hbm>> -> memref<10000x128xf32, #tpu.memory_space<hbm>>
      tpu.wait_indirect_dma semaphore(%arg12 : memref<!tpu.dma_semaphore, #tpu.memory_space<semaphore_mem>>) src(%dma_wait3A_36 : memref<10000x128xf32, #tpu.memory_space<hbm>>) dst(%arg9 : memref<128x128xf32, #tpu.memory_space<vmem>>)
      %get3A = arith.index_cast %add3A_31 : i32 to index
      %get3A_37 = arith.constant 0 : index
      %get3A_38 = tpu.vector_load %arg8[%get3A, %get3A_37] {strides = array<i32>} : memref<158x128xi32, #tpu.memory_space<vmem>>, vector<1x16xi32>,
      %get3A_39 = vector.shape_cast %get3A_38 : vector<1x16xi32> to vector<16xi32>
      %sub3A = vector.broadcast %mul3A_0 : i32 to vector<16xi32>
      %sub3A_40 = arith.subi %get3A_39, %sub3A : vector<16xi32>
      %ge3A = arith.constant 0 : i32
      %ge3A_41 = vector.broadcast %ge3A : i32 to vector<16xi32>
      %ge3A_42 = arith.cmpi sge, %sub3A_40, %ge3A_41 : vector<16xi32>
      %lt3A = arith.constant 5120 : i32
      %lt3A_43 = vector.broadcast %lt3A : i32 to vector<16xi32>
      %lt3A_44 = arith.cmpi slt, %sub3A_40, %lt3A_43 : vector<16xi32>
      %and3A = arith.andi %ge3A_42, %lt3A_44 : vector<16xi1>
      %jit3A = arith.constant 5120 : i32
      %broadcast_in_dim3A = vector.broadcast %jit3A : i32 to vector<16xi32>
      %select_n3A = arith.select %and3A, %sub3A_40, %broadcast_in_dim3A : vector<16xi1>, vector<16xi32>
      %swap3A = arith.index_cast %add3A_31 : i32 to index
      %swap3A_45 = arith.constant 0 : index
      %swap3A_46 = tpu.vector_load %arg8[%swap3A, %swap3A_45] {strides = array<i32>} : memref<158x128xi32, #tpu.memory_space<vmem>>, vector<1x16xi32>,
      %swap3A_47 = vector.shape_cast %swap3A_46 : vector<1x16xi32> to vector<16xi32>
      %swap3A_48 = vector.shape_cast %select_n3A : vector<16xi32> to vector<1x16xi32>
      tpu.vector_store %arg8[%swap3A, %swap3A_45], %swap3A_48 {strides = array<i32>} : memref<158x128xi32, #tpu.memory_space<vmem>>, vector<1x16xi32>,
      %get3A_49 = arith.index_cast %add3A_31 : i32 to index
      %get3A_50 = arith.constant 16 : index
      %get3A_51 = tpu.vector_load %arg8[%get3A_49, %get3A_50] {strides = array<i32>} : memref<158x128xi32, #tpu.memory_space<vmem>>, vector<1x16xi32>,
      %get3A_52 = vector.shape_cast %get3A_51 : vector<1x16xi32> to vector<16xi32>
      %sub3A_53 = vector.broadcast %mul3A_0 : i32 to vector<16xi32>
      %sub3A_54 = arith.subi %get3A_52, %sub3A_53 : vector<16xi32>
      %ge3A_55 = arith.constant 0 : i32
      %ge3A_56 = vector.broadcast %ge3A_55 : i32 to vector<16xi32>
      %ge3A_57 = arith.cmpi sge, %sub3A_54, %ge3A_56 : vector<16xi32>
      %lt3A_58 = arith.constant 5120 : i32
      %lt3A_59 = vector.broadcast %lt3A_58 : i32 to vector<16xi32>
      %lt3A_60 = arith.cmpi slt, %sub3A_54, %lt3A_59 : vector<16xi32>
      %and3A_61 = arith.andi %ge3A_57, %lt3A_60 : vector<16xi1>
      %jit3A_62 = arith.constant 5120 : i32
      %broadcast_in_dim3A_63 = vector.broadcast %jit3A_62 : i32 to vector<16xi32>
      %select_n3A_64 = arith.select %and3A_61, %sub3A_54, %broadcast_in_dim3A_63 : vector<16xi1>, vector<16xi32>
      %swap3A_65 = arith.index_cast %add3A_31 : i32 to index
      %swap3A_66 = arith.constant 16 : index
      %swap3A_67 = tpu.vector_load %arg8[%swap3A_65, %swap3A_66] {strides = array<i32>} : memref<158x128xi32, #tpu.memory_space<vmem>>, vector<1x16xi32>,
      %swap3A_68 = vector.shape_cast %swap3A_67 : vector<1x16xi32> to vector<16xi32>
      %swap3A_69 = vector.shape_cast %select_n3A_64 : vector<16xi32> to vector<1x16xi32>
      tpu.vector_store %arg8[%swap3A_65, %swap3A_66], %swap3A_69 {strides = array<i32>} : memref<158x128xi32, #tpu.memory_space<vmem>>, vector<1x16xi32>,
      %get3A_70 = arith.index_cast %add3A_31 : i32 to index
      %get3A_71 = arith.constant 32 : index
      %get3A_72 = tpu.vector_load %arg8[%get3A_70, %get3A_71] {strides = array<i32>} : memref<158x128xi32, #tpu.memory_space<vmem>>, vector<1x16xi32>,
      %get3A_73 = vector.shape_cast %get3A_72 : vector<1x16xi32> to vector<16xi32>
      %sub3A_74 = vector.broadcast %mul3A_0 : i32 to vector<16xi32>
      %sub3A_75 = arith.subi %get3A_73, %sub3A_74 : vector<16xi32>
      %ge3A_76 = arith.constant 0 : i32
      %ge3A_77 = vector.broadcast %ge3A_76 : i32 to vector<16xi32>
      %ge3A_78 = arith.cmpi sge, %sub3A_75, %ge3A_77 : vector<16xi32>
      %lt3A_79 = arith.constant 5120 : i32
      %lt3A_80 = vector.broadcast %lt3A_79 : i32 to vector<16xi32>
      %lt3A_81 = arith.cmpi slt, %sub3A_75, %lt3A_80 : vector<16xi32>
      %and3A_82 = arith.andi %ge3A_78, %lt3A_81 : vector<16xi1>
      %jit3A_83 = arith.constant 5120 : i32
      %broadcast_in_dim3A_84 = vector.broadcast %jit3A_83 : i32 to vector<16xi32>
      %select_n3A_85 = arith.select %and3A_82, %sub3A_75, %broadcast_in_dim3A_84 : vector<16xi1>, vector<16xi32>
      %swap3A_86 = arith.index_cast %add3A_31 : i32 to index
      %swap3A_87 = arith.constant 32 : index
      %swap3A_88 = tpu.vector_load %arg8[%swap3A_86, %swap3A_87] {strides = array<i32>} : memref<158x128xi32, #tpu.memory_space<vmem>>, vector<1x16xi32>,
      %swap3A_89 = vector.shape_cast %swap3A_88 : vector<1x16xi32> to vector<16xi32>
      %swap3A_90 = vector.shape_cast %select_n3A_85 : vector<16xi32> to vector<1x16xi32>
      tpu.vector_store %arg8[%swap3A_86, %swap3A_87], %swap3A_90 {strides = array<i32>} : memref<158x128xi32, #tpu.memory_space<vmem>>, vector<1x16xi32>,
      %get3A_91 = arith.index_cast %add3A_31 : i32 to index
      %get3A_92 = arith.constant 48 : index
      %get3A_93 = tpu.vector_load %arg8[%get3A_91, %get3A_92] {strides = array<i32>} : memref<158x128xi32, #tpu.memory_space<vmem>>, vector<1x16xi32>,
      %get3A_94 = vector.shape_cast %get3A_93 : vector<1x16xi32> to vector<16xi32>
      %sub3A_95 = vector.broadcast %mul3A_0 : i32 to vector<16xi32>
      %sub3A_96 = arith.subi %get3A_94, %sub3A_95 : vector<16xi32>
      %ge3A_97 = arith.constant 0 : i32
      %ge3A_98 = vector.broadcast %ge3A_97 : i32 to vector<16xi32>
      %ge3A_99 = arith.cmpi sge, %sub3A_96, %ge3A_98 : vector<16xi32>
      %lt3A_100 = arith.constant 5120 : i32
      %lt3A_101 = vector.broadcast %lt3A_100 : i32 to vector<16xi32>
      %lt3A_102 = arith.cmpi slt, %sub3A_96, %lt3A_101 : vector<16xi32>
      %and3A_103 = arith.andi %ge3A_99, %lt3A_102 : vector<16xi1>
      %jit3A_104 = arith.constant 5120 : i32
      %broadcast_in_dim3A_105 = vector.broadcast %jit3A_104 : i32 to vector<16xi32>
      %select_n3A_106 = arith.select %and3A_103, %sub3A_96, %broadcast_in_dim3A_105 : vector<16xi1>, vector<16xi32>
      %swap3A_107 = arith.index_cast %add3A_31 : i32 to index
      %swap3A_108 = arith.constant 48 : index
      %swap3A_109 = tpu.vector_load %arg8[%swap3A_107, %swap3A_108] {strides = array<i32>} : memref<158x128xi32, #tpu.memory_space<vmem>>, vector<1x16xi32>,
      %swap3A_110 = vector.shape_cast %swap3A_109 : vector<1x16xi32> to vector<16xi32>
      %swap3A_111 = vector.shape_cast %select_n3A_106 : vector<16xi32> to vector<1x16xi32>
      tpu.vector_store %arg8[%swap3A_107, %swap3A_108], %swap3A_111 {strides = array<i32>} : memref<158x128xi32, #tpu.memory_space<vmem>>, vector<1x16xi32>,
      %get3A_112 = arith.index_cast %add3A_31 : i32 to index
      %get3A_113 = arith.constant 64 : index
      %get3A_114 = tpu.vector_load %arg8[%get3A_112, %get3A_113] {strides = array<i32>} : memref<158x128xi32, #tpu.memory_space<vmem>>, vector<1x16xi32>,
      %get3A_115 = vector.shape_cast %get3A_114 : vector<1x16xi32> to vector<16xi32>
      %sub3A_116 = vector.broadcast %mul3A_0 : i32 to vector<16xi32>
      %sub3A_117 = arith.subi %get3A_115, %sub3A_116 : vector<16xi32>
      %ge3A_118 = arith.constant 0 : i32
      %ge3A_119 = vector.broadcast %ge3A_118 : i32 to vector<16xi32>
      %ge3A_120 = arith.cmpi sge, %sub3A_117, %ge3A_119 : vector<16xi32>
      %lt3A_121 = arith.constant 5120 : i32
      %lt3A_122 = vector.broadcast %lt3A_121 : i32 to vector<16xi32>
      %lt3A_123 = arith.cmpi slt, %sub3A_117, %lt3A_122 : vector<16xi32>
      %and3A_124 = arith.andi %ge3A_120, %lt3A_123 : vector<16xi1>
      %jit3A_125 = arith.constant 5120 : i32
      %broadcast_in_dim3A_126 = vector.broadcast %jit3A_125 : i32 to vector<16xi32>
      %select_n3A_127 = arith.select %and3A_124, %sub3A_117, %broadcast_in_dim3A_126 : vector<16xi1>, vector<16xi32>
      %swap3A_128 = arith.index_cast %add3A_31 : i32 to index
      %swap3A_129 = arith.constant 64 : index
      %swap3A_130 = tpu.vector_load %arg8[%swap3A_128, %swap3A_129] {strides = array<i32>} : memref<158x128xi32, #tpu.memory_space<vmem>>, vector<1x16xi32>,
      %swap3A_131 = vector.shape_cast %swap3A_130 : vector<1x16xi32> to vector<16xi32>
      %swap3A_132 = vector.shape_cast %select_n3A_127 : vector<16xi32> to vector<1x16xi32>
      tpu.vector_store %arg8[%swap3A_128, %swap3A_129], %swap3A_132 {strides = array<i32>} : memref<158x128xi32, #tpu.memory_space<vmem>>, vector<1x16xi32>,
      %get3A_133 = arith.index_cast %add3A_31 : i32 to index
      %get3A_134 = arith.constant 80 : index
      %get3A_135 = tpu.vector_load %arg8[%get3A_133, %get3A_134] {strides = array<i32>} : memref<158x128xi32, #tpu.memory_space<vmem>>, vector<1x16xi32>,
      %get3A_136 = vector.shape_cast %get3A_135 : vector<1x16xi32> to vector<16xi32>
      %sub3A_137 = vector.broadcast %mul3A_0 : i32 to vector<16xi32>
      %sub3A_138 = arith.subi %get3A_136, %sub3A_137 : vector<16xi32>
      %ge3A_139 = arith.constant 0 : i32
      %ge3A_140 = vector.broadcast %ge3A_139 : i32 to vector<16xi32>
      %ge3A_141 = arith.cmpi sge, %sub3A_138, %ge3A_140 : vector<16xi32>
      %lt3A_142 = arith.constant 5120 : i32
      %lt3A_143 = vector.broadcast %lt3A_142 : i32 to vector<16xi32>
      %lt3A_144 = arith.cmpi slt, %sub3A_138, %lt3A_143 : vector<16xi32>
      %and3A_145 = arith.andi %ge3A_141, %lt3A_144 : vector<16xi1>
      %jit3A_146 = arith.constant 5120 : i32
      %broadcast_in_dim3A_147 = vector.broadcast %jit3A_146 : i32 to vector<16xi32>
      %select_n3A_148 = arith.select %and3A_145, %sub3A_138, %broadcast_in_dim3A_147 : vector<16xi1>, vector<16xi32>
      %swap3A_149 = arith.index_cast %add3A_31 : i32 to index
      %swap3A_150 = arith.constant 80 : index
      %swap3A_151 = tpu.vector_load %arg8[%swap3A_149, %swap3A_150] {strides = array<i32>} : memref<158x128xi32, #tpu.memory_space<vmem>>, vector<1x16xi32>,
      %swap3A_152 = vector.shape_cast %swap3A_151 : vector<1x16xi32> to vector<16xi32>
      %swap3A_153 = vector.shape_cast %select_n3A_148 : vector<16xi32> to vector<1x16xi32>
      tpu.vector_store %arg8[%swap3A_149, %swap3A_150], %swap3A_153 {strides = array<i32>} : memref<158x128xi32, #tpu.memory_space<vmem>>, vector<1x16xi32>,
      %get3A_154 = arith.index_cast %add3A_31 : i32 to index
      %get3A_155 = arith.constant 96 : index
      %get3A_156 = tpu.vector_load %arg8[%get3A_154, %get3A_155] {strides = array<i32>} : memref<158x128xi32, #tpu.memory_space<vmem>>, vector<1x16xi32>,
      %get3A_157 = vector.shape_cast %get3A_156 : vector<1x16xi32> to vector<16xi32>
      %sub3A_158 = vector.broadcast %mul3A_0 : i32 to vector<16xi32>
      %sub3A_159 = arith.subi %get3A_157, %sub3A_158 : vector<16xi32>
      %ge3A_160 = arith.constant 0 : i32
      %ge3A_161 = vector.broadcast %ge3A_160 : i32 to vector<16xi32>
      %ge3A_162 = arith.cmpi sge, %sub3A_159, %ge3A_161 : vector<16xi32>
      %lt3A_163 = arith.constant 5120 : i32
      %lt3A_164 = vector.broadcast %lt3A_163 : i32 to vector<16xi32>
      %lt3A_165 = arith.cmpi slt, %sub3A_159, %lt3A_164 : vector<16xi32>
      %and3A_166 = arith.andi %ge3A_162, %lt3A_165 : vector<16xi1>
      %jit3A_167 = arith.constant 5120 : i32
      %broadcast_in_dim3A_168 = vector.broadcast %jit3A_167 : i32 to vector<16xi32>
      %select_n3A_169 = arith.select %and3A_166, %sub3A_159, %broadcast_in_dim3A_168 : vector<16xi1>, vector<16xi32>
      %swap3A_170 = arith.index_cast %add3A_31 : i32 to index
      %swap3A_171 = arith.constant 96 : index
      %swap3A_172 = tpu.vector_load %arg8[%swap3A_170, %swap3A_171] {strides = array<i32>} : memref<158x128xi32, #tpu.memory_space<vmem>>, vector<1x16xi32>,
      %swap3A_173 = vector.shape_cast %swap3A_172 : vector<1x16xi32> to vector<16xi32>
      %swap3A_174 = vector.shape_cast %select_n3A_169 : vector<16xi32> to vector<1x16xi32>
      tpu.vector_store %arg8[%swap3A_170, %swap3A_171], %swap3A_174 {strides = array<i32>} : memref<158x128xi32, #tpu.memory_space<vmem>>, vector<1x16xi32>,
      %get3A_175 = arith.index_cast %add3A_31 : i32 to index
      %get3A_176 = arith.constant 112 : index
      %get3A_177 = tpu.vector_load %arg8[%get3A_175, %get3A_176] {strides = array<i32>} : memref<158x128xi32, #tpu.memory_space<vmem>>, vector<1x16xi32>,
      %get3A_178 = vector.shape_cast %get3A_177 : vector<1x16xi32> to vector<16xi32>
      %sub3A_179 = vector.broadcast %mul3A_0 : i32 to vector<16xi32>
      %sub3A_180 = arith.subi %get3A_178, %sub3A_179 : vector<16xi32>
      %ge3A_181 = arith.constant 0 : i32
      %ge3A_182 = vector.broadcast %ge3A_181 : i32 to vector<16xi32>
      %ge3A_183 = arith.cmpi sge, %sub3A_180, %ge3A_182 : vector<16xi32>
      %lt3A_184 = arith.constant 5120 : i32
      %lt3A_185 = vector.broadcast %lt3A_184 : i32 to vector<16xi32>
      %lt3A_186 = arith.cmpi slt, %sub3A_180, %lt3A_185 : vector<16xi32>
      %and3A_187 = arith.andi %ge3A_183, %lt3A_186 : vector<16xi1>
      %jit3A_188 = arith.constant 5120 : i32
      %broadcast_in_dim3A_189 = vector.broadcast %jit3A_188 : i32 to vector<16xi32>
      %select_n3A_190 = arith.select %and3A_187, %sub3A_180, %broadcast_in_dim3A_189 : vector<16xi1>, vector<16xi32>
      %swap3A_191 = arith.index_cast %add3A_31 : i32 to index
      %swap3A_192 = arith.constant 112 : index
      %swap3A_193 = tpu.vector_load %arg8[%swap3A_191, %swap3A_192] {strides = array<i32>} : memref<158x128xi32, #tpu.memory_space<vmem>>, vector<1x16xi32>,
      %swap3A_194 = vector.shape_cast %swap3A_193 : vector<1x16xi32> to vector<16xi32>
      %swap3A_195 = vector.shape_cast %select_n3A_190 : vector<16xi32> to vector<1x16xi32>
      tpu.vector_store %arg8[%swap3A_191, %swap3A_192], %swap3A_195 {strides = array<i32>} : memref<158x128xi32, #tpu.memory_space<vmem>>, vector<1x16xi32>,
      "tpu.region"() ({
        %run_scoped3A = tpu.sem_alloc : memref<!tpu.dma_semaphore, #tpu.memory_space<semaphore_mem>>
        %dma_start3A_384 = arith.constant 0 : i32
        %dma_start3A_385 = tpu.memref_slice %arg8[%add3A_31, %dma_start3A_384] : memref<158x128xi32, #tpu.memory_space<vmem>> -> memref<1x128xi32, #tpu.memory_space<vmem>>
        %dma_start3A_386 = tpu.memref_squeeze %dma_start3A_385 : memref<1x128xi32, #tpu.memory_space<vmem>> -> memref<128xi32, #tpu.memory_space<vmem>>
        %dma_start3A_387 = arith.constant 0 : i32
        %dma_start3A_388 = arith.constant 0 : i32
        %dma_start3A_389 = tpu.memref_slice %arg11[%dma_start3A_387, %dma_start3A_388] : memref<5248x128xf32, #tpu.memory_space<vmem_shared>> -> memref<5248x128xf32, #tpu.memory_space<vmem_shared>>
        tpu.enqueue_indirect_dma source(%arg9 : memref<128x128xf32, #tpu.memory_space<vmem>>) target(%dma_start3A_389 : memref<5248x128xf32, #tpu.memory_space<vmem_shared>>) offsets(%dma_start3A_386 : memref<128xi32, #tpu.memory_space<vmem>>) semaphore(%run_scoped3A : memref<!tpu.dma_semaphore, #tpu.memory_space<semaphore_mem>>) {add = true}
        %dma_wait3A_390 = arith.constant 0 : i32
        %dma_wait3A_391 = tpu.memref_slice %arg8[%add3A_31, %dma_wait3A_390] : memref<158x128xi32, #tpu.memory_space<vmem>> -> memref<1x128xi32, #tpu.memory_space<vmem>>
        %dma_wait3A_392 = tpu.memref_squeeze %dma_wait3A_391 : memref<1x128xi32, #tpu.memory_space<vmem>> -> memref<128xi32, #tpu.memory_space<vmem>>
        %dma_wait3A_393 = arith.constant 0 : i32
        %dma_wait3A_394 = arith.constant 0 : i32
        %dma_wait3A_395 = tpu.memref_slice %arg11[%dma_wait3A_393, %dma_wait3A_394] : memref<5248x128xf32, #tpu.memory_space<vmem_shared>> -> memref<5248x128xf32, #tpu.memory_space<vmem_shared>>
        tpu.wait_indirect_dma semaphore(%run_scoped3A : memref<!tpu.dma_semaphore, #tpu.memory_space<semaphore_mem>>) src(%arg9 : memref<128x128xf32, #tpu.memory_space<vmem>>) dst(%dma_wait3A_395 : memref<5248x128xf32, #tpu.memory_space<vmem_shared>>)
        tpu.yield
      }) : () -> ()
      %add3A_196 = arith.constant 2 : i32
      %add3A_197 = arith.addi %add3A_31, %add3A_196 : i32
      %lt3A_198 = arith.constant 158 : i32
      %lt3A_199 = arith.cmpi slt, %add3A_197, %lt3A_198 : i32
      %convert_element_type3A = arith.extui %lt3A_199 : i1 to i32
      %cond3A = arith.constant 0 : i32
      %cond3A_200 = arith.cmpi ne, %convert_element_type3A, %cond3A : i32
      scf.if %cond3A_200 {
        %add3A_384 = arith.constant 2 : i32
        %add3A_385 = arith.addi %add3A_31, %add3A_384 : i32
        %dma_start3A_386 = arith.constant 0 : i32
        %dma_start3A_387 = tpu.memref_slice %arg7[%add3A_385, %dma_start3A_386] : memref<158x128xi32, #tpu.memory_space<vmem>> -> memref<1x128xi32, #tpu.memory_space<vmem>>
        %dma_start3A_388 = tpu.memref_squeeze %dma_start3A_387 : memref<1x128xi32, #tpu.memory_space<vmem>> -> memref<128xi32, #tpu.memory_space<vmem>>
        %dma_start3A_389 = arith.constant 0 : i32
        %dma_start3A_390 = arith.constant 0 : i32
        %dma_start3A_391 = tpu.memref_slice %arg2[%dma_start3A_389, %dma_start3A_390] : memref<10000x128xf32, #tpu.memory_space<hbm>> -> memref<10000x128xf32, #tpu.memory_space<hbm>>
        tpu.enqueue_indirect_dma source(%dma_start3A_391 : memref<10000x128xf32, #tpu.memory_space<hbm>>) target(%arg9 : memref<128x128xf32, #tpu.memory_space<vmem>>) offsets(%dma_start3A_388 : memref<128xi32, #tpu.memory_space<vmem>>) semaphore(%arg12 : memref<!tpu.dma_semaphore, #tpu.memory_space<semaphore_mem>>)
      } else {
      }
      %add3A_201 = arith.constant 1 : i32
      %add3A_202 = arith.addi %mul3A_30, %add3A_201 : i32
      %dma_wait3A_203 = arith.constant 0 : i32
      %dma_wait3A_204 = tpu.memref_slice %arg7[%add3A_202, %dma_wait3A_203] : memref<158x128xi32, #tpu.memory_space<vmem>> -> memref<1x128xi32, #tpu.memory_space<vmem>>
      %dma_wait3A_205 = tpu.memref_squeeze %dma_wait3A_204 : memref<1x128xi32, #tpu.memory_space<vmem>> -> memref<128xi32, #tpu.memory_space<vmem>>
      %dma_wait3A_206 = arith.constant 0 : i32
      %dma_wait3A_207 = arith.constant 0 : i32
      %dma_wait3A_208 = tpu.memref_slice %arg2[%dma_wait3A_206, %dma_wait3A_207] : memref<10000x128xf32, #tpu.memory_space<hbm>> -> memref<10000x128xf32, #tpu.memory_space<hbm>>
      tpu.wait_indirect_dma semaphore(%arg13 : memref<!tpu.dma_semaphore, #tpu.memory_space<semaphore_mem>>) src(%dma_wait3A_208 : memref<10000x128xf32, #tpu.memory_space<hbm>>) dst(%arg10 : memref<128x128xf32, #tpu.memory_space<vmem>>)
      %get3A_209 = arith.index_cast %add3A_202 : i32 to index
      %get3A_210 = arith.constant 0 : index
      %get3A_211 = tpu.vector_load %arg8[%get3A_209, %get3A_210] {strides = array<i32>} : memref<158x128xi32, #tpu.memory_space<vmem>>, vector<1x16xi32>,
      %get3A_212 = vector.shape_cast %get3A_211 : vector<1x16xi32> to vector<16xi32>
      %sub3A_213 = vector.broadcast %mul3A_0 : i32 to vector<16xi32>
      %sub3A_214 = arith.subi %get3A_212, %sub3A_213 : vector<16xi32>
      %ge3A_215 = arith.constant 0 : i32
      %ge3A_216 = vector.broadcast %ge3A_215 : i32 to vector<16xi32>
      %ge3A_217 = arith.cmpi sge, %sub3A_214, %ge3A_216 : vector<16xi32>
      %lt3A_218 = arith.constant 5120 : i32
      %lt3A_219 = vector.broadcast %lt3A_218 : i32 to vector<16xi32>
      %lt3A_220 = arith.cmpi slt, %sub3A_214, %lt3A_219 : vector<16xi32>
      %and3A_221 = arith.andi %ge3A_217, %lt3A_220 : vector<16xi1>
      %jit3A_222 = arith.constant 5120 : i32
      %broadcast_in_dim3A_223 = vector.broadcast %jit3A_222 : i32 to vector<16xi32>
      %select_n3A_224 = arith.select %and3A_221, %sub3A_214, %broadcast_in_dim3A_223 : vector<16xi1>, vector<16xi32>
      %swap3A_225 = arith.index_cast %add3A_202 : i32 to index
      %swap3A_226 = arith.constant 0 : index
      %swap3A_227 = tpu.vector_load %arg8[%swap3A_225, %swap3A_226] {strides = array<i32>} : memref<158x128xi32, #tpu.memory_space<vmem>>, vector<1x16xi32>,
      %swap3A_228 = vector.shape_cast %swap3A_227 : vector<1x16xi32> to vector<16xi32>
      %swap3A_229 = vector.shape_cast %select_n3A_224 : vector<16xi32> to vector<1x16xi32>
      tpu.vector_store %arg8[%swap3A_225, %swap3A_226], %swap3A_229 {strides = array<i32>} : memref<158x128xi32, #tpu.memory_space<vmem>>, vector<1x16xi32>,
      %get3A_230 = arith.index_cast %add3A_202 : i32 to index
      %get3A_231 = arith.constant 16 : index
      %get3A_232 = tpu.vector_load %arg8[%get3A_230, %get3A_231] {strides = array<i32>} : memref<158x128xi32, #tpu.memory_space<vmem>>, vector<1x16xi32>,
      %get3A_233 = vector.shape_cast %get3A_232 : vector<1x16xi32> to vector<16xi32>
      %sub3A_234 = vector.broadcast %mul3A_0 : i32 to vector<16xi32>
      %sub3A_235 = arith.subi %get3A_233, %sub3A_234 : vector<16xi32>
      %ge3A_236 = arith.constant 0 : i32
      %ge3A_237 = vector.broadcast %ge3A_236 : i32 to vector<16xi32>
      %ge3A_238 = arith.cmpi sge, %sub3A_235, %ge3A_237 : vector<16xi32>
      %lt3A_239 = arith.constant 5120 : i32
      %lt3A_240 = vector.broadcast %lt3A_239 : i32 to vector<16xi32>
      %lt3A_241 = arith.cmpi slt, %sub3A_235, %lt3A_240 : vector<16xi32>
      %and3A_242 = arith.andi %ge3A_238, %lt3A_241 : vector<16xi1>
      %jit3A_243 = arith.constant 5120 : i32
      %broadcast_in_dim3A_244 = vector.broadcast %jit3A_243 : i32 to vector<16xi32>
      %select_n3A_245 = arith.select %and3A_242, %sub3A_235, %broadcast_in_dim3A_244 : vector<16xi1>, vector<16xi32>
      %swap3A_246 = arith.index_cast %add3A_202 : i32 to index
      %swap3A_247 = arith.constant 16 : index
      %swap3A_248 = tpu.vector_load %arg8[%swap3A_246, %swap3A_247] {strides = array<i32>} : memref<158x128xi32, #tpu.memory_space<vmem>>, vector<1x16xi32>,
      %swap3A_249 = vector.shape_cast %swap3A_248 : vector<1x16xi32> to vector<16xi32>
      %swap3A_250 = vector.shape_cast %select_n3A_245 : vector<16xi32> to vector<1x16xi32>
      tpu.vector_store %arg8[%swap3A_246, %swap3A_247], %swap3A_250 {strides = array<i32>} : memref<158x128xi32, #tpu.memory_space<vmem>>, vector<1x16xi32>,
      %get3A_251 = arith.index_cast %add3A_202 : i32 to index
      %get3A_252 = arith.constant 32 : index
      %get3A_253 = tpu.vector_load %arg8[%get3A_251, %get3A_252] {strides = array<i32>} : memref<158x128xi32, #tpu.memory_space<vmem>>, vector<1x16xi32>,
      %get3A_254 = vector.shape_cast %get3A_253 : vector<1x16xi32> to vector<16xi32>
      %sub3A_255 = vector.broadcast %mul3A_0 : i32 to vector<16xi32>
      %sub3A_256 = arith.subi %get3A_254, %sub3A_255 : vector<16xi32>
      %ge3A_257 = arith.constant 0 : i32
      %ge3A_258 = vector.broadcast %ge3A_257 : i32 to vector<16xi32>
      %ge3A_259 = arith.cmpi sge, %sub3A_256, %ge3A_258 : vector<16xi32>
      %lt3A_260 = arith.constant 5120 : i32
      %lt3A_261 = vector.broadcast %lt3A_260 : i32 to vector<16xi32>
      %lt3A_262 = arith.cmpi slt, %sub3A_256, %lt3A_261 : vector<16xi32>
      %and3A_263 = arith.andi %ge3A_259, %lt3A_262 : vector<16xi1>
      %jit3A_264 = arith.constant 5120 : i32
      %broadcast_in_dim3A_265 = vector.broadcast %jit3A_264 : i32 to vector<16xi32>
      %select_n3A_266 = arith.select %and3A_263, %sub3A_256, %broadcast_in_dim3A_265 : vector<16xi1>, vector<16xi32>
      %swap3A_267 = arith.index_cast %add3A_202 : i32 to index
      %swap3A_268 = arith.constant 32 : index
      %swap3A_269 = tpu.vector_load %arg8[%swap3A_267, %swap3A_268] {strides = array<i32>} : memref<158x128xi32, #tpu.memory_space<vmem>>, vector<1x16xi32>,
      %swap3A_270 = vector.shape_cast %swap3A_269 : vector<1x16xi32> to vector<16xi32>
      %swap3A_271 = vector.shape_cast %select_n3A_266 : vector<16xi32> to vector<1x16xi32>
      tpu.vector_store %arg8[%swap3A_267, %swap3A_268], %swap3A_271 {strides = array<i32>} : memref<158x128xi32, #tpu.memory_space<vmem>>, vector<1x16xi32>,
      %get3A_272 = arith.index_cast %add3A_202 : i32 to index
      %get3A_273 = arith.constant 48 : index
      %get3A_274 = tpu.vector_load %arg8[%get3A_272, %get3A_273] {strides = array<i32>} : memref<158x128xi32, #tpu.memory_space<vmem>>, vector<1x16xi32>,
      %get3A_275 = vector.shape_cast %get3A_274 : vector<1x16xi32> to vector<16xi32>
      %sub3A_276 = vector.broadcast %mul3A_0 : i32 to vector<16xi32>
      %sub3A_277 = arith.subi %get3A_275, %sub3A_276 : vector<16xi32>
      %ge3A_278 = arith.constant 0 : i32
      %ge3A_279 = vector.broadcast %ge3A_278 : i32 to vector<16xi32>
      %ge3A_280 = arith.cmpi sge, %sub3A_277, %ge3A_279 : vector<16xi32>
      %lt3A_281 = arith.constant 5120 : i32
      %lt3A_282 = vector.broadcast %lt3A_281 : i32 to vector<16xi32>
      %lt3A_283 = arith.cmpi slt, %sub3A_277, %lt3A_282 : vector<16xi32>
      %and3A_284 = arith.andi %ge3A_280, %lt3A_283 : vector<16xi1>
      %jit3A_285 = arith.constant 5120 : i32
      %broadcast_in_dim3A_286 = vector.broadcast %jit3A_285 : i32 to vector<16xi32>
      %select_n3A_287 = arith.select %and3A_284, %sub3A_277, %broadcast_in_dim3A_286 : vector<16xi1>, vector<16xi32>
      %swap3A_288 = arith.index_cast %add3A_202 : i32 to index
      %swap3A_289 = arith.constant 48 : index
      %swap3A_290 = tpu.vector_load %arg8[%swap3A_288, %swap3A_289] {strides = array<i32>} : memref<158x128xi32, #tpu.memory_space<vmem>>, vector<1x16xi32>,
      %swap3A_291 = vector.shape_cast %swap3A_290 : vector<1x16xi32> to vector<16xi32>
      %swap3A_292 = vector.shape_cast %select_n3A_287 : vector<16xi32> to vector<1x16xi32>
      tpu.vector_store %arg8[%swap3A_288, %swap3A_289], %swap3A_292 {strides = array<i32>} : memref<158x128xi32, #tpu.memory_space<vmem>>, vector<1x16xi32>,
      %get3A_293 = arith.index_cast %add3A_202 : i32 to index
      %get3A_294 = arith.constant 64 : index
      %get3A_295 = tpu.vector_load %arg8[%get3A_293, %get3A_294] {strides = array<i32>} : memref<158x128xi32, #tpu.memory_space<vmem>>, vector<1x16xi32>,
      %get3A_296 = vector.shape_cast %get3A_295 : vector<1x16xi32> to vector<16xi32>
      %sub3A_297 = vector.broadcast %mul3A_0 : i32 to vector<16xi32>
      %sub3A_298 = arith.subi %get3A_296, %sub3A_297 : vector<16xi32>
      %ge3A_299 = arith.constant 0 : i32
      %ge3A_300 = vector.broadcast %ge3A_299 : i32 to vector<16xi32>
      %ge3A_301 = arith.cmpi sge, %sub3A_298, %ge3A_300 : vector<16xi32>
      %lt3A_302 = arith.constant 5120 : i32
      %lt3A_303 = vector.broadcast %lt3A_302 : i32 to vector<16xi32>
      %lt3A_304 = arith.cmpi slt, %sub3A_298, %lt3A_303 : vector<16xi32>
      %and3A_305 = arith.andi %ge3A_301, %lt3A_304 : vector<16xi1>
      %jit3A_306 = arith.constant 5120 : i32
      %broadcast_in_dim3A_307 = vector.broadcast %jit3A_306 : i32 to vector<16xi32>
      %select_n3A_308 = arith.select %and3A_305, %sub3A_298, %broadcast_in_dim3A_307 : vector<16xi1>, vector<16xi32>
      %swap3A_309 = arith.index_cast %add3A_202 : i32 to index
      %swap3A_310 = arith.constant 64 : index
      %swap3A_311 = tpu.vector_load %arg8[%swap3A_309, %swap3A_310] {strides = array<i32>} : memref<158x128xi32, #tpu.memory_space<vmem>>, vector<1x16xi32>,
      %swap3A_312 = vector.shape_cast %swap3A_311 : vector<1x16xi32> to vector<16xi32>
      %swap3A_313 = vector.shape_cast %select_n3A_308 : vector<16xi32> to vector<1x16xi32>
      tpu.vector_store %arg8[%swap3A_309, %swap3A_310], %swap3A_313 {strides = array<i32>} : memref<158x128xi32, #tpu.memory_space<vmem>>, vector<1x16xi32>,
      %get3A_314 = arith.index_cast %add3A_202 : i32 to index
      %get3A_315 = arith.constant 80 : index
      %get3A_316 = tpu.vector_load %arg8[%get3A_314, %get3A_315] {strides = array<i32>} : memref<158x128xi32, #tpu.memory_space<vmem>>, vector<1x16xi32>,
      %get3A_317 = vector.shape_cast %get3A_316 : vector<1x16xi32> to vector<16xi32>
      %sub3A_318 = vector.broadcast %mul3A_0 : i32 to vector<16xi32>
      %sub3A_319 = arith.subi %get3A_317, %sub3A_318 : vector<16xi32>
      %ge3A_320 = arith.constant 0 : i32
      %ge3A_321 = vector.broadcast %ge3A_320 : i32 to vector<16xi32>
      %ge3A_322 = arith.cmpi sge, %sub3A_319, %ge3A_321 : vector<16xi32>
      %lt3A_323 = arith.constant 5120 : i32
      %lt3A_324 = vector.broadcast %lt3A_323 : i32 to vector<16xi32>
      %lt3A_325 = arith.cmpi slt, %sub3A_319, %lt3A_324 : vector<16xi32>
      %and3A_326 = arith.andi %ge3A_322, %lt3A_325 : vector<16xi1>
      %jit3A_327 = arith.constant 5120 : i32
      %broadcast_in_dim3A_328 = vector.broadcast %jit3A_327 : i32 to vector<16xi32>
      %select_n3A_329 = arith.select %and3A_326, %sub3A_319, %broadcast_in_dim3A_328 : vector<16xi1>, vector<16xi32>
      %swap3A_330 = arith.index_cast %add3A_202 : i32 to index
      %swap3A_331 = arith.constant 80 : index
      %swap3A_332 = tpu.vector_load %arg8[%swap3A_330, %swap3A_331] {strides = array<i32>} : memref<158x128xi32, #tpu.memory_space<vmem>>, vector<1x16xi32>,
      %swap3A_333 = vector.shape_cast %swap3A_332 : vector<1x16xi32> to vector<16xi32>
      %swap3A_334 = vector.shape_cast %select_n3A_329 : vector<16xi32> to vector<1x16xi32>
      tpu.vector_store %arg8[%swap3A_330, %swap3A_331], %swap3A_334 {strides = array<i32>} : memref<158x128xi32, #tpu.memory_space<vmem>>, vector<1x16xi32>,
      %get3A_335 = arith.index_cast %add3A_202 : i32 to index
      %get3A_336 = arith.constant 96 : index
      %get3A_337 = tpu.vector_load %arg8[%get3A_335, %get3A_336] {strides = array<i32>} : memref<158x128xi32, #tpu.memory_space<vmem>>, vector<1x16xi32>,
      %get3A_338 = vector.shape_cast %get3A_337 : vector<1x16xi32> to vector<16xi32>
      %sub3A_339 = vector.broadcast %mul3A_0 : i32 to vector<16xi32>
      %sub3A_340 = arith.subi %get3A_338, %sub3A_339 : vector<16xi32>
      %ge3A_341 = arith.constant 0 : i32
      %ge3A_342 = vector.broadcast %ge3A_341 : i32 to vector<16xi32>
      %ge3A_343 = arith.cmpi sge, %sub3A_340, %ge3A_342 : vector<16xi32>
      %lt3A_344 = arith.constant 5120 : i32
      %lt3A_345 = vector.broadcast %lt3A_344 : i32 to vector<16xi32>
      %lt3A_346 = arith.cmpi slt, %sub3A_340, %lt3A_345 : vector<16xi32>
      %and3A_347 = arith.andi %ge3A_343, %lt3A_346 : vector<16xi1>
      %jit3A_348 = arith.constant 5120 : i32
      %broadcast_in_dim3A_349 = vector.broadcast %jit3A_348 : i32 to vector<16xi32>
      %select_n3A_350 = arith.select %and3A_347, %sub3A_340, %broadcast_in_dim3A_349 : vector<16xi1>, vector<16xi32>
      %swap3A_351 = arith.index_cast %add3A_202 : i32 to index
      %swap3A_352 = arith.constant 96 : index
      %swap3A_353 = tpu.vector_load %arg8[%swap3A_351, %swap3A_352] {strides = array<i32>} : memref<158x128xi32, #tpu.memory_space<vmem>>, vector<1x16xi32>,
      %swap3A_354 = vector.shape_cast %swap3A_353 : vector<1x16xi32> to vector<16xi32>
      %swap3A_355 = vector.shape_cast %select_n3A_350 : vector<16xi32> to vector<1x16xi32>
      tpu.vector_store %arg8[%swap3A_351, %swap3A_352], %swap3A_355 {strides = array<i32>} : memref<158x128xi32, #tpu.memory_space<vmem>>, vector<1x16xi32>,
      %get3A_356 = arith.index_cast %add3A_202 : i32 to index
      %get3A_357 = arith.constant 112 : index
      %get3A_358 = tpu.vector_load %arg8[%get3A_356, %get3A_357] {strides = array<i32>} : memref<158x128xi32, #tpu.memory_space<vmem>>, vector<1x16xi32>,
      %get3A_359 = vector.shape_cast %get3A_358 : vector<1x16xi32> to vector<16xi32>
      %sub3A_360 = vector.broadcast %mul3A_0 : i32 to vector<16xi32>
      %sub3A_361 = arith.subi %get3A_359, %sub3A_360 : vector<16xi32>
      %ge3A_362 = arith.constant 0 : i32
      %ge3A_363 = vector.broadcast %ge3A_362 : i32 to vector<16xi32>
      %ge3A_364 = arith.cmpi sge, %sub3A_361, %ge3A_363 : vector<16xi32>
      %lt3A_365 = arith.constant 5120 : i32
      %lt3A_366 = vector.broadcast %lt3A_365 : i32 to vector<16xi32>
      %lt3A_367 = arith.cmpi slt, %sub3A_361, %lt3A_366 : vector<16xi32>
      %and3A_368 = arith.andi %ge3A_364, %lt3A_367 : vector<16xi1>
      %jit3A_369 = arith.constant 5120 : i32
      %broadcast_in_dim3A_370 = vector.broadcast %jit3A_369 : i32 to vector<16xi32>
      %select_n3A_371 = arith.select %and3A_368, %sub3A_361, %broadcast_in_dim3A_370 : vector<16xi1>, vector<16xi32>
      %swap3A_372 = arith.index_cast %add3A_202 : i32 to index
      %swap3A_373 = arith.constant 112 : index
      %swap3A_374 = tpu.vector_load %arg8[%swap3A_372, %swap3A_373] {strides = array<i32>} : memref<158x128xi32, #tpu.memory_space<vmem>>, vector<1x16xi32>,
      %swap3A_375 = vector.shape_cast %swap3A_374 : vector<1x16xi32> to vector<16xi32>
      %swap3A_376 = vector.shape_cast %select_n3A_371 : vector<16xi32> to vector<1x16xi32>
      tpu.vector_store %arg8[%swap3A_372, %swap3A_373], %swap3A_376 {strides = array<i32>} : memref<158x128xi32, #tpu.memory_space<vmem>>, vector<1x16xi32>,
      "tpu.region"() ({
        %run_scoped3A = tpu.sem_alloc : memref<!tpu.dma_semaphore, #tpu.memory_space<semaphore_mem>>
        %dma_start3A_384 = arith.constant 0 : i32
        %dma_start3A_385 = tpu.memref_slice %arg8[%add3A_202, %dma_start3A_384] : memref<158x128xi32, #tpu.memory_space<vmem>> -> memref<1x128xi32, #tpu.memory_space<vmem>>
        %dma_start3A_386 = tpu.memref_squeeze %dma_start3A_385 : memref<1x128xi32, #tpu.memory_space<vmem>> -> memref<128xi32, #tpu.memory_space<vmem>>
        %dma_start3A_387 = arith.constant 0 : i32
        %dma_start3A_388 = arith.constant 0 : i32
        %dma_start3A_389 = tpu.memref_slice %arg11[%dma_start3A_387, %dma_start3A_388] : memref<5248x128xf32, #tpu.memory_space<vmem_shared>> -> memref<5248x128xf32, #tpu.memory_space<vmem_shared>>
        tpu.enqueue_indirect_dma source(%arg10 : memref<128x128xf32, #tpu.memory_space<vmem>>) target(%dma_start3A_389 : memref<5248x128xf32, #tpu.memory_space<vmem_shared>>) offsets(%dma_start3A_386 : memref<128xi32, #tpu.memory_space<vmem>>) semaphore(%run_scoped3A : memref<!tpu.dma_semaphore, #tpu.memory_space<semaphore_mem>>) {add = true}
        %dma_wait3A_390 = arith.constant 0 : i32
        %dma_wait3A_391 = tpu.memref_slice %arg8[%add3A_202, %dma_wait3A_390] : memref<158x128xi32, #tpu.memory_space<vmem>> -> memref<1x128xi32, #tpu.memory_space<vmem>>
        %dma_wait3A_392 = tpu.memref_squeeze %dma_wait3A_391 : memref<1x128xi32, #tpu.memory_space<vmem>> -> memref<128xi32, #tpu.memory_space<vmem>>
        %dma_wait3A_393 = arith.constant 0 : i32
        %dma_wait3A_394 = arith.constant 0 : i32
        %dma_wait3A_395 = tpu.memref_slice %arg11[%dma_wait3A_393, %dma_wait3A_394] : memref<5248x128xf32, #tpu.memory_space<vmem_shared>> -> memref<5248x128xf32, #tpu.memory_space<vmem_shared>>
        tpu.wait_indirect_dma semaphore(%run_scoped3A : memref<!tpu.dma_semaphore, #tpu.memory_space<semaphore_mem>>) src(%arg10 : memref<128x128xf32, #tpu.memory_space<vmem>>) dst(%dma_wait3A_395 : memref<5248x128xf32, #tpu.memory_space<vmem_shared>>)
        tpu.yield
      }) : () -> ()
      %add3A_377 = arith.constant 2 : i32
      %add3A_378 = arith.addi %add3A_202, %add3A_377 : i32
      %lt3A_379 = arith.constant 158 : i32
      %lt3A_380 = arith.cmpi slt, %add3A_378, %lt3A_379 : i32
      %convert_element_type3A_381 = arith.extui %lt3A_380 : i1 to i32
      %cond3A_382 = arith.constant 0 : i32
      %cond3A_383 = arith.cmpi ne, %convert_element_type3A_381, %cond3A_382 : i32
      scf.if %cond3A_383 {
        %add3A_384 = arith.constant 2 : i32
        %add3A_385 = arith.addi %add3A_202, %add3A_384 : i32
        %dma_start3A_386 = arith.constant 0 : i32
        %dma_start3A_387 = tpu.memref_slice %arg7[%add3A_385, %dma_start3A_386] : memref<158x128xi32, #tpu.memory_space<vmem>> -> memref<1x128xi32, #tpu.memory_space<vmem>>
        %dma_start3A_388 = tpu.memref_squeeze %dma_start3A_387 : memref<1x128xi32, #tpu.memory_space<vmem>> -> memref<128xi32, #tpu.memory_space<vmem>>
        %dma_start3A_389 = arith.constant 0 : i32
        %dma_start3A_390 = arith.constant 0 : i32
        %dma_start3A_391 = tpu.memref_slice %arg2[%dma_start3A_389, %dma_start3A_390] : memref<10000x128xf32, #tpu.memory_space<hbm>> -> memref<10000x128xf32, #tpu.memory_space<hbm>>
        tpu.enqueue_indirect_dma source(%dma_start3A_391 : memref<10000x128xf32, #tpu.memory_space<hbm>>) target(%arg10 : memref<128x128xf32, #tpu.memory_space<vmem>>) offsets(%dma_start3A_388 : memref<128xi32, #tpu.memory_space<vmem>>) semaphore(%arg13 : memref<!tpu.dma_semaphore, #tpu.memory_space<semaphore_mem>>)
      } else {
      }
    }
    %scan3A_22 = arith.constant 79 : i32
    %barrier3A_23 = arith.constant 0 : index
    tpu.barrier barrier_id(%barrier3A_23)
    %mul3A_24 = arith.constant 320 : i32
    %mul3A_25 = arith.muli %arg1, %mul3A_24 : i32
    %mul3A_26 = arith.constant 320 : i32
    %mul3A_27 = arith.muli %arg1, %mul3A_26 : i32
    "tpu.region"() ({
      %run_scoped3A = tpu.sem_alloc : memref<!tpu.dma_semaphore, #tpu.memory_space<semaphore_mem>>
      %dma_start3A_28 = arith.constant 0 : i32
      %dma_start3A_29 = tpu.memref_slice %arg6[%arg0, %mul3A_27, %dma_start3A_28] : memref<2x5120x128xf32, #tpu.memory_space<hbm>> -> memref<1x320x128xf32, #tpu.memory_space<hbm>>
      %dma_start3A_30 = tpu.memref_squeeze %dma_start3A_29 : memref<1x320x128xf32, #tpu.memory_space<hbm>> -> memref<320x128xf32, #tpu.memory_space<hbm>>
      %dma_start3A_31 = arith.constant 0 : i32
      %dma_start3A_32 = tpu.memref_slice %arg11[%mul3A_25, %dma_start3A_31] : memref<5248x128xf32, #tpu.memory_space<vmem_shared>> -> memref<320x128xf32, #tpu.memory_space<vmem_shared>>
      tpu.enqueue_dma source(%dma_start3A_32 : memref<320x128xf32, #tpu.memory_space<vmem_shared>>) target(%dma_start3A_30 : memref<320x128xf32, #tpu.memory_space<hbm>>) target_semaphore(%run_scoped3A : memref<!tpu.dma_semaphore, #tpu.memory_space<semaphore_mem>>)
      %dma_wait3A = arith.constant 0 : i32
      %dma_wait3A_33 = tpu.memref_slice %arg6[%arg0, %mul3A_27, %dma_wait3A] : memref<2x5120x128xf32, #tpu.memory_space<hbm>> -> memref<1x320x128xf32, #tpu.memory_space<hbm>>
      %dma_wait3A_34 = tpu.memref_squeeze %dma_wait3A_33 : memref<1x320x128xf32, #tpu.memory_space<hbm>> -> memref<320x128xf32, #tpu.memory_space<hbm>>
      %dma_wait3A_35 = arith.constant 0 : i32
      %dma_wait3A_36 = tpu.memref_slice %arg11[%mul3A_25, %dma_wait3A_35] : memref<5248x128xf32, #tpu.memory_space<vmem_shared>> -> memref<320x128xf32, #tpu.memory_space<vmem_shared>>
      tpu.wait_dma2 semaphore(%run_scoped3A : memref<!tpu.dma_semaphore, #tpu.memory_space<semaphore_mem>>) src(%dma_wait3A_36 : memref<320x128xf32, #tpu.memory_space<vmem_shared>>) dst(%dma_wait3A_34 : memref<320x128xf32, #tpu.memory_space<hbm>>)
      tpu.yield
    }) : () -> ()
    return
  }
}

module attributes {stable_mosaic.version = 14 : i64} {
  func.func @_tc_layer_body(%arg0: memref<1xf32, #tpu.memory_space<smem>>, %arg1: memref<10000x128xf32, #tpu.memory_space<vmem>>, %arg2: memref<2x5120x128xf32, #tpu.memory_space<vmem>>, %arg3: memref<128x128xf32, #tpu.memory_space<vmem>>, %arg4: memref<1x128xf32, #tpu.memory_space<vmem>>, %arg5: memref<128x128xf32, #tpu.memory_space<vmem>>, %arg6: memref<1x128xf32, #tpu.memory_space<vmem>>, %arg7: memref<1x128xf32, #tpu.memory_space<vmem>>, %arg8: memref<1x128xf32, #tpu.memory_space<vmem>>, %arg9: memref<10000x128xf32, #tpu.memory_space<vmem>>, %arg10: memref<1x128xf32, #tpu.memory_space<vmem>>) attributes {dimension_semantics = [], scalar_prefetch = 0 : i64, scratch_operands = 0 : i64, tpu.core_type = #tpu.core_type<tc>} {
    %get3A = arith.constant 0 : index
    %get3A_0 = arith.constant 0 : index
    %get3A_1 = vector.load %arg1[%get3A, %get3A_0] : memref<10000x128xf32, #tpu.memory_space<vmem>>, vector<10000x128xf32>
    %get3A_2 = arith.constant 0 : index
    %get3A_3 = memref.load %arg0[%get3A_2] : memref<1xf32, #tpu.memory_space<smem>>
    %get3A_4 = arith.constant 0 : index
    %get3A_5 = arith.constant 0 : index
    %get3A_6 = arith.constant 0 : index
    %get3A_7 = vector.load %arg2[%get3A_4, %get3A_5, %get3A_6] : memref<2x5120x128xf32, #tpu.memory_space<vmem>>, vector<1x5120x128xf32>
    %get3A_8 = vector.shape_cast %get3A_7 : vector<1x5120x128xf32> to vector<5120x128xf32>
    %get3A_9 = arith.constant 1 : index
    %get3A_10 = arith.constant 0 : index
    %get3A_11 = arith.constant 0 : index
    %get3A_12 = vector.load %arg2[%get3A_9, %get3A_10, %get3A_11] : memref<2x5120x128xf32, #tpu.memory_space<vmem>>, vector<1x4880x128xf32>
    %get3A_13 = vector.shape_cast %get3A_12 : vector<1x4880x128xf32> to vector<4880x128xf32>
    %concatenate3A = tpu.concatenate %get3A_8, %get3A_13 in 0 : vector<5120x128xf32>, vector<4880x128xf32> -> vector<10000x128xf32>
    %mul3A = vector.broadcast %get3A_3 : f32 to vector<10000x128xf32>
    %mul3A_14 = arith.mulf %mul3A, %get3A_1 : vector<10000x128xf32>
    %add3A = arith.addf %concatenate3A, %mul3A_14 : vector<10000x128xf32>
    %get3A_15 = arith.constant 0 : index
    %get3A_16 = arith.constant 0 : index
    %get3A_17 = vector.load %arg3[%get3A_15, %get3A_16] : memref<128x128xf32, #tpu.memory_space<vmem>>, vector<128x128xf32>
    %dot_general3A = arith.constant dense<0.000000e+00> : vector<10000x128xf32>
    %dot_general3A_18 = tpu.matmul %add3A, %get3A_17, %dot_general3A {dimension_numbers = #tpu.dot_dimension_numbers<[1], [0], [0], [1], [0, 0, 1, 1], [], []>, transpose_lhs_hint = false} : vector<10000x128xf32>, vector<128x128xf32>, vector<10000x128xf32> -> vector<10000x128xf32>
    %get3A_19 = arith.constant 0 : index
    %get3A_20 = arith.constant 0 : index
    %get3A_21 = vector.load %arg4[%get3A_19, %get3A_20] : memref<1x128xf32, #tpu.memory_space<vmem>>, vector<1x128xf32>
    %add3A_22 = vector.broadcast %get3A_21 : vector<1x128xf32> to vector<10000x128xf32>
    %add3A_23 = arith.addf %dot_general3A_18, %add3A_22 : vector<10000x128xf32>
    %max3A = arith.constant 0.000000e+00 : f32
    %max3A_24 = vector.broadcast %max3A : f32 to vector<10000x128xf32>
    %max3A_25 = arith.maximumf %add3A_23, %max3A_24 : vector<10000x128xf32>
    %get3A_26 = arith.constant 0 : index
    %get3A_27 = arith.constant 0 : index
    %get3A_28 = vector.load %arg5[%get3A_26, %get3A_27] : memref<128x128xf32, #tpu.memory_space<vmem>>, vector<128x128xf32>
    %dot_general3A_29 = arith.constant dense<0.000000e+00> : vector<10000x128xf32>
    %dot_general3A_30 = tpu.matmul %max3A_25, %get3A_28, %dot_general3A_29 {dimension_numbers = #tpu.dot_dimension_numbers<[1], [0], [0], [1], [0, 0, 1, 1], [], []>, transpose_lhs_hint = false} : vector<10000x128xf32>, vector<128x128xf32>, vector<10000x128xf32> -> vector<10000x128xf32>
    %get3A_31 = arith.constant 0 : index
    %get3A_32 = arith.constant 0 : index
    %get3A_33 = vector.load %arg6[%get3A_31, %get3A_32] : memref<1x128xf32, #tpu.memory_space<vmem>>, vector<1x128xf32>
    %add3A_34 = vector.broadcast %get3A_33 : vector<1x128xf32> to vector<10000x128xf32>
    %add3A_35 = arith.addf %dot_general3A_30, %add3A_34 : vector<10000x128xf32>
    %reduce_sum3A = arith.constant dense<0.000000e+00> : vector<128xf32>
    %reduce_sum3A_36 = vector.multi_reduction <add>, %add3A_35, %reduce_sum3A [0] : vector<10000x128xf32> to vector<128xf32>
    %broadcast_in_dim3A = vector.shape_cast %reduce_sum3A_36 : vector<128xf32> to vector<1x128xf32>
    %div3A = arith.constant 1.000000e+04 : f32
    %div3A_37 = vector.broadcast %div3A : f32 to vector<1x128xf32>
    %div3A_38 = arith.divf %broadcast_in_dim3A, %div3A_37 : vector<1x128xf32>
    %sub3A = vector.broadcast %div3A_38 : vector<1x128xf32> to vector<10000x128xf32>
    %sub3A_39 = arith.subf %add3A_35, %sub3A : vector<10000x128xf32>
    %integer_pow3A = arith.mulf %sub3A_39, %sub3A_39 : vector<10000x128xf32>
    %reduce_sum3A_40 = arith.constant dense<0.000000e+00> : vector<128xf32>
    %reduce_sum3A_41 = vector.multi_reduction <add>, %integer_pow3A, %reduce_sum3A_40 [0] : vector<10000x128xf32> to vector<128xf32>
    %broadcast_in_dim3A_42 = vector.shape_cast %reduce_sum3A_41 : vector<128xf32> to vector<1x128xf32>
    %div3A_43 = arith.constant 1.000000e+04 : f32
    %div3A_44 = vector.broadcast %div3A_43 : f32 to vector<1x128xf32>
    %div3A_45 = arith.divf %broadcast_in_dim3A_42, %div3A_44 : vector<1x128xf32>
    %sub3A_46 = vector.broadcast %div3A_38 : vector<1x128xf32> to vector<10000x128xf32>
    %sub3A_47 = arith.subf %add3A_35, %sub3A_46 : vector<10000x128xf32>
    %add3A_48 = arith.constant 9.99999974E-6 : f32
    %add3A_49 = vector.broadcast %add3A_48 : f32 to vector<1x128xf32>
    %add3A_50 = arith.addf %div3A_45, %add3A_49 : vector<1x128xf32>
    %rsqrt3A = math.rsqrt %add3A_50 : vector<1x128xf32>
    %mul3A_51 = vector.broadcast %rsqrt3A : vector<1x128xf32> to vector<10000x128xf32>
    %mul3A_52 = arith.mulf %sub3A_47, %mul3A_51 : vector<10000x128xf32>
    %get3A_53 = arith.constant 0 : index
    %get3A_54 = arith.constant 0 : index
    %get3A_55 = vector.load %arg7[%get3A_53, %get3A_54] : memref<1x128xf32, #tpu.memory_space<vmem>>, vector<1x128xf32>
    %mul3A_56 = vector.broadcast %get3A_55 : vector<1x128xf32> to vector<10000x128xf32>
    %mul3A_57 = arith.mulf %mul3A_52, %mul3A_56 : vector<10000x128xf32>
    %get3A_58 = arith.constant 0 : index
    %get3A_59 = arith.constant 0 : index
    %get3A_60 = vector.load %arg8[%get3A_58, %get3A_59] : memref<1x128xf32, #tpu.memory_space<vmem>>, vector<1x128xf32>
    %add3A_61 = vector.broadcast %get3A_60 : vector<1x128xf32> to vector<10000x128xf32>
    %add3A_62 = arith.addf %mul3A_57, %add3A_61 : vector<10000x128xf32>
    %max3A_63 = arith.constant 0.000000e+00 : f32
    %max3A_64 = vector.broadcast %max3A_63 : f32 to vector<10000x128xf32>
    %max3A_65 = arith.maximumf %add3A_62, %max3A_64 : vector<10000x128xf32>
    %swap3A = arith.constant 0 : index
    %swap3A_66 = arith.constant 0 : index
    %swap3A_67 = vector.load %arg9[%swap3A, %swap3A_66] : memref<10000x128xf32, #tpu.memory_space<vmem>>, vector<10000x128xf32>
    tpu.vector_store %arg9[%swap3A, %swap3A_66], %max3A_65 {strides = array<i32>} : memref<10000x128xf32, #tpu.memory_space<vmem>>, vector<10000x128xf32>,
    %reduce_sum3A_68 = arith.constant dense<0.000000e+00> : vector<128xf32>
    %reduce_sum3A_69 = vector.multi_reduction <add>, %max3A_65, %reduce_sum3A_68 [0] : vector<10000x128xf32> to vector<128xf32>
    %broadcast_in_dim3A_70 = vector.shape_cast %reduce_sum3A_69 : vector<128xf32> to vector<1x128xf32>
    %swap3A_71 = arith.constant 0 : index
    %swap3A_72 = arith.constant 0 : index
    %swap3A_73 = vector.load %arg10[%swap3A_71, %swap3A_72] : memref<1x128xf32, #tpu.memory_space<vmem>>, vector<1x128xf32>
    tpu.vector_store %arg10[%swap3A_71, %swap3A_72], %broadcast_in_dim3A_70 {strides = array<i32>} : memref<1x128xf32, #tpu.memory_space<vmem>>, vector<1x128xf32>,
    return
  }
}

module attributes {stable_mosaic.version = 14 : i64} {
  func.func @_tc_layer_body(%arg0: memref<1xf32, #tpu.memory_space<smem>>, %arg1: memref<10000x128xf32, #tpu.memory_space<vmem>>, %arg2: memref<2x5120x128xf32, #tpu.memory_space<vmem>>, %arg3: memref<128x128xf32, #tpu.memory_space<vmem>>, %arg4: memref<1x128xf32, #tpu.memory_space<vmem>>, %arg5: memref<128x128xf32, #tpu.memory_space<vmem>>, %arg6: memref<1x128xf32, #tpu.memory_space<vmem>>, %arg7: memref<1x128xf32, #tpu.memory_space<vmem>>, %arg8: memref<1x128xf32, #tpu.memory_space<vmem>>, %arg9: memref<10000x128xf32, #tpu.memory_space<vmem>>, %arg10: memref<1x128xf32, #tpu.memory_space<vmem>>) attributes {dimension_semantics = [], scalar_prefetch = 0 : i64, scratch_operands = 0 : i64, tpu.core_type = #tpu.core_type<tc>} {
    %get3A = arith.constant 0 : index
    %get3A_0 = arith.constant 0 : index
    %get3A_1 = vector.load %arg1[%get3A, %get3A_0] : memref<10000x128xf32, #tpu.memory_space<vmem>>, vector<10000x128xf32>
    %get3A_2 = arith.constant 0 : index
    %get3A_3 = memref.load %arg0[%get3A_2] : memref<1xf32, #tpu.memory_space<smem>>
    %get3A_4 = arith.constant 0 : index
    %get3A_5 = arith.constant 0 : index
    %get3A_6 = arith.constant 0 : index
    %get3A_7 = vector.load %arg2[%get3A_4, %get3A_5, %get3A_6] : memref<2x5120x128xf32, #tpu.memory_space<vmem>>, vector<1x5120x128xf32>
    %get3A_8 = vector.shape_cast %get3A_7 : vector<1x5120x128xf32> to vector<5120x128xf32>
    %get3A_9 = arith.constant 1 : index
    %get3A_10 = arith.constant 0 : index
    %get3A_11 = arith.constant 0 : index
    %get3A_12 = vector.load %arg2[%get3A_9, %get3A_10, %get3A_11] : memref<2x5120x128xf32, #tpu.memory_space<vmem>>, vector<1x4880x128xf32>
    %get3A_13 = vector.shape_cast %get3A_12 : vector<1x4880x128xf32> to vector<4880x128xf32>
    %concatenate3A = tpu.concatenate %get3A_8, %get3A_13 in 0 : vector<5120x128xf32>, vector<4880x128xf32> -> vector<10000x128xf32>
    %mul3A = vector.broadcast %get3A_3 : f32 to vector<10000x128xf32>
    %mul3A_14 = arith.mulf %mul3A, %get3A_1 : vector<10000x128xf32>
    %add3A = arith.addf %concatenate3A, %mul3A_14 : vector<10000x128xf32>
    %get3A_15 = arith.constant 0 : index
    %get3A_16 = arith.constant 0 : index
    %get3A_17 = vector.load %arg3[%get3A_15, %get3A_16] : memref<128x128xf32, #tpu.memory_space<vmem>>, vector<128x128xf32>
    %dot_general3A = arith.constant dense<0.000000e+00> : vector<10000x128xf32>
    %dot_general3A_18 = tpu.matmul %add3A, %get3A_17, %dot_general3A {dimension_numbers = #tpu.dot_dimension_numbers<[1], [0], [0], [1], [0, 0, 1, 1], [], []>, transpose_lhs_hint = false} : vector<10000x128xf32>, vector<128x128xf32>, vector<10000x128xf32> -> vector<10000x128xf32>
    %get3A_19 = arith.constant 0 : index
    %get3A_20 = arith.constant 0 : index
    %get3A_21 = vector.load %arg4[%get3A_19, %get3A_20] : memref<1x128xf32, #tpu.memory_space<vmem>>, vector<1x128xf32>
    %add3A_22 = vector.broadcast %get3A_21 : vector<1x128xf32> to vector<10000x128xf32>
    %add3A_23 = arith.addf %dot_general3A_18, %add3A_22 : vector<10000x128xf32>
    %max3A = arith.constant 0.000000e+00 : f32
    %max3A_24 = vector.broadcast %max3A : f32 to vector<10000x128xf32>
    %max3A_25 = arith.maximumf %add3A_23, %max3A_24 : vector<10000x128xf32>
    %get3A_26 = arith.constant 0 : index
    %get3A_27 = arith.constant 0 : index
    %get3A_28 = vector.load %arg5[%get3A_26, %get3A_27] : memref<128x128xf32, #tpu.memory_space<vmem>>, vector<128x128xf32>
    %dot_general3A_29 = arith.constant dense<0.000000e+00> : vector<10000x128xf32>
    %dot_general3A_30 = tpu.matmul %max3A_25, %get3A_28, %dot_general3A_29 {dimension_numbers = #tpu.dot_dimension_numbers<[1], [0], [0], [1], [0, 0, 1, 1], [], []>, transpose_lhs_hint = false} : vector<10000x128xf32>, vector<128x128xf32>, vector<10000x128xf32> -> vector<10000x128xf32>
    %get3A_31 = arith.constant 0 : index
    %get3A_32 = arith.constant 0 : index
    %get3A_33 = vector.load %arg6[%get3A_31, %get3A_32] : memref<1x128xf32, #tpu.memory_space<vmem>>, vector<1x128xf32>
    %add3A_34 = vector.broadcast %get3A_33 : vector<1x128xf32> to vector<10000x128xf32>
    %add3A_35 = arith.addf %dot_general3A_30, %add3A_34 : vector<10000x128xf32>
    %reduce_sum3A = arith.constant dense<0.000000e+00> : vector<128xf32>
    %reduce_sum3A_36 = vector.multi_reduction <add>, %add3A_35, %reduce_sum3A [0] : vector<10000x128xf32> to vector<128xf32>
    %broadcast_in_dim3A = vector.shape_cast %reduce_sum3A_36 : vector<128xf32> to vector<1x128xf32>
    %div3A = arith.constant 1.000000e+04 : f32
    %div3A_37 = vector.broadcast %div3A : f32 to vector<1x128xf32>
    %div3A_38 = arith.divf %broadcast_in_dim3A, %div3A_37 : vector<1x128xf32>
    %sub3A = vector.broadcast %div3A_38 : vector<1x128xf32> to vector<10000x128xf32>
    %sub3A_39 = arith.subf %add3A_35, %sub3A : vector<10000x128xf32>
    %integer_pow3A = arith.mulf %sub3A_39, %sub3A_39 : vector<10000x128xf32>
    %reduce_sum3A_40 = arith.constant dense<0.000000e+00> : vector<128xf32>
    %reduce_sum3A_41 = vector.multi_reduction <add>, %integer_pow3A, %reduce_sum3A_40 [0] : vector<10000x128xf32> to vector<128xf32>
    %broadcast_in_dim3A_42 = vector.shape_cast %reduce_sum3A_41 : vector<128xf32> to vector<1x128xf32>
    %div3A_43 = arith.constant 1.000000e+04 : f32
    %div3A_44 = vector.broadcast %div3A_43 : f32 to vector<1x128xf32>
    %div3A_45 = arith.divf %broadcast_in_dim3A_42, %div3A_44 : vector<1x128xf32>
    %sub3A_46 = vector.broadcast %div3A_38 : vector<1x128xf32> to vector<10000x128xf32>
    %sub3A_47 = arith.subf %add3A_35, %sub3A_46 : vector<10000x128xf32>
    %add3A_48 = arith.constant 9.99999974E-6 : f32
    %add3A_49 = vector.broadcast %add3A_48 : f32 to vector<1x128xf32>
    %add3A_50 = arith.addf %div3A_45, %add3A_49 : vector<1x128xf32>
    %rsqrt3A = math.rsqrt %add3A_50 : vector<1x128xf32>
    %mul3A_51 = vector.broadcast %rsqrt3A : vector<1x128xf32> to vector<10000x128xf32>
    %mul3A_52 = arith.mulf %sub3A_47, %mul3A_51 : vector<10000x128xf32>
    %get3A_53 = arith.constant 0 : index
    %get3A_54 = arith.constant 0 : index
    %get3A_55 = vector.load %arg7[%get3A_53, %get3A_54] : memref<1x128xf32, #tpu.memory_space<vmem>>, vector<1x128xf32>
    %mul3A_56 = vector.broadcast %get3A_55 : vector<1x128xf32> to vector<10000x128xf32>
    %mul3A_57 = arith.mulf %mul3A_52, %mul3A_56 : vector<10000x128xf32>
    %get3A_58 = arith.constant 0 : index
    %get3A_59 = arith.constant 0 : index
    %get3A_60 = vector.load %arg8[%get3A_58, %get3A_59] : memref<1x128xf32, #tpu.memory_space<vmem>>, vector<1x128xf32>
    %add3A_61 = vector.broadcast %get3A_60 : vector<1x128xf32> to vector<10000x128xf32>
    %add3A_62 = arith.addf %mul3A_57, %add3A_61 : vector<10000x128xf32>
    %max3A_63 = arith.constant 0.000000e+00 : f32
    %max3A_64 = vector.broadcast %max3A_63 : f32 to vector<10000x128xf32>
    %max3A_65 = arith.maximumf %add3A_62, %max3A_64 : vector<10000x128xf32>
    %swap3A = arith.constant 0 : index
    %swap3A_66 = arith.constant 0 : index
    %swap3A_67 = vector.load %arg9[%swap3A, %swap3A_66] : memref<10000x128xf32, #tpu.memory_space<vmem>>, vector<10000x128xf32>
    tpu.vector_store %arg9[%swap3A, %swap3A_66], %max3A_65 {strides = array<i32>} : memref<10000x128xf32, #tpu.memory_space<vmem>>, vector<10000x128xf32>,
    %reduce_sum3A_68 = arith.constant dense<0.000000e+00> : vector<128xf32>
    %reduce_sum3A_69 = vector.multi_reduction <add>, %max3A_65, %reduce_sum3A_68 [0] : vector<10000x128xf32> to vector<128xf32>
    %broadcast_in_dim3A_70 = vector.shape_cast %reduce_sum3A_69 : vector<128xf32> to vector<1x128xf32>
    %swap3A_71 = arith.constant 0 : index
    %swap3A_72 = arith.constant 0 : index
    %swap3A_73 = vector.load %arg10[%swap3A_71, %swap3A_72] : memref<1x128xf32, #tpu.memory_space<vmem>>, vector<1x128xf32>
    tpu.vector_store %arg10[%swap3A_71, %swap3A_72], %broadcast_in_dim3A_70 {strides = array<i32>} : memref<1x128xf32, #tpu.memory_space<vmem>>, vector<1x128xf32>,
    return
  }
}

module attributes {stable_mosaic.version = 14 : i64} {
  func.func @_head_body(%arg0: memref<10000x128xf32, #tpu.memory_space<vmem>>, %arg1: memref<4x128xf32, #tpu.memory_space<vmem>>, %arg2: memref<1x25xf32, #tpu.memory_space<vmem>>, %arg3: memref<25x16xf32, #tpu.memory_space<vmem>>, %arg4: memref<1x16xf32, #tpu.memory_space<vmem>>, %arg5: memref<656x2xf32, #tpu.memory_space<vmem>>, %arg6: memref<1x2xf32, #tpu.memory_space<vmem>>, %arg7: memref<1x2xf32, #tpu.memory_space<vmem>>) attributes {dimension_semantics = [], scalar_prefetch = 0 : i64, scratch_operands = 0 : i64, tpu.core_type = #tpu.core_type<tc>} {
    %get3A = arith.constant 0 : index
    %get3A_0 = arith.constant 0 : index
    %get3A_1 = vector.load %arg0[%get3A, %get3A_0] : memref<10000x128xf32, #tpu.memory_space<vmem>>, vector<10000x128xf32>
    %reduce_sum3A = arith.constant dense<0.000000e+00> : vector<128xf32>
    %reduce_sum3A_2 = vector.multi_reduction <add>, %get3A_1, %reduce_sum3A [0] : vector<10000x128xf32> to vector<128xf32>
    %broadcast_in_dim3A = vector.shape_cast %reduce_sum3A_2 : vector<128xf32> to vector<1x128xf32>
    %get3A_3 = arith.constant 0 : index
    %get3A_4 = arith.constant 0 : index
    %get3A_5 = vector.load %arg2[%get3A_3, %get3A_4] : memref<1x25xf32, #tpu.memory_space<vmem>>, vector<1x25xf32>
    %get3A_6 = arith.constant 0 : index
    %get3A_7 = arith.constant 0 : index
    %get3A_8 = vector.load %arg3[%get3A_6, %get3A_7] : memref<25x16xf32, #tpu.memory_space<vmem>>, vector<25x16xf32>
    %dot_general3A = arith.constant dense<0.000000e+00> : vector<1x16xf32>
    %dot_general3A_9 = tpu.matmul %get3A_5, %get3A_8, %dot_general3A {dimension_numbers = #tpu.dot_dimension_numbers<[1], [0], [0], [1], [0, 0, 1, 1], [], []>, transpose_lhs_hint = false} : vector<1x25xf32>, vector<25x16xf32>, vector<1x16xf32> -> vector<1x16xf32>
    %get3A_10 = arith.constant 0 : index
    %get3A_11 = arith.constant 0 : index
    %get3A_12 = vector.load %arg4[%get3A_10, %get3A_11] : memref<1x16xf32, #tpu.memory_space<vmem>>, vector<1x16xf32>
    %add3A = arith.addf %dot_general3A_9, %get3A_12 : vector<1x16xf32>
    %max3A = arith.constant 0.000000e+00 : f32
    %max3A_13 = vector.broadcast %max3A : f32 to vector<1x16xf32>
    %max3A_14 = arith.maximumf %add3A, %max3A_13 : vector<1x16xf32>
    %get3A_15 = arith.constant 0 : index
    %get3A_16 = arith.constant 0 : index
    %get3A_17 = vector.load %arg5[%get3A_15, %get3A_16] : memref<656x2xf32, #tpu.memory_space<vmem>>, vector<128x2xf32>
    %dot_general3A_18 = arith.constant dense<0.000000e+00> : vector<1x2xf32>
    %dot_general3A_19 = tpu.matmul %broadcast_in_dim3A, %get3A_17, %dot_general3A_18 {dimension_numbers = #tpu.dot_dimension_numbers<[1], [0], [0], [1], [0, 0, 1, 1], [], []>, transpose_lhs_hint = false} : vector<1x128xf32>, vector<128x2xf32>, vector<1x2xf32> -> vector<1x2xf32>
    %get3A_20 = arith.constant 0 : index
    %get3A_21 = arith.constant 0 : index
    %get3A_22 = vector.load %arg1[%get3A_20, %get3A_21] : memref<4x128xf32, #tpu.memory_space<vmem>>, vector<1x128xf32>
    %get3A_23 = arith.constant 128 : index
    %get3A_24 = arith.constant 0 : index
    %get3A_25 = vector.load %arg5[%get3A_23, %get3A_24] : memref<656x2xf32, #tpu.memory_space<vmem>>, vector<128x2xf32>
    %dot_general3A_26 = arith.constant dense<0.000000e+00> : vector<1x2xf32>
    %dot_general3A_27 = tpu.matmul %get3A_22, %get3A_25, %dot_general3A_26 {dimension_numbers = #tpu.dot_dimension_numbers<[1], [0], [0], [1], [0, 0, 1, 1], [], []>, transpose_lhs_hint = false} : vector<1x128xf32>, vector<128x2xf32>, vector<1x2xf32> -> vector<1x2xf32>
    %add3A_28 = arith.addf %dot_general3A_19, %dot_general3A_27 : vector<1x2xf32>
    %get3A_29 = arith.constant 1 : index
    %get3A_30 = arith.constant 0 : index
    %get3A_31 = vector.load %arg1[%get3A_29, %get3A_30] : memref<4x128xf32, #tpu.memory_space<vmem>>, vector<1x128xf32>
    %get3A_32 = arith.constant 256 : index
    %get3A_33 = arith.constant 0 : index
    %get3A_34 = vector.load %arg5[%get3A_32, %get3A_33] : memref<656x2xf32, #tpu.memory_space<vmem>>, vector<128x2xf32>
    %dot_general3A_35 = arith.constant dense<0.000000e+00> : vector<1x2xf32>
    %dot_general3A_36 = tpu.matmul %get3A_31, %get3A_34, %dot_general3A_35 {dimension_numbers = #tpu.dot_dimension_numbers<[1], [0], [0], [1], [0, 0, 1, 1], [], []>, transpose_lhs_hint = false} : vector<1x128xf32>, vector<128x2xf32>, vector<1x2xf32> -> vector<1x2xf32>
    %add3A_37 = arith.addf %add3A_28, %dot_general3A_36 : vector<1x2xf32>
    %get3A_38 = arith.constant 2 : index
    %get3A_39 = arith.constant 0 : index
    %get3A_40 = vector.load %arg1[%get3A_38, %get3A_39] : memref<4x128xf32, #tpu.memory_space<vmem>>, vector<1x128xf32>
    %get3A_41 = arith.constant 384 : index
    %get3A_42 = arith.constant 0 : index
    %get3A_43 = vector.load %arg5[%get3A_41, %get3A_42] : memref<656x2xf32, #tpu.memory_space<vmem>>, vector<128x2xf32>
    %dot_general3A_44 = arith.constant dense<0.000000e+00> : vector<1x2xf32>
    %dot_general3A_45 = tpu.matmul %get3A_40, %get3A_43, %dot_general3A_44 {dimension_numbers = #tpu.dot_dimension_numbers<[1], [0], [0], [1], [0, 0, 1, 1], [], []>, transpose_lhs_hint = false} : vector<1x128xf32>, vector<128x2xf32>, vector<1x2xf32> -> vector<1x2xf32>
    %add3A_46 = arith.addf %add3A_37, %dot_general3A_45 : vector<1x2xf32>
    %get3A_47 = arith.constant 3 : index
    %get3A_48 = arith.constant 0 : index
    %get3A_49 = vector.load %arg1[%get3A_47, %get3A_48] : memref<4x128xf32, #tpu.memory_space<vmem>>, vector<1x128xf32>
    %get3A_50 = arith.constant 512 : index
    %get3A_51 = arith.constant 0 : index
    %get3A_52 = vector.load %arg5[%get3A_50, %get3A_51] : memref<656x2xf32, #tpu.memory_space<vmem>>, vector<128x2xf32>
    %dot_general3A_53 = arith.constant dense<0.000000e+00> : vector<1x2xf32>
    %dot_general3A_54 = tpu.matmul %get3A_49, %get3A_52, %dot_general3A_53 {dimension_numbers = #tpu.dot_dimension_numbers<[1], [0], [0], [1], [0, 0, 1, 1], [], []>, transpose_lhs_hint = false} : vector<1x128xf32>, vector<128x2xf32>, vector<1x2xf32> -> vector<1x2xf32>
    %add3A_55 = arith.addf %add3A_46, %dot_general3A_54 : vector<1x2xf32>
    %get3A_56 = arith.constant 640 : index
    %get3A_57 = arith.constant 0 : index
    %get3A_58 = vector.load %arg5[%get3A_56, %get3A_57] : memref<656x2xf32, #tpu.memory_space<vmem>>, vector<16x2xf32>
    %dot_general3A_59 = arith.constant dense<0.000000e+00> : vector<1x2xf32>
    %dot_general3A_60 = tpu.matmul %max3A_14, %get3A_58, %dot_general3A_59 {dimension_numbers = #tpu.dot_dimension_numbers<[1], [0], [0], [1], [0, 0, 1, 1], [], []>, transpose_lhs_hint = false} : vector<1x16xf32>, vector<16x2xf32>, vector<1x2xf32> -> vector<1x2xf32>
    %add3A_61 = arith.addf %add3A_55, %dot_general3A_60 : vector<1x2xf32>
    %get3A_62 = arith.constant 0 : index
    %get3A_63 = arith.constant 0 : index
    %get3A_64 = vector.load %arg6[%get3A_62, %get3A_63] : memref<1x2xf32, #tpu.memory_space<vmem>>, vector<1x2xf32>
    %add3A_65 = arith.addf %add3A_61, %get3A_64 : vector<1x2xf32>
    %swap3A = arith.constant 0 : index
    %swap3A_66 = arith.constant 0 : index
    %swap3A_67 = vector.load %arg7[%swap3A, %swap3A_66] : memref<1x2xf32, #tpu.memory_space<vmem>>, vector<1x2xf32>
    tpu.vector_store %arg7[%swap3A, %swap3A_66], %add3A_65 {strides = array<i32>} : memref<1x2xf32, #tpu.memory_space<vmem>>, vector<1x2xf32>,
    return
  }
}

</mosaic_0001>

<sc_bundles>
// kernel: kernel.11.cloned.1.call-start
scs
__scs_entry_jumppad:
0x0: {  	(pc) =	sbr.rel $0x88, $3  }
0x1: {  	(tag) =	ssettag $0x0;
	lr =	simm.s32 $0x1  }
0x2: {  	[smem:$0x3F93] =	sst lr;
	_ =	strace $0xD0000000  }
0x3: {  	_ = 	snop  }
0x4: {  	_ = 	snop  }
0x5: {  	_ = 	snop  }
0x6: {  	_ = 	snop  }
0x7: {  	_ = 	snop  }
__scs_overlays_trampoline_lowered:
0x8: {  	[smem:$0x3FA2] =	sst s0  }
0x9: {  	[smem:$0x3FA3] =	sst s1  }
0xa: {  	[smem:$0x3FA4] =	sst s2  }
0xb: {  	[smem:$0x3FA5] =	sst s3  }
0xc: {  	[smem:$0x3FA6] =	sst s4  }
0xd: {  	[smem:$0x3FA7] =	sst s5  }
0xe: {  	[smem:$0x3FA8] =	sst s6  }
0xf: {  	[smem:$0x3FA9] =	sst s7  }
0x10: {  	[smem:$0x3FAA] =	sst s8  }
0x11: {  	[smem:$0x3FAB] =	sst s9;
	s0 =	simm.s32 @!p0 $0x0  }
0x12: {  	s1 =	sld [smem:$0x3F91];
	s0 =	simm.s32 @p0 $0x1  }
0x13: {  	[smem:$0x3FAC] =	sst s0;
	s0 =	simm.s32 @!p1 $0x0  }
0x14: {  	s2 =	sld [smem:$0x3F90];
	s0 =	simm.s32 @p1 $0x1  }
0x15: {  	[smem:$0x3FAD] =	sst s0;
	s0 =	simm.s32 @!p2 $0x0  }
0x16: {  	s3 =	sld [smem:$0x3FDB];
	s0 =	simm.s32 @p2 $0x1  }
0x17: {  	s4 =	simm.s32 $0x1BF5;
	[smem:$0x3FAF] =	sst s0  }
0x18: {  	s0 =	sld [smem:$0x3F92];
	_ =	swait.ge [sflag:s4], $0x0  }
0x19: {  	s7 =	sld [smem:$0x3F93]  }
0x1a: {  	s8 =	sadd.s32 $0xFFFFE003, lr  }
0x1b: {  	s9 =	sadd.s32 $0xFFFFFEF7, lr;
	s5 =	simm.s32 $0xFFFFFFFF;
	p2 =	slt.u32 s8, $0xFFFFF086  }
0x1c: {  	p1 =	slt.u32 s9, $0xF7A;
	s5 =	simm.s32 @!p2 $0x0  }
0x1d: {  	s5 =	simm.s32 @p1 $0x1;
	p0 =	seq.s32 s7, s2  }
0x1e: {  	s7 =	smul.u32 @!p0 $0xF7A, s2;
	p2 =	seq.s32 @!p0 s5, $0x0  }
0x1f: {  	s9 =	smul.u32 $0xF7A, s1;
	s8 =	simm.s32 @!p0 $0x1BF5;
	p2 =	por !p2, p0  }
0x20: {  	[sflag:s8] =	ssyncset.s32 @!p0 $0xFFFFF086;
	s6 =	sadd.s32 @!p0 s3, s7;
	s7 =	simm.s32 @!p0 $0x108  }
0x21: {  	s3 =	sadd.s32 s3, s9;
	s6 =	sadd.s32 @!p0 $0x88, s6;
	s7 =	simm.s32 @p2 $0x1082  }
0x22: {  	[simem:s7], [sflag:s8] =	dma.local @!p0 [hbm:s6], $0xF7A  }
0x23: {  	s9 =	sor.u32 $0xD0000000, s2;
	s6 =	simm.s32 $0x108;
	_ =	swait.ge @!p0 [sflag:s8], $0x0  }
0x24: {  	s3 =	sadd.s32 $0x88, s3;
	s6 =	simm.s32 @!p1 $0x1082;
	[sflag:s4] =	ssyncset.s32 $0xFFFFF086  }
0x25: {  	[simem:s6], [sflag:s4] =	dma.local [hbm:s3], $0xF7A  }
0x26: {  	[smem:$0x3F93] =	sst s1;
	(tag) =	ssettag s2;
	_ =	strace s9  }
0x27: {  	s1 =	sld [smem:$0x3FA3]  }
0x28: {  	s2 =	sld [smem:$0x3FA4]  }
0x29: {  	s4 =	sld [smem:$0x3FA6]  }
0x2a: {  	p0 =	seq.s32 s5, $0x0;
	s5 =	sld [smem:$0x3FA7]  }
0x2b: {  	s6 =	sld [smem:$0x3FA8]  }
0x2c: {  	s7 =	sld [smem:$0x3FA9]  }
0x2d: {  	s3 =	simm.s32 $0x108;
	s8 =	sld [smem:$0x3FAA]  }
0x2e: {  	s3 =	simm.s32 @!p0 $0x1082;
	s9 =	sld [smem:$0x3FAB]  }
0x2f: {  	lr =	sadd.s32 s0, s3;
	s0 =	sld [smem:$0x3FA2]  }
0x30: {  	s3 =	sld [smem:$0x3FA5]  }
0x31: {  	[smem:$0x3FAE] =	sst s10  }
0x32: {  	s10 =	sld [smem:$0x3FAC];
	_ =	sdelay $0x3  }
0x33: {  	p0 =	seq.s32 s10, $0x1;
	s10 =	sld [smem:$0x3FAE];
	_ =	sdelay $0x3  }
0x34: {  	[smem:$0x3FAE] =	sst s10  }
0x35: {  	s10 =	sld [smem:$0x3FAD];
	_ =	sdelay $0x3  }
0x36: {  	p1 =	seq.s32 s10, $0x1;
	s10 =	sld [smem:$0x3FAE];
	_ =	sdelay $0x3  }
0x37: {  	[smem:$0x3FAE] =	sst s10  }
0x38: {  	s10 =	sld [smem:$0x3FAF]  }
0x39: {  	_ = 	snop;
	(pc) =	sbr.ind lr, $3  }
0x3a: {  	_ = 	snop  }
0x3b: {  	_ = 	snop  }
0x3c: {  	p2 =	seq.s32 s10, $0x1;
	s10 =	sld [smem:$0x3FAE]  }
0x3d: {  	_ =	shalt  }
0x3e: {  	_ =	shalt  }
0x3f: {  	_ =	shalt  }
0x40: {  	_ =	shalt  }
0x41: {  	_ =	shalt  }
0x42: {  	_ =	shalt  }
0x43: {  	_ =	shalt  }
0x44: {  	_ =	shalt  }
0x45: {  	_ =	shalt  }
0x46: {  	_ =	shalt  }
0x47: {  	_ =	shalt  }
0x48: {  	_ =	shalt  }
0x49: {  	_ =	shalt  }
0x4a: {  	_ =	shalt  }
0x4b: {  	_ =	shalt  }
0x4c: {  	_ =	shalt  }
0x4d: {  	_ =	shalt  }
0x4e: {  	_ =	shalt  }
0x4f: {  	_ =	shalt  }
0x50: {  	_ =	shalt  }
0x51: {  	_ =	shalt  }
0x52: {  	_ =	shalt  }
0x53: {  	_ =	shalt  }
0x54: {  	_ =	shalt  }
0x55: {  	_ =	shalt  }
0x56: {  	_ =	shalt  }
0x57: {  	_ =	shalt  }
0x58: {  	_ =	shalt  }
0x59: {  	_ =	shalt  }
0x5a: {  	_ =	shalt  }
0x5b: {  	_ =	shalt  }
0x5c: {  	_ =	shalt  }
0x5d: {  	_ =	shalt  }
0x5e: {  	_ =	shalt  }
0x5f: {  	_ =	shalt  }
0x60: {  	_ =	shalt  }
0x61: {  	_ =	shalt  }
0x62: {  	_ =	shalt  }
0x63: {  	_ =	shalt  }
0x64: {  	_ =	shalt  }
0x65: {  	_ =	shalt  }
0x66: {  	_ =	shalt  }
0x67: {  	_ =	shalt  }
0x68: {  	_ =	shalt  }
0x69: {  	_ =	shalt  }
0x6a: {  	_ =	shalt  }
0x6b: {  	_ =	shalt  }
0x6c: {  	_ =	shalt  }
0x6d: {  	_ =	shalt  }
0x6e: {  	_ =	shalt  }
0x6f: {  	_ =	shalt  }
0x70: {  	_ =	shalt  }
0x71: {  	_ =	shalt  }
0x72: {  	_ =	shalt  }
0x73: {  	_ =	shalt  }
0x74: {  	_ =	shalt  }
0x75: {  	_ =	shalt  }
0x76: {  	_ =	shalt  }
0x77: {  	_ =	shalt  }
0x78: {  	_ =	shalt  }
0x79: {  	_ =	shalt  }
0x7a: {  	_ =	shalt  }
0x7b: {  	_ =	shalt  }
0x7c: {  	_ =	shalt  }
0x7d: {  	_ =	shalt  }
0x7e: {  	_ =	shalt  }
0x7f: {  	_ =	shalt  }
0x80: {  	_ =	shalt  }
0x81: {  	_ =	shalt  }
0x82: {  	_ =	shalt  }
0x83: {  	_ =	shalt  }
0x84: {  	_ =	shalt  }
0x85: {  	_ =	shalt  }
0x86: {  	_ =	shalt  }
0x87: {  	_ =	shalt  }
.Lfunc_end0:
.L_simem_size_0:
called_computation_lowered:
.L_overlay_start_0:
0x88: {  	s2 =	sld [smem:$0x3FD9]  }
0x89: {  	s3 =	sld [smem:$0x3FFE];
	_ =	sdelay $0x1  }
0x8a: {  	s1 =	srdreg.scid  }
0x8b: {  	s0 =	sand.u32 $0x1, s1  }
0x8c: {  	s17 =	sshll.u32 s0, $0xA;
	s2 =	sadd.s32 s3, s2  }
0x8d: {  	s2 =	sadd.s32 s2, s17  }
0x8e: {  	[smem:$0x3FBA] =	sst s2  }
0x8f: {  	_ = 	snop  }
0x90: {  	s2 =	sld [smem:$0x3FC9];
	(tm) =	ssettm $0x1  }
0x91: {  	s18 =	sld [smem:$0x3FFB];
	_ =	sdelay $0x3  }
0x92: {  	_ =	strace s18  }
0x93: {  	s3 =	sld [smem:$0x3FFC];
	_ =	sdelay $0x3  }
0x94: {  	_ =	strace s3  }
0x95: {  	s3 =	sld [smem:$0x3FFD];
	_ =	sdelay $0x3  }
0x96: {  	_ =	strace s3  }
0x97: {  	_ =	strace $0x8FFFFFFF  }
0x98: {  	s19 =	sld [smem:$0x3FDB];
	_ =	sdelay $0x1  }
0x99: {  	s4 =	simm.s32 $_scs_section_size  }
0x9a: {  	s5 =	simm.s32 $_size__tile_overlayer_lowered;
	s6 =	simm.s32 $_tile_overlayer_lowered  }
0x9b: {  	s22 =	simm.s32 $0x1BFF;
	s21 =	sshll.u32 s6, $0x1;
	s3 =	sadd.s32 s4, s19  }
0x9c: {  	s7 =	simm.s32 $0x0;
	s20 =	sshll.u32 s5, $0x1;
	s5 =	sadd.s32 s21, s3  }
0x9d: {  	[timem:s7], [sflag:s22] =	dma.local [hbm:s5], s20  }
0x9e: {  	_ =	swait.ge [sflag:s22], s20  }
0x9f: {  	s4 =	ssub.s32 $0x0, s20;
	[sflag:s22] =	ssyncset.done $0x0  }
0xa0: {  	[sflag:s22] =	ssyncadd.s32 s4;
	_ =	sdelay $0x1  }
0xa1: {  	s23 =	simm.s32 $0x1B8B  }
0xa2: {  	_ =	swait.ge [sflag:s23], $0x1  }
0xa3: {  	[sflag:s23] =	ssyncset.done $0x0  }
0xa4: {  	s25 =	simm.s32 $0x1B8E;
	s24 =	sld [smem:$0x3FFE];
	[sflag:s23] =	ssyncadd.s32 $0xFFFFFFFF  }
0xa5: {  	s26 =	simm.s32 $execute0_lowered;
	[smem:$0x3FD2] =	sst s25  }
0xa6: {  	s5 =	sshll.u32 s26, $0x1;
	_ =	strace $0x80000046;
	[dreg:$0x1] =	wrdreg $0xFFFFFFFF  }
0xa7: {  	s28 =	simm.s32 $_size_execute0_lowered;
	s3 =	sadd.s32 s3, s5;
	[dreg:$0x0] =	wrdreg $0x0  }
0xa8: {  	s5 =	sshll.u32 s28, $0x1;
	[dreg:$0x2] =	wrdreg s3  }
0xa9: {  	[dreg:$0x3] =	wrdreg s5  }
0xaa: {  	[dreg:$0x4] =	wrdreg $0xC0  }
0xab: {  	_ =	task [dreg:s7], $0x5FFFF  }
0xac: {  	[dreg:$0x1] =	wrdreg $0xFFFFFFFF  }
0xad: {  	[dreg:$0x0] =	wrdreg $0x60  }
0xae: {  	[dreg:$0x2] =	wrdreg s2  }
0xaf: {  	[dreg:$0x3] =	wrdreg s24  }
0xb0: {  	[dreg:$0x4] =	wrdreg $0x120000  }
0xb1: {  	[dreg:$0x5] =	wrdreg $0x9  }
0xb2: {  	_ =	task.clear_ibuf [dreg:s7], $0x6FFFF;
	_ =	strace $0x90000046  }
0xb3: {  	s29 =	simm.s32 $0x9;
	_ =	strace $0x80000048  }
0xb4: {  	_ =	swait.ge [sflag:s29], $0x1  }
0xb5: {  	[sflag:s29] =	ssyncadd.s32 $0xFFFFFFFF  }
0xb6: {  	_ =	strace $0x90000048  }
0xb7: {  	_ =	sfence  }
0xb8: {  	s30 =	sld [smem:$0x0];
	_ =	sdelay $0x2  }
0xb9: {  	s31 =	sshll.u32 s1, $0xD;
	s1 =	sshrl.u32 s1, $0x2  }
0xba: {  	s3 =	sand.u32 $0x4000, s31;
	s1 =	sadd.s32 s1, s30  }
0xbb: {  	s0 =	sor.u32 s3, s0;
	s1 =	sshll.u32 s1, $0x11  }
0xbc: {  	s0 =	sor.u32 s1, s0  }
0xbd: {  	s0 =	sadd.s32 $0x8F2B, s0  }
0xbe: {  	[sflag:s0] =	ssyncadd.remote.s32 $0x1  }
0xbf: {  	_ =	sfence.sel $0xFFFF  }
0xc0: {  	[dreg:$0x0] =	wrdreg $0xFFFFFFFF;
	(pc) =	sbr.abs _section_cstart, $3  }
0xc1: {  	[dreg:$0x1] =	wrdreg $0xFFFFFFFF  }
0xc2: {  	_ =	task.clear_ibuf [dreg:s7], $0x2FFFF;
	_ =	strace $0x9FFFFFFF  }
0xc3: {  	(tm) =	ssettm $0x7FFFFFFF  }
tec
execute0_lowered:
.L_overlay_start_1:
0x0: {  	(tag) =	ssettag $0x1  }
0x1: {  	s1 =	rddreg [dreg:$0x0]  }
0x2: {  	s5 =	rddreg [dreg:$0x1];
	s0 =	stileid.u32  }
0x3: {  	s2 =	srdreg.scid;
	s3 =	rddreg [dreg:$0x2]  }
0x4: {  	s4 =	simm.s32 $0x0;
	s14 =	simm.s32 $0x80;
	s6 =	smul.u32 $0xA00, s0  }
0x5: {  	s15 =	simm.s32 $0xA000;
	s16 =	simm.s32 $0xE000;
	s7 =	smul.u32 $0x1480, s0  }
0x6: {  	s17 =	simm.s32 $0x1;
	s20 =	simm.s32 $0x0;
	s10 =	smul.u32 $0xA000, s0  }
0x7: {  	s8 =	sand.u32 $0x1, s2;
	s2 =	rddreg [dreg:$0x3];
	s11 =	smul.u32 $0x29000, s0  }
0x8: {  	[smem:$0x7FF] =	sst s4;
	s31 =	smul.u32 $0x28000, s0;
	s12 =	sshll.u32 s0, $0x6  }
0x9: {  	s9 =	smul.u32 $0xA0000, s8;
	_ =	strace $0x80000047;
	s28 =	ssub.s32 $0x2, s8  }
0xa: {  	s18 =	smul.u32 $0x1400, s8;
	s12 =	sor.u32 $0x1C03, s12;
	s6 =	sadd.s32 s6, s5  }
0xb: {  	s7 =	sadd.s32 s7, s5;
	s30 =	sshrl.u32 s28, $0x1;
	s11 =	sshrl.u32 s11, $0x2  }
0xc: {  	s9 =	sadd.s32 s10, s9;
	s13 =	sadd.s32 s11, s3;
	s7 =	sadd.s32 $0x19E00, s7  }
.Ltmp0:
0xd: {  	s10 =	sshrl.u32 s31, $0x2;
	s11 =	simm.s32 $0x5000;
	(pc) =	sbr.rel .LBB2_1-.Ltmp0, $4  }
0xe: {  	v0 =	vmov s18;
	s18 =	simm.s32 $0x2;
	s29 =	sshrl.u32 s9, $0x3;
	s9 =	ssub.s32 s28, s30  }
0xf: {  	s19 =	sadd.s32 s10, s3;
	s10 =	simm.s32 $0x3;
	s13 =	sshrl.u32 s13, $0x3  }
0x10: {  	s8 =	sadd.s32 s29, s5;
	s5 =	sadd.s32 $0x5E00, s6;
	s6 =	sadd.s32 $0xFE00, s6  }
0x11: {  	s9 =	smax.u32 s9, $0x1;
	s19 =	sshrl.u32 s19, $0x3;
	s8 =	sadd.s32 $0x2E600, s8  }
.LBB2_4:
0x12: {  	s20 =	sadd.s32 $0x1, s20  }
0x13: {  	p0 =	sne.s32 s20, s9  }
.Ltmp1:
0x14: {  	[bflag:$0x0] =	sbarrier.arrive $0xFFFF;
	(pc) =	sbr.rel @!p0 .LBB2_5-.Ltmp1, $4  }
0x15: {  	[hbm:s8], [sflag:s12] =	dma.local [spmem:s19], $0x1400  }
0x16: {  	_ =	swait.ge [sflag:s10], $0x1400  }
0x17: {  	[sflag:s10] =	ssyncset.done $0x0  }
0x18: {  	[sflag:s10] =	ssyncadd.s32 $0xFFFFEC00  }
.LBB2_1:
0x19: {  	[tilespmem:s4], [sflag:$0x3] =	stream.linear.gather [hbm4b:s5+s4], $0x4F00, $0x38;
	[tilespmem:$0x1C400] =	vst v63  }
0x1a: {  	_ =	swait.ge [sflag:s10], $0x4F00  }
0x1b: {  	[sflag:s10] =	ssyncset.done $0x0  }
0x1c: {  	[sflag:s10] =	ssyncadd.s32 $0xFFFFB100  }
0x1d: {  	[tilespmem:s11], [sflag:$0x3] =	stream.linear.gather [hbm4b:s6+s4], $0x4F00, $0x38;
	[tilespmem:$0x1C400] =	vst v63  }
0x1e: {  	_ =	swait.ge [sflag:s10], $0x4F00  }
0x1f: {  	[sflag:s10] =	ssyncset.done $0x0  }
0x20: {  	[sflag:s10] =	ssyncadd.s32 $0xFFFFB100  }
0x21: {  	[spmem:s13], [sflag:s12] =	dma.local [hbm:s7], $0x1480  }
0x22: {  	_ =	swait.ge [sflag:s10], $0x1480  }
0x23: {  	[sflag:s10] =	ssyncset.done $0x0  }
0x24: {  	[sflag:s10] =	ssyncadd.s32 $0xFFFFEB80  }
0x25: {  	[bflag:$0x0] =	sbarrier.arrive $0xFFFF  }
0x26: {  	[tilespmem:s15], [sflag:$0x1] =	stream.indirect.gather [hbm4b:s1+s14], $0x80, s4, s14, $0xb8;
	[tilespmem:$0x1C400] =	vst v63  }
0x27: {  	s21 =	simm.s32 $0x0  }
0x28: {  	[tilespmem:s16], [sflag:$0x2] =	stream.indirect.gather [hbm4b:s1+s14], $0x80, s14, s14, $0xb8;
	[tilespmem:$0x1C400] =	vst v63  }
.LBB2_2:
0x29: {  	_ =	swait.ge [sflag:s17], $0x4000  }
0x2a: {  	[sflag:s17] =	ssyncset.done $0x0  }
0x2b: {  	s22 =	sshra.s32 s21, $0x2;
	[sflag:s17] =	ssyncadd.s32 $0xFFFFC000  }
0x2c: {  	v1 =	vld [tilespmem:s22+$0x5000]  }
0x2d: {  	v2 =	vld [tilespmem:s22+$0x5010]  }
0x2e: {  	v3 =	vld [tilespmem:s22+$0x5020]  }
0x2f: {  	v4 =	vld [tilespmem:s22+$0x5030]  }
0x30: {  	v5 =	vld [tilespmem:s22+$0x5040]  }
0x31: {  	v6 =	vld [tilespmem:s22+$0x5050];
	v1 =	vsub.s32 v1, v0  }
0x32: {  	v7 =	vld [tilespmem:s22+$0x5060];
	v2 =	vsub.s32 v2, v0;
	v1 =	vmin.u32 v1, $0x1400  }
0x33: {  	[tilespmem:s22+$0x5000] =	vst v1;
	v1 =	vmin.u32 v2, $0x1400;
	v2 =	vsub.s32 v3, v0;
	v3 =	vld [tilespmem:s22+$0x5070]  }
0x34: {  	[tilespmem:s22+$0x5010] =	vst v1;
	v1 =	vmin.u32 v2, $0x1400;
	v2 =	vsub.s32 v4, v0  }
0x35: {  	[tilespmem:s22+$0x5020] =	vst v1;
	v1 =	vmin.u32 v2, $0x1400;
	v2 =	vsub.s32 v5, v0  }
0x36: {  	[tilespmem:s22+$0x5030] =	vst v1;
	v1 =	vmin.u32 v2, $0x1400;
	v2 =	vsub.s32 v6, v0  }
0x37: {  	[tilespmem:s22+$0x5040] =	vst v1;
	v1 =	vmin.u32 v2, $0x1400;
	v2 =	vsub.s32 v7, v0  }
0x38: {  	[tilespmem:s22+$0x5050] =	vst v1;
	v1 =	vmin.u32 v2, $0x1400;
	v2 =	vsub.s32 v3, v0  }
0x39: {  	[tilespmem:s22+$0x5060] =	vst v1;
	v1 =	vmin.u32 v2, $0x1400  }
0x3a: {  	s23 =	sadd.s32 $0x5000, s22;
	[tilespmem:s22+$0x5070] =	vst v1  }
0x3b: {  	[spmem:s3] =	stream.indirect.scatter.add.f32 [tilespmem:s15], [sflag:$0x3], $0x80, s23, s14, $0xb8;
	[tilespmem:$0x1C400] =	vst v63  }
0x3c: {  	p0 =	seq.s32 s21, $0x13800;
	_ =	swait.ge [sflag:s10], $0x4000  }
0x3d: {  	s24 =	simm.s32 @!p0 $0x80;
	s23 =	sshra.s32 @!p0 s21, $0x2;
	[sflag:s10] =	ssyncset.done $0x0  }
0x3e: {  	s25 =	simm.s32 @!p0 $0xA000;
	s23 =	sadd.s32 @!p0 $0x100, s23;
	[sflag:s10] =	ssyncadd.s32 $0xFFFFC000  }
0x3f: {  	[tilespmem:s25], [sflag:$0x1] =	stream.indirect.gather @!p0 [hbm4b:s1+s24], $0x80, s23, s24, $0xb8;
	[tilespmem:$0x1C400] =	vst v63  }
0x40: {  	_ =	swait.ge [sflag:s18], $0x4000  }
0x41: {  	[sflag:s18] =	ssyncset.done $0x0  }
0x42: {  	[sflag:s18] =	ssyncadd.s32 $0xFFFFC000  }
0x43: {  	v1 =	vld [tilespmem:s22+$0x5080]  }
0x44: {  	v2 =	vld [tilespmem:s22+$0x5090]  }
0x45: {  	v3 =	vld [tilespmem:s22+$0x50A0]  }
0x46: {  	v60 =	vld [tilespmem:s22+$0x50B0]  }
0x47: {  	v61 =	vld [tilespmem:s22+$0x50C0]  }
0x48: {  	v62 =	vld [tilespmem:s22+$0x50D0];
	v1 =	vsub.s32 v1, v0  }
0x49: {  	v63 =	vld [tilespmem:s22+$0x50E0];
	v2 =	vsub.s32 v2, v0;
	v1 =	vmin.u32 v1, $0x1400  }
0x4a: {  	[tilespmem:s22+$0x5080] =	vst v1;
	v1 =	vmin.u32 v2, $0x1400;
	v2 =	vsub.s32 v3, v0;
	v3 =	vld [tilespmem:s22+$0x50F0]  }
0x4b: {  	[tilespmem:s22+$0x5090] =	vst v1;
	v1 =	vmin.u32 v2, $0x1400;
	v2 =	vsub.s32 v60, v0  }
0x4c: {  	[tilespmem:s22+$0x50A0] =	vst v1;
	v1 =	vmin.u32 v2, $0x1400;
	v2 =	vsub.s32 v61, v0  }
0x4d: {  	[tilespmem:s22+$0x50B0] =	vst v1;
	v1 =	vmin.u32 v2, $0x1400;
	v2 =	vsub.s32 v62, v0  }
0x4e: {  	[tilespmem:s22+$0x50C0] =	vst v1;
	v1 =	vmin.u32 v2, $0x1400;
	v2 =	vsub.s32 v63, v0  }
0x4f: {  	[tilespmem:s22+$0x50D0] =	vst v1;
	v1 =	vmin.u32 v2, $0x1400;
	v2 =	vsub.s32 v3, v0  }
0x50: {  	[tilespmem:s22+$0x50E0] =	vst v1;
	v1 =	vmin.u32 v2, $0x1400  }
.Ltmp2:
0x51: {  	s31 =	sadd.s32 $0x5080, s22;
	[tilespmem:s22+$0x50F0] =	vst v1;
	(pc) =	sbr.rel @p0 .LBB2_4-.Ltmp2, $4  }
0x52: {  	[spmem:s3] =	stream.indirect.scatter.add.f32 [tilespmem:s16], [sflag:$0x3], $0x80, s31, s14, $0xb8;
	[tilespmem:$0x1C400] =	vst v63  }
0x53: {  	_ =	swait.ge [sflag:s10], $0x4000  }
0x54: {  	[sflag:s10] =	ssyncset.done $0x0  }
0x55: {  	[sflag:s10] =	ssyncadd.s32 $0xFFFFC000  }
.Ltmp3:
0x56: {  	(pc) =	sbr.rel .LBB2_2-.Ltmp3, $3  }
0x57: {  	_ =	sdelay $0x1  }
0x58: {  	s22 =	sadd.s32 $0x180, s22;
	s21 =	sadd.s32 $0x400, s21  }
0x59: {  	[tilespmem:s16], [sflag:$0x2] =	stream.indirect.gather [hbm4b:s1+s14], $0x80, s22, s14, $0xb8;
	[tilespmem:$0x1C400] =	vst v63  }
.LBB2_5:
0x5a: {  	_ =	sfence.sel $0x180000  }
0x5b: {  	[bflag:$0x0] =	sbarrier.arrive $0xFFFF  }
0x5c: {  	p0 =	sne.s32 s0, $0x0;
	_ =	strace $0x90000047  }
0x5d: {  	s0 =	sadd.s32 @!p0 $0x100000, s2;
	[bflag:$0x2] =	sbarrier.arrive $0xFFFF  }
0x5e: {  	[sflag:s0] =	ssyncadd.tile.s32 @!p0 $0x1;
	_ =	shalt  }
.Lfunc_end2:
_tile_overlayer_lowered:
.L_overlay_start_2:
0x5f: {  	(tag) =	ssettag $0x2  }
0x60: {  	s0 =	rddreg [dreg:$0x0];
	s2 =	stileid.u32  }
0x61: {  	s1 =	rddreg [dreg:$0x1];
	p0 =	sne.s32 s2, $0x0  }
0x62: {  	s3 =	rddreg [dreg:$0x2];
	[bflag:$0x3] =	sbarrier.arrive $0xFFFF;
	s2 =	simm.s32 @!p0 $0x1C03  }
0x63: {  	[timem:s3], [sflag:s2] =	dma.local @!p0 [hbm:s0], s1  }
0x64: {  	s0 =	simm.s32 @!p0 $0x3  }
0x65: {  	_ =	swait.ge @!p0 [sflag:s0], s1  }
0x66: {  	s1 =	ssub.s32 @!p0 $0x0, s1;
	[sflag:s0] =	ssyncset.done @!p0 $0x0  }
0x67: {  	[sflag:s0] =	ssyncadd.s32 @!p0 s1  }
0x68: {  	[bflag:$0x3] =	sbarrier.arrive $0xFFFF  }
0x69: {  	_ =	shalt  }

// kernel: kernel.14.cloned.1.call-start
scs
__scs_entry_jumppad:
0x0: {  	(pc) =	sbr.rel $0x88, $3  }
0x1: {  	(tag) =	ssettag $0x0;
	lr =	simm.s32 $0x1  }
0x2: {  	[smem:$0x3F93] =	sst lr;
	_ =	strace $0xD0000000  }
0x3: {  	_ = 	snop  }
0x4: {  	_ = 	snop  }
0x5: {  	_ = 	snop  }
0x6: {  	_ = 	snop  }
0x7: {  	_ = 	snop  }
__scs_overlays_trampoline_lowered:
0x8: {  	[smem:$0x3FA2] =	sst s0  }
0x9: {  	[smem:$0x3FA3] =	sst s1  }
0xa: {  	[smem:$0x3FA4] =	sst s2  }
0xb: {  	[smem:$0x3FA5] =	sst s3  }
0xc: {  	[smem:$0x3FA6] =	sst s4  }
0xd: {  	[smem:$0x3FA7] =	sst s5  }
0xe: {  	[smem:$0x3FA8] =	sst s6  }
0xf: {  	[smem:$0x3FA9] =	sst s7  }
0x10: {  	[smem:$0x3FAA] =	sst s8  }
0x11: {  	[smem:$0x3FAB] =	sst s9;
	s0 =	simm.s32 @!p0 $0x0  }
0x12: {  	s1 =	sld [smem:$0x3F91];
	s0 =	simm.s32 @p0 $0x1  }
0x13: {  	[smem:$0x3FAC] =	sst s0;
	s0 =	simm.s32 @!p1 $0x0  }
0x14: {  	s2 =	sld [smem:$0x3F90];
	s0 =	simm.s32 @p1 $0x1  }
0x15: {  	[smem:$0x3FAD] =	sst s0;
	s0 =	simm.s32 @!p2 $0x0  }
0x16: {  	s3 =	sld [smem:$0x3FDB];
	s0 =	simm.s32 @p2 $0x1  }
0x17: {  	s4 =	simm.s32 $0x1BF5;
	[smem:$0x3FAF] =	sst s0  }
0x18: {  	s0 =	sld [smem:$0x3F92];
	_ =	swait.ge [sflag:s4], $0x0  }
0x19: {  	s7 =	sld [smem:$0x3F93]  }
0x1a: {  	s8 =	sadd.s32 $0xFFFFE003, lr  }
0x1b: {  	s9 =	sadd.s32 $0xFFFFFEF7, lr;
	s5 =	simm.s32 $0xFFFFFFFF;
	p2 =	slt.u32 s8, $0xFFFFF086  }
0x1c: {  	p1 =	slt.u32 s9, $0xF7A;
	s5 =	simm.s32 @!p2 $0x0  }
0x1d: {  	s5 =	simm.s32 @p1 $0x1;
	p0 =	seq.s32 s7, s2  }
0x1e: {  	s7 =	smul.u32 @!p0 $0xF7A, s2;
	p2 =	seq.s32 @!p0 s5, $0x0  }
0x1f: {  	s9 =	smul.u32 $0xF7A, s1;
	s8 =	simm.s32 @!p0 $0x1BF5;
	p2 =	por !p2, p0  }
0x20: {  	[sflag:s8] =	ssyncset.s32 @!p0 $0xFFFFF086;
	s6 =	sadd.s32 @!p0 s3, s7;
	s7 =	simm.s32 @!p0 $0x108  }
0x21: {  	s3 =	sadd.s32 s3, s9;
	s6 =	sadd.s32 @!p0 $0x88, s6;
	s7 =	simm.s32 @p2 $0x1082  }
0x22: {  	[simem:s7], [sflag:s8] =	dma.local @!p0 [hbm:s6], $0xF7A  }
0x23: {  	s9 =	sor.u32 $0xD0000000, s2;
	s6 =	simm.s32 $0x108;
	_ =	swait.ge @!p0 [sflag:s8], $0x0  }
0x24: {  	s3 =	sadd.s32 $0x88, s3;
	s6 =	simm.s32 @!p1 $0x1082;
	[sflag:s4] =	ssyncset.s32 $0xFFFFF086  }
0x25: {  	[simem:s6], [sflag:s4] =	dma.local [hbm:s3], $0xF7A  }
0x26: {  	[smem:$0x3F93] =	sst s1;
	(tag) =	ssettag s2;
	_ =	strace s9  }
0x27: {  	s1 =	sld [smem:$0x3FA3]  }
0x28: {  	s2 =	sld [smem:$0x3FA4]  }
0x29: {  	s4 =	sld [smem:$0x3FA6]  }
0x2a: {  	p0 =	seq.s32 s5, $0x0;
	s5 =	sld [smem:$0x3FA7]  }
0x2b: {  	s6 =	sld [smem:$0x3FA8]  }
0x2c: {  	s7 =	sld [smem:$0x3FA9]  }
0x2d: {  	s3 =	simm.s32 $0x108;
	s8 =	sld [smem:$0x3FAA]  }
0x2e: {  	s3 =	simm.s32 @!p0 $0x1082;
	s9 =	sld [smem:$0x3FAB]  }
0x2f: {  	lr =	sadd.s32 s0, s3;
	s0 =	sld [smem:$0x3FA2]  }
0x30: {  	s3 =	sld [smem:$0x3FA5]  }
0x31: {  	[smem:$0x3FAE] =	sst s10  }
0x32: {  	s10 =	sld [smem:$0x3FAC];
	_ =	sdelay $0x3  }
0x33: {  	p0 =	seq.s32 s10, $0x1;
	s10 =	sld [smem:$0x3FAE];
	_ =	sdelay $0x3  }
0x34: {  	[smem:$0x3FAE] =	sst s10  }
0x35: {  	s10 =	sld [smem:$0x3FAD];
	_ =	sdelay $0x3  }
0x36: {  	p1 =	seq.s32 s10, $0x1;
	s10 =	sld [smem:$0x3FAE];
	_ =	sdelay $0x3  }
0x37: {  	[smem:$0x3FAE] =	sst s10  }
0x38: {  	s10 =	sld [smem:$0x3FAF]  }
0x39: {  	_ = 	snop;
	(pc) =	sbr.ind lr, $3  }
0x3a: {  	_ = 	snop  }
0x3b: {  	_ = 	snop  }
0x3c: {  	p2 =	seq.s32 s10, $0x1;
	s10 =	sld [smem:$0x3FAE]  }
0x3d: {  	_ =	shalt  }
0x3e: {  	_ =	shalt  }
0x3f: {  	_ =	shalt  }
0x40: {  	_ =	shalt  }
0x41: {  	_ =	shalt  }
0x42: {  	_ =	shalt  }
0x43: {  	_ =	shalt  }
0x44: {  	_ =	shalt  }
0x45: {  	_ =	shalt  }
0x46: {  	_ =	shalt  }
0x47: {  	_ =	shalt  }
0x48: {  	_ =	shalt  }
0x49: {  	_ =	shalt  }
0x4a: {  	_ =	shalt  }
0x4b: {  	_ =	shalt  }
0x4c: {  	_ =	shalt  }
0x4d: {  	_ =	shalt  }
0x4e: {  	_ =	shalt  }
0x4f: {  	_ =	shalt  }
0x50: {  	_ =	shalt  }
0x51: {  	_ =	shalt  }
0x52: {  	_ =	shalt  }
0x53: {  	_ =	shalt  }
0x54: {  	_ =	shalt  }
0x55: {  	_ =	shalt  }
0x56: {  	_ =	shalt  }
0x57: {  	_ =	shalt  }
0x58: {  	_ =	shalt  }
0x59: {  	_ =	shalt  }
0x5a: {  	_ =	shalt  }
0x5b: {  	_ =	shalt  }
0x5c: {  	_ =	shalt  }
0x5d: {  	_ =	shalt  }
0x5e: {  	_ =	shalt  }
0x5f: {  	_ =	shalt  }
0x60: {  	_ =	shalt  }
0x61: {  	_ =	shalt  }
0x62: {  	_ =	shalt  }
0x63: {  	_ =	shalt  }
0x64: {  	_ =	shalt  }
0x65: {  	_ =	shalt  }
0x66: {  	_ =	shalt  }
0x67: {  	_ =	shalt  }
0x68: {  	_ =	shalt  }
0x69: {  	_ =	shalt  }
0x6a: {  	_ =	shalt  }
0x6b: {  	_ =	shalt  }
0x6c: {  	_ =	shalt  }
0x6d: {  	_ =	shalt  }
0x6e: {  	_ =	shalt  }
0x6f: {  	_ =	shalt  }
0x70: {  	_ =	shalt  }
0x71: {  	_ =	shalt  }
0x72: {  	_ =	shalt  }
0x73: {  	_ =	shalt  }
0x74: {  	_ =	shalt  }
0x75: {  	_ =	shalt  }
0x76: {  	_ =	shalt  }
0x77: {  	_ =	shalt  }
0x78: {  	_ =	shalt  }
0x79: {  	_ =	shalt  }
0x7a: {  	_ =	shalt  }
0x7b: {  	_ =	shalt  }
0x7c: {  	_ =	shalt  }
0x7d: {  	_ =	shalt  }
0x7e: {  	_ =	shalt  }
0x7f: {  	_ =	shalt  }
0x80: {  	_ =	shalt  }
0x81: {  	_ =	shalt  }
0x82: {  	_ =	shalt  }
0x83: {  	_ =	shalt  }
0x84: {  	_ =	shalt  }
0x85: {  	_ =	shalt  }
0x86: {  	_ =	shalt  }
0x87: {  	_ =	shalt  }
.Lfunc_end0:
.L_simem_size_0:
called_computation.1_lowered:
.L_overlay_start_0:
0x88: {  	s2 =	sld [smem:$0x3FD9]  }
0x89: {  	s3 =	sld [smem:$0x3FFE];
	_ =	sdelay $0x1  }
0x8a: {  	s1 =	srdreg.scid  }
0x8b: {  	s0 =	sand.u32 $0x1, s1  }
0x8c: {  	s16 =	sshll.u32 s0, $0xA;
	s2 =	sadd.s32 s3, s2  }
0x8d: {  	s2 =	sadd.s32 s2, s16  }
0x8e: {  	[smem:$0x3FBA] =	sst s2  }
0x8f: {  	_ = 	snop  }
0x90: {  	(tm) =	ssettm $0x1  }
0x91: {  	s17 =	sld [smem:$0x3FFB];
	_ =	sdelay $0x3  }
0x92: {  	_ =	strace s17  }
0x93: {  	s2 =	sld [smem:$0x3FFC];
	_ =	sdelay $0x3  }
0x94: {  	_ =	strace s2  }
0x95: {  	s2 =	sld [smem:$0x3FFD];
	_ =	sdelay $0x3  }
0x96: {  	_ =	strace s2  }
0x97: {  	_ =	strace $0x8FFFFFFF  }
0x98: {  	s18 =	sld [smem:$0x3FDB];
	_ =	sdelay $0x1  }
0x99: {  	s19 =	simm.s32 $_scs_section_size  }
0x9a: {  	s4 =	simm.s32 $_size__tile_overlayer_lowered;
	s5 =	simm.s32 $_tile_overlayer_lowered  }
0x9b: {  	s22 =	simm.s32 $0x1BFF;
	s21 =	sshll.u32 s5, $0x1;
	s2 =	sadd.s32 s19, s18  }
0x9c: {  	s6 =	simm.s32 $0x0;
	s20 =	sshll.u32 s4, $0x1;
	s4 =	sadd.s32 s21, s2  }
0x9d: {  	[timem:s6], [sflag:s22] =	dma.local [hbm:s4], s20  }
0x9e: {  	_ =	swait.ge [sflag:s22], s20  }
0x9f: {  	s3 =	ssub.s32 $0x0, s20;
	[sflag:s22] =	ssyncset.done $0x0  }
0xa0: {  	[sflag:s22] =	ssyncadd.s32 s3;
	_ =	sdelay $0x1  }
0xa1: {  	s23 =	simm.s32 $0x1B8B  }
0xa2: {  	_ =	swait.ge [sflag:s23], $0x1  }
0xa3: {  	[sflag:s23] =	ssyncset.done $0x0  }
0xa4: {  	s25 =	simm.s32 $0x1B8E;
	s24 =	sld [smem:$0x3FFE];
	[sflag:s23] =	ssyncadd.s32 $0xFFFFFFFF  }
0xa5: {  	s26 =	simm.s32 $execute0_lowered;
	[smem:$0x3FD2] =	sst s25  }
0xa6: {  	s4 =	sshll.u32 s26, $0x1;
	_ =	strace $0x80000049;
	[dreg:$0x1] =	wrdreg $0xFFFFFFFF  }
0xa7: {  	s28 =	simm.s32 $_size_execute0_lowered;
	s2 =	sadd.s32 s2, s4;
	[dreg:$0x0] =	wrdreg $0x0  }
0xa8: {  	s4 =	sshll.u32 s28, $0x1;
	[dreg:$0x2] =	wrdreg s2  }
0xa9: {  	[dreg:$0x3] =	wrdreg s4  }
0xaa: {  	[dreg:$0x4] =	wrdreg $0xC0  }
0xab: {  	_ =	task [dreg:s6], $0x5FFFF  }
0xac: {  	[dreg:$0x1] =	wrdreg $0xFFFFFFFF  }
0xad: {  	[dreg:$0x0] =	wrdreg $0x60  }
0xae: {  	[dreg:$0x2] =	wrdreg s24  }
0xaf: {  	[dreg:$0x3] =	wrdreg $0x120000  }
0xb0: {  	[dreg:$0x4] =	wrdreg $0x9  }
0xb1: {  	_ =	task.clear_ibuf [dreg:s6], $0x5FFFF;
	_ =	strace $0x90000049  }
0xb2: {  	s29 =	simm.s32 $0x9;
	_ =	strace $0x8000004B  }
0xb3: {  	_ =	swait.ge [sflag:s29], $0x1  }
0xb4: {  	[sflag:s29] =	ssyncadd.s32 $0xFFFFFFFF  }
0xb5: {  	_ =	strace $0x9000004B  }
0xb6: {  	_ =	sfence  }
0xb7: {  	s30 =	sld [smem:$0x0];
	_ =	sdelay $0x2  }
0xb8: {  	s31 =	sshll.u32 s1, $0xD;
	s1 =	sshrl.u32 s1, $0x2  }
0xb9: {  	s3 =	sand.u32 $0x4000, s31;
	s1 =	sadd.s32 s1, s30  }
0xba: {  	s0 =	sor.u32 s3, s0;
	s1 =	sshll.u32 s1, $0x11  }
0xbb: {  	s0 =	sor.u32 s1, s0  }
0xbc: {  	s0 =	sadd.s32 $0x8F2B, s0  }
0xbd: {  	[sflag:s0] =	ssyncadd.remote.s32 $0x1  }
0xbe: {  	_ =	sfence.sel $0xFFFF  }
0xbf: {  	[dreg:$0x0] =	wrdreg $0xFFFFFFFF;
	(pc) =	sbr.abs _section_cstart, $3  }
0xc0: {  	[dreg:$0x1] =	wrdreg $0xFFFFFFFF  }
0xc1: {  	_ =	task.clear_ibuf [dreg:s6], $0x2FFFF;
	_ =	strace $0x9FFFFFFF  }
0xc2: {  	(tm) =	ssettm $0x7FFFFFFF  }
0xc3: {  	_ =	shalt  }
tec
execute0_lowered:
.L_overlay_start_1:
0x0: {  	(tag) =	ssettag $0x1  }
0x1: {  	s5 =	rddreg [dreg:$0x0]  }
0x2: {  	s2 =	rddreg [dreg:$0x1]  }
0x3: {  	s0 =	rddreg [dreg:$0x2]  }
0x4: {  	s1 =	stileid.u32;
	s4 =	srdreg.scid  }
0x5: {  	s3 =	simm.s32 $0x0;
	s14 =	simm.s32 $0x80;
	s6 =	smul.u32 $0xA00, s1  }
0x6: {  	s15 =	simm.s32 $0xA000;
	s16 =	simm.s32 $0xE000;
	s7 =	smul.u32 $0x1480, s1  }
0x7: {  	s17 =	simm.s32 $0x1;
	s20 =	simm.s32 $0x0;
	s10 =	smul.u32 $0xA000, s1  }
0x8: {  	s8 =	sand.u32 $0x1, s4;
	[smem:$0x7FF] =	sst s3;
	s11 =	smul.u32 $0x29000, s1  }
0x9: {  	s4 =	sadd.s32 $0x2E600, s5;
	s31 =	smul.u32 $0x28000, s1;
	s12 =	sshll.u32 s1, $0x6  }
0xa: {  	s9 =	smul.u32 $0xA0000, s8;
	_ =	strace $0x8000004A;
	s28 =	ssub.s32 $0x2, s8  }
0xb: {  	s18 =	smul.u32 $0x1400, s8;
	s12 =	sor.u32 $0x1C03, s12;
	s6 =	sadd.s32 s6, s5  }
0xc: {  	s7 =	sadd.s32 s7, s5;
	s30 =	sshrl.u32 s28, $0x1;
	s11 =	sshrl.u32 s11, $0x2  }
0xd: {  	s9 =	sadd.s32 s10, s9;
	s13 =	sadd.s32 s11, s2;
	s7 =	sadd.s32 $0x19E00, s7  }
.Ltmp0:
0xe: {  	s10 =	sshrl.u32 s31, $0x2;
	s11 =	simm.s32 $0x5000;
	(pc) =	sbr.rel .LBB2_1-.Ltmp0, $4  }
0xf: {  	v0 =	vmov s18;
	s18 =	simm.s32 $0x2;
	s29 =	sshrl.u32 s9, $0x3;
	s9 =	ssub.s32 s28, s30  }
0x10: {  	s19 =	sadd.s32 s10, s2;
	s10 =	simm.s32 $0x3;
	s13 =	sshrl.u32 s13, $0x3  }
0x11: {  	s8 =	sadd.s32 s29, s5;
	s5 =	sadd.s32 $0x5E00, s6;
	s6 =	sadd.s32 $0xFE00, s6  }
0x12: {  	s9 =	smax.u32 s9, $0x1;
	s19 =	sshrl.u32 s19, $0x3;
	s8 =	sadd.s32 $0x56C00, s8  }
.LBB2_4:
0x13: {  	s20 =	sadd.s32 $0x1, s20  }
0x14: {  	p0 =	sne.s32 s20, s9  }
.Ltmp1:
0x15: {  	[bflag:$0x0] =	sbarrier.arrive $0xFFFF;
	(pc) =	sbr.rel @!p0 .LBB2_5-.Ltmp1, $4  }
0x16: {  	[hbm:s8], [sflag:s12] =	dma.local [spmem:s19], $0x1400  }
0x17: {  	_ =	swait.ge [sflag:s10], $0x1400  }
0x18: {  	[sflag:s10] =	ssyncset.done $0x0  }
0x19: {  	[sflag:s10] =	ssyncadd.s32 $0xFFFFEC00  }
.LBB2_1:
0x1a: {  	[tilespmem:s3], [sflag:$0x3] =	stream.linear.gather [hbm4b:s5+s3], $0x4F00, $0x38;
	[tilespmem:$0x1C400] =	vst v63  }
0x1b: {  	_ =	swait.ge [sflag:s10], $0x4F00  }
0x1c: {  	[sflag:s10] =	ssyncset.done $0x0  }
0x1d: {  	[sflag:s10] =	ssyncadd.s32 $0xFFFFB100  }
0x1e: {  	[tilespmem:s11], [sflag:$0x3] =	stream.linear.gather [hbm4b:s6+s3], $0x4F00, $0x38;
	[tilespmem:$0x1C400] =	vst v63  }
0x1f: {  	_ =	swait.ge [sflag:s10], $0x4F00  }
0x20: {  	[sflag:s10] =	ssyncset.done $0x0  }
0x21: {  	[sflag:s10] =	ssyncadd.s32 $0xFFFFB100  }
0x22: {  	[spmem:s13], [sflag:s12] =	dma.local [hbm:s7], $0x1480  }
0x23: {  	_ =	swait.ge [sflag:s10], $0x1480  }
0x24: {  	[sflag:s10] =	ssyncset.done $0x0  }
0x25: {  	[sflag:s10] =	ssyncadd.s32 $0xFFFFEB80  }
0x26: {  	[bflag:$0x0] =	sbarrier.arrive $0xFFFF  }
0x27: {  	[tilespmem:s15], [sflag:$0x1] =	stream.indirect.gather [hbm4b:s4+s14], $0x80, s3, s14, $0xb8;
	[tilespmem:$0x1C400] =	vst v63  }
0x28: {  	s21 =	simm.s32 $0x0  }
0x29: {  	[tilespmem:s16], [sflag:$0x2] =	stream.indirect.gather [hbm4b:s4+s14], $0x80, s14, s14, $0xb8;
	[tilespmem:$0x1C400] =	vst v63  }
.LBB2_2:
0x2a: {  	_ =	swait.ge [sflag:s17], $0x4000  }
0x2b: {  	[sflag:s17] =	ssyncset.done $0x0  }
0x2c: {  	s22 =	sshra.s32 s21, $0x2;
	[sflag:s17] =	ssyncadd.s32 $0xFFFFC000  }
0x2d: {  	v1 =	vld [tilespmem:s22+$0x5000]  }
0x2e: {  	v2 =	vld [tilespmem:s22+$0x5010]  }
0x2f: {  	v3 =	vld [tilespmem:s22+$0x5020]  }
0x30: {  	v4 =	vld [tilespmem:s22+$0x5030]  }
0x31: {  	v5 =	vld [tilespmem:s22+$0x5040]  }
0x32: {  	v6 =	vld [tilespmem:s22+$0x5050];
	v1 =	vsub.s32 v1, v0  }
0x33: {  	v7 =	vld [tilespmem:s22+$0x5060];
	v2 =	vsub.s32 v2, v0;
	v1 =	vmin.u32 v1, $0x1400  }
0x34: {  	[tilespmem:s22+$0x5000] =	vst v1;
	v1 =	vmin.u32 v2, $0x1400;
	v2 =	vsub.s32 v3, v0;
	v3 =	vld [tilespmem:s22+$0x5070]  }
0x35: {  	[tilespmem:s22+$0x5010] =	vst v1;
	v1 =	vmin.u32 v2, $0x1400;
	v2 =	vsub.s32 v4, v0  }
0x36: {  	[tilespmem:s22+$0x5020] =	vst v1;
	v1 =	vmin.u32 v2, $0x1400;
	v2 =	vsub.s32 v5, v0  }
0x37: {  	[tilespmem:s22+$0x5030] =	vst v1;
	v1 =	vmin.u32 v2, $0x1400;
	v2 =	vsub.s32 v6, v0  }
0x38: {  	[tilespmem:s22+$0x5040] =	vst v1;
	v1 =	vmin.u32 v2, $0x1400;
	v2 =	vsub.s32 v7, v0  }
0x39: {  	[tilespmem:s22+$0x5050] =	vst v1;
	v1 =	vmin.u32 v2, $0x1400;
	v2 =	vsub.s32 v3, v0  }
0x3a: {  	[tilespmem:s22+$0x5060] =	vst v1;
	v1 =	vmin.u32 v2, $0x1400  }
0x3b: {  	s23 =	sadd.s32 $0x5000, s22;
	[tilespmem:s22+$0x5070] =	vst v1  }
0x3c: {  	[spmem:s2] =	stream.indirect.scatter.add.f32 [tilespmem:s15], [sflag:$0x3], $0x80, s23, s14, $0xb8;
	[tilespmem:$0x1C400] =	vst v63  }
0x3d: {  	p0 =	seq.s32 s21, $0x13800;
	_ =	swait.ge [sflag:s10], $0x4000  }
0x3e: {  	s24 =	simm.s32 @!p0 $0x80;
	s23 =	sshra.s32 @!p0 s21, $0x2;
	[sflag:s10] =	ssyncset.done $0x0  }
0x3f: {  	s25 =	simm.s32 @!p0 $0xA000;
	s23 =	sadd.s32 @!p0 $0x100, s23;
	[sflag:s10] =	ssyncadd.s32 $0xFFFFC000  }
0x40: {  	[tilespmem:s25], [sflag:$0x1] =	stream.indirect.gather @!p0 [hbm4b:s4+s24], $0x80, s23, s24, $0xb8;
	[tilespmem:$0x1C400] =	vst v63  }
0x41: {  	_ =	swait.ge [sflag:s18], $0x4000  }
0x42: {  	[sflag:s18] =	ssyncset.done $0x0  }
0x43: {  	[sflag:s18] =	ssyncadd.s32 $0xFFFFC000  }
0x44: {  	v1 =	vld [tilespmem:s22+$0x5080]  }
0x45: {  	v2 =	vld [tilespmem:s22+$0x5090]  }
0x46: {  	v3 =	vld [tilespmem:s22+$0x50A0]  }
0x47: {  	v60 =	vld [tilespmem:s22+$0x50B0]  }
0x48: {  	v61 =	vld [tilespmem:s22+$0x50C0]  }
0x49: {  	v62 =	vld [tilespmem:s22+$0x50D0];
	v1 =	vsub.s32 v1, v0  }
0x4a: {  	v63 =	vld [tilespmem:s22+$0x50E0];
	v2 =	vsub.s32 v2, v0;
	v1 =	vmin.u32 v1, $0x1400  }
0x4b: {  	[tilespmem:s22+$0x5080] =	vst v1;
	v1 =	vmin.u32 v2, $0x1400;
	v2 =	vsub.s32 v3, v0;
	v3 =	vld [tilespmem:s22+$0x50F0]  }
0x4c: {  	[tilespmem:s22+$0x5090] =	vst v1;
	v1 =	vmin.u32 v2, $0x1400;
	v2 =	vsub.s32 v60, v0  }
0x4d: {  	[tilespmem:s22+$0x50A0] =	vst v1;
	v1 =	vmin.u32 v2, $0x1400;
	v2 =	vsub.s32 v61, v0  }
0x4e: {  	[tilespmem:s22+$0x50B0] =	vst v1;
	v1 =	vmin.u32 v2, $0x1400;
	v2 =	vsub.s32 v62, v0  }
0x4f: {  	[tilespmem:s22+$0x50C0] =	vst v1;
	v1 =	vmin.u32 v2, $0x1400;
	v2 =	vsub.s32 v63, v0  }
0x50: {  	[tilespmem:s22+$0x50D0] =	vst v1;
	v1 =	vmin.u32 v2, $0x1400;
	v2 =	vsub.s32 v3, v0  }
0x51: {  	[tilespmem:s22+$0x50E0] =	vst v1;
	v1 =	vmin.u32 v2, $0x1400  }
.Ltmp2:
0x52: {  	s31 =	sadd.s32 $0x5080, s22;
	[tilespmem:s22+$0x50F0] =	vst v1;
	(pc) =	sbr.rel @p0 .LBB2_4-.Ltmp2, $4  }
0x53: {  	[spmem:s2] =	stream.indirect.scatter.add.f32 [tilespmem:s16], [sflag:$0x3], $0x80, s31, s14, $0xb8;
	[tilespmem:$0x1C400] =	vst v63  }
0x54: {  	_ =	swait.ge [sflag:s10], $0x4000  }
0x55: {  	[sflag:s10] =	ssyncset.done $0x0  }
0x56: {  	[sflag:s10] =	ssyncadd.s32 $0xFFFFC000  }
.Ltmp3:
0x57: {  	(pc) =	sbr.rel .LBB2_2-.Ltmp3, $3  }
0x58: {  	_ =	sdelay $0x1  }
0x59: {  	s22 =	sadd.s32 $0x180, s22;
	s21 =	sadd.s32 $0x400, s21  }
0x5a: {  	[tilespmem:s16], [sflag:$0x2] =	stream.indirect.gather [hbm4b:s4+s14], $0x80, s22, s14, $0xb8;
	[tilespmem:$0x1C400] =	vst v63  }
.LBB2_5:
0x5b: {  	_ =	sfence.sel $0x180000  }
0x5c: {  	[bflag:$0x0] =	sbarrier.arrive $0xFFFF  }
0x5d: {  	p0 =	sne.s32 s1, $0x0;
	_ =	strace $0x9000004A  }
0x5e: {  	s0 =	sadd.s32 @!p0 $0x100000, s0;
	[bflag:$0x2] =	sbarrier.arrive $0xFFFF  }
0x5f: {  	[sflag:s0] =	ssyncadd.tile.s32 @!p0 $0x1;
	_ =	shalt  }
.Lfunc_end2:
_tile_overlayer_lowered:
.L_overlay_start_2:
0x60: {  	(tag) =	ssettag $0x2  }
0x61: {  	s0 =	rddreg [dreg:$0x0];
	s2 =	stileid.u32  }
0x62: {  	s1 =	rddreg [dreg:$0x1];
	p0 =	sne.s32 s2, $0x0  }
0x63: {  	s3 =	rddreg [dreg:$0x2];
	[bflag:$0x3] =	sbarrier.arrive $0xFFFF;
	s2 =	simm.s32 @!p0 $0x1C03  }
0x64: {  	[timem:s3], [sflag:s2] =	dma.local @!p0 [hbm:s0], s1  }
0x65: {  	s0 =	simm.s32 @!p0 $0x3  }
0x66: {  	_ =	swait.ge @!p0 [sflag:s0], s1  }
0x67: {  	s1 =	ssub.s32 @!p0 $0x0, s1;
	[sflag:s0] =	ssyncset.done @!p0 $0x0  }
0x68: {  	[sflag:s0] =	ssyncadd.s32 @!p0 s1  }
0x69: {  	[bflag:$0x3] =	sbarrier.arrive $0xFFFF  }
0x6a: {  	_ =	shalt  }

// kernel: kernel.17.cloned.1.call-start
scs
__scs_entry_jumppad:
0x0: {  	(pc) =	sbr.rel $0x88, $3  }
0x1: {  	(tag) =	ssettag $0x0;
	lr =	simm.s32 $0x1  }
0x2: {  	[smem:$0x3F93] =	sst lr;
	_ =	strace $0xD0000000  }
0x3: {  	_ = 	snop  }
0x4: {  	_ = 	snop  }
0x5: {  	_ = 	snop  }
0x6: {  	_ = 	snop  }
0x7: {  	_ = 	snop  }
__scs_overlays_trampoline_lowered:
0x8: {  	[smem:$0x3FA2] =	sst s0  }
0x9: {  	[smem:$0x3FA3] =	sst s1  }
0xa: {  	[smem:$0x3FA4] =	sst s2  }
0xb: {  	[smem:$0x3FA5] =	sst s3  }
0xc: {  	[smem:$0x3FA6] =	sst s4  }
0xd: {  	[smem:$0x3FA7] =	sst s5  }
0xe: {  	[smem:$0x3FA8] =	sst s6  }
0xf: {  	[smem:$0x3FA9] =	sst s7  }
0x10: {  	[smem:$0x3FAA] =	sst s8  }
0x11: {  	[smem:$0x3FAB] =	sst s9;
	s0 =	simm.s32 @!p0 $0x0  }
0x12: {  	s1 =	sld [smem:$0x3F91];
	s0 =	simm.s32 @p0 $0x1  }
0x13: {  	[smem:$0x3FAC] =	sst s0;
	s0 =	simm.s32 @!p1 $0x0  }
0x14: {  	s2 =	sld [smem:$0x3F90];
	s0 =	simm.s32 @p1 $0x1  }
0x15: {  	[smem:$0x3FAD] =	sst s0;
	s0 =	simm.s32 @!p2 $0x0  }
0x16: {  	s3 =	sld [smem:$0x3FDB];
	s0 =	simm.s32 @p2 $0x1  }
0x17: {  	s4 =	simm.s32 $0x1BF5;
	[smem:$0x3FAF] =	sst s0  }
0x18: {  	s0 =	sld [smem:$0x3F92];
	_ =	swait.ge [sflag:s4], $0x0  }
0x19: {  	s7 =	sld [smem:$0x3F93]  }
0x1a: {  	s8 =	sadd.s32 $0xFFFFE003, lr  }
0x1b: {  	s9 =	sadd.s32 $0xFFFFFEF7, lr;
	s5 =	simm.s32 $0xFFFFFFFF;
	p2 =	slt.u32 s8, $0xFFFFF086  }
0x1c: {  	p1 =	slt.u32 s9, $0xF7A;
	s5 =	simm.s32 @!p2 $0x0  }
0x1d: {  	s5 =	simm.s32 @p1 $0x1;
	p0 =	seq.s32 s7, s2  }
0x1e: {  	s7 =	smul.u32 @!p0 $0xF7A, s2;
	p2 =	seq.s32 @!p0 s5, $0x0  }
0x1f: {  	s9 =	smul.u32 $0xF7A, s1;
	s8 =	simm.s32 @!p0 $0x1BF5;
	p2 =	por !p2, p0  }
0x20: {  	[sflag:s8] =	ssyncset.s32 @!p0 $0xFFFFF086;
	s6 =	sadd.s32 @!p0 s3, s7;
	s7 =	simm.s32 @!p0 $0x108  }
0x21: {  	s3 =	sadd.s32 s3, s9;
	s6 =	sadd.s32 @!p0 $0x88, s6;
	s7 =	simm.s32 @p2 $0x1082  }
0x22: {  	[simem:s7], [sflag:s8] =	dma.local @!p0 [hbm:s6], $0xF7A  }
0x23: {  	s9 =	sor.u32 $0xD0000000, s2;
	s6 =	simm.s32 $0x108;
	_ =	swait.ge @!p0 [sflag:s8], $0x0  }
0x24: {  	s3 =	sadd.s32 $0x88, s3;
	s6 =	simm.s32 @!p1 $0x1082;
	[sflag:s4] =	ssyncset.s32 $0xFFFFF086  }
0x25: {  	[simem:s6], [sflag:s4] =	dma.local [hbm:s3], $0xF7A  }
0x26: {  	[smem:$0x3F93] =	sst s1;
	(tag) =	ssettag s2;
	_ =	strace s9  }
0x27: {  	s1 =	sld [smem:$0x3FA3]  }
0x28: {  	s2 =	sld [smem:$0x3FA4]  }
0x29: {  	s4 =	sld [smem:$0x3FA6]  }
0x2a: {  	p0 =	seq.s32 s5, $0x0;
	s5 =	sld [smem:$0x3FA7]  }
0x2b: {  	s6 =	sld [smem:$0x3FA8]  }
0x2c: {  	s7 =	sld [smem:$0x3FA9]  }
0x2d: {  	s3 =	simm.s32 $0x108;
	s8 =	sld [smem:$0x3FAA]  }
0x2e: {  	s3 =	simm.s32 @!p0 $0x1082;
	s9 =	sld [smem:$0x3FAB]  }
0x2f: {  	lr =	sadd.s32 s0, s3;
	s0 =	sld [smem:$0x3FA2]  }
0x30: {  	s3 =	sld [smem:$0x3FA5]  }
0x31: {  	[smem:$0x3FAE] =	sst s10  }
0x32: {  	s10 =	sld [smem:$0x3FAC];
	_ =	sdelay $0x3  }
0x33: {  	p0 =	seq.s32 s10, $0x1;
	s10 =	sld [smem:$0x3FAE];
	_ =	sdelay $0x3  }
0x34: {  	[smem:$0x3FAE] =	sst s10  }
0x35: {  	s10 =	sld [smem:$0x3FAD];
	_ =	sdelay $0x3  }
0x36: {  	p1 =	seq.s32 s10, $0x1;
	s10 =	sld [smem:$0x3FAE];
	_ =	sdelay $0x3  }
0x37: {  	[smem:$0x3FAE] =	sst s10  }
0x38: {  	s10 =	sld [smem:$0x3FAF]  }
0x39: {  	_ = 	snop;
	(pc) =	sbr.ind lr, $3  }
0x3a: {  	_ = 	snop  }
0x3b: {  	_ = 	snop  }
0x3c: {  	p2 =	seq.s32 s10, $0x1;
	s10 =	sld [smem:$0x3FAE]  }
0x3d: {  	_ =	shalt  }
0x3e: {  	_ =	shalt  }
0x3f: {  	_ =	shalt  }
0x40: {  	_ =	shalt  }
0x41: {  	_ =	shalt  }
0x42: {  	_ =	shalt  }
0x43: {  	_ =	shalt  }
0x44: {  	_ =	shalt  }
0x45: {  	_ =	shalt  }
0x46: {  	_ =	shalt  }
0x47: {  	_ =	shalt  }
0x48: {  	_ =	shalt  }
0x49: {  	_ =	shalt  }
0x4a: {  	_ =	shalt  }
0x4b: {  	_ =	shalt  }
0x4c: {  	_ =	shalt  }
0x4d: {  	_ =	shalt  }
0x4e: {  	_ =	shalt  }
0x4f: {  	_ =	shalt  }
0x50: {  	_ =	shalt  }
0x51: {  	_ =	shalt  }
0x52: {  	_ =	shalt  }
0x53: {  	_ =	shalt  }
0x54: {  	_ =	shalt  }
0x55: {  	_ =	shalt  }
0x56: {  	_ =	shalt  }
0x57: {  	_ =	shalt  }
0x58: {  	_ =	shalt  }
0x59: {  	_ =	shalt  }
0x5a: {  	_ =	shalt  }
0x5b: {  	_ =	shalt  }
0x5c: {  	_ =	shalt  }
0x5d: {  	_ =	shalt  }
0x5e: {  	_ =	shalt  }
0x5f: {  	_ =	shalt  }
0x60: {  	_ =	shalt  }
0x61: {  	_ =	shalt  }
0x62: {  	_ =	shalt  }
0x63: {  	_ =	shalt  }
0x64: {  	_ =	shalt  }
0x65: {  	_ =	shalt  }
0x66: {  	_ =	shalt  }
0x67: {  	_ =	shalt  }
0x68: {  	_ =	shalt  }
0x69: {  	_ =	shalt  }
0x6a: {  	_ =	shalt  }
0x6b: {  	_ =	shalt  }
0x6c: {  	_ =	shalt  }
0x6d: {  	_ =	shalt  }
0x6e: {  	_ =	shalt  }
0x6f: {  	_ =	shalt  }
0x70: {  	_ =	shalt  }
0x71: {  	_ =	shalt  }
0x72: {  	_ =	shalt  }
0x73: {  	_ =	shalt  }
0x74: {  	_ =	shalt  }
0x75: {  	_ =	shalt  }
0x76: {  	_ =	shalt  }
0x77: {  	_ =	shalt  }
0x78: {  	_ =	shalt  }
0x79: {  	_ =	shalt  }
0x7a: {  	_ =	shalt  }
0x7b: {  	_ =	shalt  }
0x7c: {  	_ =	shalt  }
0x7d: {  	_ =	shalt  }
0x7e: {  	_ =	shalt  }
0x7f: {  	_ =	shalt  }
0x80: {  	_ =	shalt  }
0x81: {  	_ =	shalt  }
0x82: {  	_ =	shalt  }
0x83: {  	_ =	shalt  }
0x84: {  	_ =	shalt  }
0x85: {  	_ =	shalt  }
0x86: {  	_ =	shalt  }
0x87: {  	_ =	shalt  }
.Lfunc_end0:
.L_simem_size_0:
called_computation.2_lowered:
.L_overlay_start_0:
0x88: {  	s2 =	sld [smem:$0x3FD9]  }
0x89: {  	s3 =	sld [smem:$0x3FFE];
	_ =	sdelay $0x1  }
0x8a: {  	s1 =	srdreg.scid  }
0x8b: {  	s0 =	sand.u32 $0x1, s1  }
0x8c: {  	s16 =	sshll.u32 s0, $0xA;
	s2 =	sadd.s32 s3, s2  }
0x8d: {  	s2 =	sadd.s32 s2, s16  }
0x8e: {  	[smem:$0x3FBA] =	sst s2  }
0x8f: {  	_ = 	snop  }
0x90: {  	(tm) =	ssettm $0x1  }
0x91: {  	s17 =	sld [smem:$0x3FFB];
	_ =	sdelay $0x3  }
0x92: {  	_ =	strace s17  }
0x93: {  	s2 =	sld [smem:$0x3FFC];
	_ =	sdelay $0x3  }
0x94: {  	_ =	strace s2  }
0x95: {  	s2 =	sld [smem:$0x3FFD];
	_ =	sdelay $0x3  }
0x96: {  	_ =	strace s2  }
0x97: {  	_ =	strace $0x8FFFFFFF  }
0x98: {  	s18 =	sld [smem:$0x3FDB];
	_ =	sdelay $0x1  }
0x99: {  	s19 =	simm.s32 $_scs_section_size  }
0x9a: {  	s4 =	simm.s32 $_size__tile_overlayer_lowered;
	s5 =	simm.s32 $_tile_overlayer_lowered  }
0x9b: {  	s22 =	simm.s32 $0x1BFF;
	s21 =	sshll.u32 s5, $0x1;
	s2 =	sadd.s32 s19, s18  }
0x9c: {  	s6 =	simm.s32 $0x0;
	s20 =	sshll.u32 s4, $0x1;
	s4 =	sadd.s32 s21, s2  }
0x9d: {  	[timem:s6], [sflag:s22] =	dma.local [hbm:s4], s20  }
0x9e: {  	_ =	swait.ge [sflag:s22], s20  }
0x9f: {  	s3 =	ssub.s32 $0x0, s20;
	[sflag:s22] =	ssyncset.done $0x0  }
0xa0: {  	[sflag:s22] =	ssyncadd.s32 s3;
	_ =	sdelay $0x1  }
0xa1: {  	s23 =	simm.s32 $0x1B8B  }
0xa2: {  	_ =	swait.ge [sflag:s23], $0x1  }
0xa3: {  	[sflag:s23] =	ssyncset.done $0x0  }
0xa4: {  	s25 =	simm.s32 $0x1B8E;
	s24 =	sld [smem:$0x3FFE];
	[sflag:s23] =	ssyncadd.s32 $0xFFFFFFFF  }
0xa5: {  	s26 =	simm.s32 $execute0_lowered;
	[smem:$0x3FD2] =	sst s25  }
0xa6: {  	s4 =	sshll.u32 s26, $0x1;
	_ =	strace $0x8000004C;
	[dreg:$0x1] =	wrdreg $0xFFFFFFFF  }
0xa7: {  	s28 =	simm.s32 $_size_execute0_lowered;
	s2 =	sadd.s32 s2, s4;
	[dreg:$0x0] =	wrdreg $0x0  }
0xa8: {  	s4 =	sshll.u32 s28, $0x1;
	[dreg:$0x2] =	wrdreg s2  }
0xa9: {  	[dreg:$0x3] =	wrdreg s4  }
0xaa: {  	[dreg:$0x4] =	wrdreg $0xC0  }
0xab: {  	_ =	task [dreg:s6], $0x5FFFF  }
0xac: {  	[dreg:$0x1] =	wrdreg $0xFFFFFFFF  }
0xad: {  	[dreg:$0x0] =	wrdreg $0x60  }
0xae: {  	[dreg:$0x2] =	wrdreg s24  }
0xaf: {  	[dreg:$0x3] =	wrdreg $0x120000  }
0xb0: {  	[dreg:$0x4] =	wrdreg $0x9  }
0xb1: {  	_ =	task.clear_ibuf [dreg:s6], $0x5FFFF;
	_ =	strace $0x9000004C  }
0xb2: {  	s29 =	simm.s32 $0x9;
	_ =	strace $0x8000004E  }
0xb3: {  	_ =	swait.ge [sflag:s29], $0x1  }
0xb4: {  	[sflag:s29] =	ssyncadd.s32 $0xFFFFFFFF  }
0xb5: {  	_ =	strace $0x9000004E  }
0xb6: {  	_ =	sfence  }
0xb7: {  	s30 =	sld [smem:$0x0];
	_ =	sdelay $0x2  }
0xb8: {  	s31 =	sshll.u32 s1, $0xD;
	s1 =	sshrl.u32 s1, $0x2  }
0xb9: {  	s3 =	sand.u32 $0x4000, s31;
	s1 =	sadd.s32 s1, s30  }
0xba: {  	s0 =	sor.u32 s3, s0;
	s1 =	sshll.u32 s1, $0x11  }
0xbb: {  	s0 =	sor.u32 s1, s0  }
0xbc: {  	s0 =	sadd.s32 $0x8F2B, s0  }
0xbd: {  	[sflag:s0] =	ssyncadd.remote.s32 $0x1  }
0xbe: {  	_ =	sfence.sel $0xFFFF  }
0xbf: {  	[dreg:$0x0] =	wrdreg $0xFFFFFFFF;
	(pc) =	sbr.abs _section_cstart, $3  }
0xc0: {  	[dreg:$0x1] =	wrdreg $0xFFFFFFFF  }
0xc1: {  	_ =	task.clear_ibuf [dreg:s6], $0x2FFFF;
	_ =	strace $0x9FFFFFFF  }
0xc2: {  	(tm) =	ssettm $0x7FFFFFFF  }
0xc3: {  	_ =	shalt  }
tec
execute0_lowered:
.L_overlay_start_1:
0x0: {  	(tag) =	ssettag $0x1  }
0x1: {  	s5 =	rddreg [dreg:$0x0]  }
0x2: {  	s2 =	rddreg [dreg:$0x1]  }
0x3: {  	s0 =	rddreg [dreg:$0x2]  }
0x4: {  	s1 =	stileid.u32;
	s4 =	srdreg.scid  }
0x5: {  	s3 =	simm.s32 $0x0;
	s14 =	simm.s32 $0x80;
	s6 =	smul.u32 $0xA00, s1  }
0x6: {  	s15 =	simm.s32 $0xA000;
	s16 =	simm.s32 $0xE000;
	s7 =	smul.u32 $0x1480, s1  }
0x7: {  	s17 =	simm.s32 $0x1;
	s20 =	simm.s32 $0x0;
	s10 =	smul.u32 $0xA000, s1  }
0x8: {  	s8 =	sand.u32 $0x1, s4;
	[smem:$0x7FF] =	sst s3;
	s11 =	smul.u32 $0x29000, s1  }
0x9: {  	s4 =	sadd.s32 $0x2E600, s5;
	s31 =	smul.u32 $0x28000, s1;
	s12 =	sshll.u32 s1, $0x6  }
0xa: {  	s9 =	smul.u32 $0xA0000, s8;
	_ =	strace $0x8000004D;
	s28 =	ssub.s32 $0x2, s8  }
0xb: {  	s18 =	smul.u32 $0x1400, s8;
	s12 =	sor.u32 $0x1C03, s12;
	s6 =	sadd.s32 s6, s5  }
0xc: {  	s7 =	sadd.s32 s7, s5;
	s30 =	sshrl.u32 s28, $0x1;
	s11 =	sshrl.u32 s11, $0x2  }
0xd: {  	s9 =	sadd.s32 s10, s9;
	s13 =	sadd.s32 s11, s2;
	s7 =	sadd.s32 $0x19E00, s7  }
.Ltmp0:
0xe: {  	s10 =	sshrl.u32 s31, $0x2;
	s11 =	simm.s32 $0x5000;
	(pc) =	sbr.rel .LBB2_1-.Ltmp0, $4  }
0xf: {  	v0 =	vmov s18;
	s18 =	simm.s32 $0x2;
	s29 =	sshrl.u32 s9, $0x3;
	s9 =	ssub.s32 s28, s30  }
0x10: {  	s19 =	sadd.s32 s10, s2;
	s10 =	simm.s32 $0x3;
	s13 =	sshrl.u32 s13, $0x3  }
0x11: {  	s8 =	sadd.s32 s29, s5;
	s5 =	sadd.s32 $0x5E00, s6;
	s6 =	sadd.s32 $0xFE00, s6  }
0x12: {  	s9 =	smax.u32 s9, $0x1;
	s19 =	sshrl.u32 s19, $0x3;
	s8 =	sadd.s32 $0x56C00, s8  }
.LBB2_4:
0x13: {  	s20 =	sadd.s32 $0x1, s20  }
0x14: {  	p0 =	sne.s32 s20, s9  }
.Ltmp1:
0x15: {  	[bflag:$0x0] =	sbarrier.arrive $0xFFFF;
	(pc) =	sbr.rel @!p0 .LBB2_5-.Ltmp1, $4  }
0x16: {  	[hbm:s8], [sflag:s12] =	dma.local [spmem:s19], $0x1400  }
0x17: {  	_ =	swait.ge [sflag:s10], $0x1400  }
0x18: {  	[sflag:s10] =	ssyncset.done $0x0  }
0x19: {  	[sflag:s10] =	ssyncadd.s32 $0xFFFFEC00  }
.LBB2_1:
0x1a: {  	[tilespmem:s3], [sflag:$0x3] =	stream.linear.gather [hbm4b:s5+s3], $0x4F00, $0x38;
	[tilespmem:$0x1C400] =	vst v63  }
0x1b: {  	_ =	swait.ge [sflag:s10], $0x4F00  }
0x1c: {  	[sflag:s10] =	ssyncset.done $0x0  }
0x1d: {  	[sflag:s10] =	ssyncadd.s32 $0xFFFFB100  }
0x1e: {  	[tilespmem:s11], [sflag:$0x3] =	stream.linear.gather [hbm4b:s6+s3], $0x4F00, $0x38;
	[tilespmem:$0x1C400] =	vst v63  }
0x1f: {  	_ =	swait.ge [sflag:s10], $0x4F00  }
0x20: {  	[sflag:s10] =	ssyncset.done $0x0  }
0x21: {  	[sflag:s10] =	ssyncadd.s32 $0xFFFFB100  }
0x22: {  	[spmem:s13], [sflag:s12] =	dma.local [hbm:s7], $0x1480  }
0x23: {  	_ =	swait.ge [sflag:s10], $0x1480  }
0x24: {  	[sflag:s10] =	ssyncset.done $0x0  }
0x25: {  	[sflag:s10] =	ssyncadd.s32 $0xFFFFEB80  }
0x26: {  	[bflag:$0x0] =	sbarrier.arrive $0xFFFF  }
0x27: {  	[tilespmem:s15], [sflag:$0x1] =	stream.indirect.gather [hbm4b:s4+s14], $0x80, s3, s14, $0xb8;
	[tilespmem:$0x1C400] =	vst v63  }
0x28: {  	s21 =	simm.s32 $0x0  }
0x29: {  	[tilespmem:s16], [sflag:$0x2] =	stream.indirect.gather [hbm4b:s4+s14], $0x80, s14, s14, $0xb8;
	[tilespmem:$0x1C400] =	vst v63  }
.LBB2_2:
0x2a: {  	_ =	swait.ge [sflag:s17], $0x4000  }
0x2b: {  	[sflag:s17] =	ssyncset.done $0x0  }
0x2c: {  	s22 =	sshra.s32 s21, $0x2;
	[sflag:s17] =	ssyncadd.s32 $0xFFFFC000  }
0x2d: {  	v1 =	vld [tilespmem:s22+$0x5000]  }
0x2e: {  	v2 =	vld [tilespmem:s22+$0x5010]  }
0x2f: {  	v3 =	vld [tilespmem:s22+$0x5020]  }
0x30: {  	v4 =	vld [tilespmem:s22+$0x5030]  }
0x31: {  	v5 =	vld [tilespmem:s22+$0x5040]  }
0x32: {  	v6 =	vld [tilespmem:s22+$0x5050];
	v1 =	vsub.s32 v1, v0  }
0x33: {  	v7 =	vld [tilespmem:s22+$0x5060];
	v2 =	vsub.s32 v2, v0;
	v1 =	vmin.u32 v1, $0x1400  }
0x34: {  	[tilespmem:s22+$0x5000] =	vst v1;
	v1 =	vmin.u32 v2, $0x1400;
	v2 =	vsub.s32 v3, v0;
	v3 =	vld [tilespmem:s22+$0x5070]  }
0x35: {  	[tilespmem:s22+$0x5010] =	vst v1;
	v1 =	vmin.u32 v2, $0x1400;
	v2 =	vsub.s32 v4, v0  }
0x36: {  	[tilespmem:s22+$0x5020] =	vst v1;
	v1 =	vmin.u32 v2, $0x1400;
	v2 =	vsub.s32 v5, v0  }
0x37: {  	[tilespmem:s22+$0x5030] =	vst v1;
	v1 =	vmin.u32 v2, $0x1400;
	v2 =	vsub.s32 v6, v0  }
0x38: {  	[tilespmem:s22+$0x5040] =	vst v1;
	v1 =	vmin.u32 v2, $0x1400;
	v2 =	vsub.s32 v7, v0  }
0x39: {  	[tilespmem:s22+$0x5050] =	vst v1;
	v1 =	vmin.u32 v2, $0x1400;
	v2 =	vsub.s32 v3, v0  }
0x3a: {  	[tilespmem:s22+$0x5060] =	vst v1;
	v1 =	vmin.u32 v2, $0x1400  }
0x3b: {  	s23 =	sadd.s32 $0x5000, s22;
	[tilespmem:s22+$0x5070] =	vst v1  }
0x3c: {  	[spmem:s2] =	stream.indirect.scatter.add.f32 [tilespmem:s15], [sflag:$0x3], $0x80, s23, s14, $0xb8;
	[tilespmem:$0x1C400] =	vst v63  }
0x3d: {  	p0 =	seq.s32 s21, $0x13800;
	_ =	swait.ge [sflag:s10], $0x4000  }
0x3e: {  	s24 =	simm.s32 @!p0 $0x80;
	s23 =	sshra.s32 @!p0 s21, $0x2;
	[sflag:s10] =	ssyncset.done $0x0  }
0x3f: {  	s25 =	simm.s32 @!p0 $0xA000;
	s23 =	sadd.s32 @!p0 $0x100, s23;
	[sflag:s10] =	ssyncadd.s32 $0xFFFFC000  }
0x40: {  	[tilespmem:s25], [sflag:$0x1] =	stream.indirect.gather @!p0 [hbm4b:s4+s24], $0x80, s23, s24, $0xb8;
	[tilespmem:$0x1C400] =	vst v63  }
0x41: {  	_ =	swait.ge [sflag:s18], $0x4000  }
0x42: {  	[sflag:s18] =	ssyncset.done $0x0  }
0x43: {  	[sflag:s18] =	ssyncadd.s32 $0xFFFFC000  }
0x44: {  	v1 =	vld [tilespmem:s22+$0x5080]  }
0x45: {  	v2 =	vld [tilespmem:s22+$0x5090]  }
0x46: {  	v3 =	vld [tilespmem:s22+$0x50A0]  }
0x47: {  	v60 =	vld [tilespmem:s22+$0x50B0]  }
0x48: {  	v61 =	vld [tilespmem:s22+$0x50C0]  }
0x49: {  	v62 =	vld [tilespmem:s22+$0x50D0];
	v1 =	vsub.s32 v1, v0  }
0x4a: {  	v63 =	vld [tilespmem:s22+$0x50E0];
	v2 =	vsub.s32 v2, v0;
	v1 =	vmin.u32 v1, $0x1400  }
0x4b: {  	[tilespmem:s22+$0x5080] =	vst v1;
	v1 =	vmin.u32 v2, $0x1400;
	v2 =	vsub.s32 v3, v0;
	v3 =	vld [tilespmem:s22+$0x50F0]  }
0x4c: {  	[tilespmem:s22+$0x5090] =	vst v1;
	v1 =	vmin.u32 v2, $0x1400;
	v2 =	vsub.s32 v60, v0  }
0x4d: {  	[tilespmem:s22+$0x50A0] =	vst v1;
	v1 =	vmin.u32 v2, $0x1400;
	v2 =	vsub.s32 v61, v0  }
0x4e: {  	[tilespmem:s22+$0x50B0] =	vst v1;
	v1 =	vmin.u32 v2, $0x1400;
	v2 =	vsub.s32 v62, v0  }
0x4f: {  	[tilespmem:s22+$0x50C0] =	vst v1;
	v1 =	vmin.u32 v2, $0x1400;
	v2 =	vsub.s32 v63, v0  }
0x50: {  	[tilespmem:s22+$0x50D0] =	vst v1;
	v1 =	vmin.u32 v2, $0x1400;
	v2 =	vsub.s32 v3, v0  }
0x51: {  	[tilespmem:s22+$0x50E0] =	vst v1;
	v1 =	vmin.u32 v2, $0x1400  }
.Ltmp2:
0x52: {  	s31 =	sadd.s32 $0x5080, s22;
	[tilespmem:s22+$0x50F0] =	vst v1;
	(pc) =	sbr.rel @p0 .LBB2_4-.Ltmp2, $4  }
0x53: {  	[spmem:s2] =	stream.indirect.scatter.add.f32 [tilespmem:s16], [sflag:$0x3], $0x80, s31, s14, $0xb8;
	[tilespmem:$0x1C400] =	vst v63  }
0x54: {  	_ =	swait.ge [sflag:s10], $0x4000  }
0x55: {  	[sflag:s10] =	ssyncset.done $0x0  }
0x56: {  	[sflag:s10] =	ssyncadd.s32 $0xFFFFC000  }
.Ltmp3:
0x57: {  	(pc) =	sbr.rel .LBB2_2-.Ltmp3, $3  }
0x58: {  	_ =	sdelay $0x1  }
0x59: {  	s22 =	sadd.s32 $0x180, s22;
	s21 =	sadd.s32 $0x400, s21  }
0x5a: {  	[tilespmem:s16], [sflag:$0x2] =	stream.indirect.gather [hbm4b:s4+s14], $0x80, s22, s14, $0xb8;
	[tilespmem:$0x1C400] =	vst v63  }
.LBB2_5:
0x5b: {  	_ =	sfence.sel $0x180000  }
0x5c: {  	[bflag:$0x0] =	sbarrier.arrive $0xFFFF  }
0x5d: {  	p0 =	sne.s32 s1, $0x0;
	_ =	strace $0x9000004D  }
0x5e: {  	s0 =	sadd.s32 @!p0 $0x100000, s0;
	[bflag:$0x2] =	sbarrier.arrive $0xFFFF  }
0x5f: {  	[sflag:s0] =	ssyncadd.tile.s32 @!p0 $0x1;
	_ =	shalt  }
.Lfunc_end2:
_tile_overlayer_lowered:
.L_overlay_start_2:
0x60: {  	(tag) =	ssettag $0x2  }
0x61: {  	s0 =	rddreg [dreg:$0x0];
	s2 =	stileid.u32  }
0x62: {  	s1 =	rddreg [dreg:$0x1];
	p0 =	sne.s32 s2, $0x0  }
0x63: {  	s3 =	rddreg [dreg:$0x2];
	[bflag:$0x3] =	sbarrier.arrive $0xFFFF;
	s2 =	simm.s32 @!p0 $0x1C03  }
0x64: {  	[timem:s3], [sflag:s2] =	dma.local @!p0 [hbm:s0], s1  }
0x65: {  	s0 =	simm.s32 @!p0 $0x3  }
0x66: {  	_ =	swait.ge @!p0 [sflag:s0], s1  }
0x67: {  	s1 =	ssub.s32 @!p0 $0x0, s1;
	[sflag:s0] =	ssyncset.done @!p0 $0x0  }
0x68: {  	[sflag:s0] =	ssyncadd.s32 @!p0 s1  }
0x69: {  	[bflag:$0x3] =	sbarrier.arrive $0xFFFF  }
0x6a: {  	_ =	shalt  }

// kernel: kernel.20.cloned.1.call-start
scs
__scs_entry_jumppad:
0x0: {  	(pc) =	sbr.rel $0x88, $3  }
0x1: {  	(tag) =	ssettag $0x0;
	lr =	simm.s32 $0x1  }
0x2: {  	[smem:$0x3F93] =	sst lr;
	_ =	strace $0xD0000000  }
0x3: {  	_ = 	snop  }
0x4: {  	_ = 	snop  }
0x5: {  	_ = 	snop  }
0x6: {  	_ = 	snop  }
0x7: {  	_ = 	snop  }
__scs_overlays_trampoline_lowered:
0x8: {  	[smem:$0x3FA2] =	sst s0  }
0x9: {  	[smem:$0x3FA3] =	sst s1  }
0xa: {  	[smem:$0x3FA4] =	sst s2  }
0xb: {  	[smem:$0x3FA5] =	sst s3  }
0xc: {  	[smem:$0x3FA6] =	sst s4  }
0xd: {  	[smem:$0x3FA7] =	sst s5  }
0xe: {  	[smem:$0x3FA8] =	sst s6  }
0xf: {  	[smem:$0x3FA9] =	sst s7  }
0x10: {  	[smem:$0x3FAA] =	sst s8  }
0x11: {  	[smem:$0x3FAB] =	sst s9;
	s0 =	simm.s32 @!p0 $0x0  }
0x12: {  	s1 =	sld [smem:$0x3F91];
	s0 =	simm.s32 @p0 $0x1  }
0x13: {  	[smem:$0x3FAC] =	sst s0;
	s0 =	simm.s32 @!p1 $0x0  }
0x14: {  	s2 =	sld [smem:$0x3F90];
	s0 =	simm.s32 @p1 $0x1  }
0x15: {  	[smem:$0x3FAD] =	sst s0;
	s0 =	simm.s32 @!p2 $0x0  }
0x16: {  	s3 =	sld [smem:$0x3FDB];
	s0 =	simm.s32 @p2 $0x1  }
0x17: {  	s4 =	simm.s32 $0x1BF5;
	[smem:$0x3FAF] =	sst s0  }
0x18: {  	s0 =	sld [smem:$0x3F92];
	_ =	swait.ge [sflag:s4], $0x0  }
0x19: {  	s7 =	sld [smem:$0x3F93]  }
0x1a: {  	s8 =	sadd.s32 $0xFFFFE003, lr  }
0x1b: {  	s9 =	sadd.s32 $0xFFFFFEF7, lr;
	s5 =	simm.s32 $0xFFFFFFFF;
	p2 =	slt.u32 s8, $0xFFFFF086  }
0x1c: {  	p1 =	slt.u32 s9, $0xF7A;
	s5 =	simm.s32 @!p2 $0x0  }
0x1d: {  	s5 =	simm.s32 @p1 $0x1;
	p0 =	seq.s32 s7, s2  }
0x1e: {  	s7 =	smul.u32 @!p0 $0xF7A, s2;
	p2 =	seq.s32 @!p0 s5, $0x0  }
0x1f: {  	s9 =	smul.u32 $0xF7A, s1;
	s8 =	simm.s32 @!p0 $0x1BF5;
	p2 =	por !p2, p0  }
0x20: {  	[sflag:s8] =	ssyncset.s32 @!p0 $0xFFFFF086;
	s6 =	sadd.s32 @!p0 s3, s7;
	s7 =	simm.s32 @!p0 $0x108  }
0x21: {  	s3 =	sadd.s32 s3, s9;
	s6 =	sadd.s32 @!p0 $0x88, s6;
	s7 =	simm.s32 @p2 $0x1082  }
0x22: {  	[simem:s7], [sflag:s8] =	dma.local @!p0 [hbm:s6], $0xF7A  }
0x23: {  	s9 =	sor.u32 $0xD0000000, s2;
	s6 =	simm.s32 $0x108;
	_ =	swait.ge @!p0 [sflag:s8], $0x0  }
0x24: {  	s3 =	sadd.s32 $0x88, s3;
	s6 =	simm.s32 @!p1 $0x1082;
	[sflag:s4] =	ssyncset.s32 $0xFFFFF086  }
0x25: {  	[simem:s6], [sflag:s4] =	dma.local [hbm:s3], $0xF7A  }
0x26: {  	[smem:$0x3F93] =	sst s1;
	(tag) =	ssettag s2;
	_ =	strace s9  }
0x27: {  	s1 =	sld [smem:$0x3FA3]  }
0x28: {  	s2 =	sld [smem:$0x3FA4]  }
0x29: {  	s4 =	sld [smem:$0x3FA6]  }
0x2a: {  	p0 =	seq.s32 s5, $0x0;
	s5 =	sld [smem:$0x3FA7]  }
0x2b: {  	s6 =	sld [smem:$0x3FA8]  }
0x2c: {  	s7 =	sld [smem:$0x3FA9]  }
0x2d: {  	s3 =	simm.s32 $0x108;
	s8 =	sld [smem:$0x3FAA]  }
0x2e: {  	s3 =	simm.s32 @!p0 $0x1082;
	s9 =	sld [smem:$0x3FAB]  }
0x2f: {  	lr =	sadd.s32 s0, s3;
	s0 =	sld [smem:$0x3FA2]  }
0x30: {  	s3 =	sld [smem:$0x3FA5]  }
0x31: {  	[smem:$0x3FAE] =	sst s10  }
0x32: {  	s10 =	sld [smem:$0x3FAC];
	_ =	sdelay $0x3  }
0x33: {  	p0 =	seq.s32 s10, $0x1;
	s10 =	sld [smem:$0x3FAE];
	_ =	sdelay $0x3  }
0x34: {  	[smem:$0x3FAE] =	sst s10  }
0x35: {  	s10 =	sld [smem:$0x3FAD];
	_ =	sdelay $0x3  }
0x36: {  	p1 =	seq.s32 s10, $0x1;
	s10 =	sld [smem:$0x3FAE];
	_ =	sdelay $0x3  }
0x37: {  	[smem:$0x3FAE] =	sst s10  }
0x38: {  	s10 =	sld [smem:$0x3FAF]  }
0x39: {  	_ = 	snop;
	(pc) =	sbr.ind lr, $3  }
0x3a: {  	_ = 	snop  }
0x3b: {  	_ = 	snop  }
0x3c: {  	p2 =	seq.s32 s10, $0x1;
	s10 =	sld [smem:$0x3FAE]  }
0x3d: {  	_ =	shalt  }
0x3e: {  	_ =	shalt  }
0x3f: {  	_ =	shalt  }
0x40: {  	_ =	shalt  }
0x41: {  	_ =	shalt  }
0x42: {  	_ =	shalt  }
0x43: {  	_ =	shalt  }
0x44: {  	_ =	shalt  }
0x45: {  	_ =	shalt  }
0x46: {  	_ =	shalt  }
0x47: {  	_ =	shalt  }
0x48: {  	_ =	shalt  }
0x49: {  	_ =	shalt  }
0x4a: {  	_ =	shalt  }
0x4b: {  	_ =	shalt  }
0x4c: {  	_ =	shalt  }
0x4d: {  	_ =	shalt  }
0x4e: {  	_ =	shalt  }
0x4f: {  	_ =	shalt  }
0x50: {  	_ =	shalt  }
0x51: {  	_ =	shalt  }
0x52: {  	_ =	shalt  }
0x53: {  	_ =	shalt  }
0x54: {  	_ =	shalt  }
0x55: {  	_ =	shalt  }
0x56: {  	_ =	shalt  }
0x57: {  	_ =	shalt  }
0x58: {  	_ =	shalt  }
0x59: {  	_ =	shalt  }
0x5a: {  	_ =	shalt  }
0x5b: {  	_ =	shalt  }
0x5c: {  	_ =	shalt  }
0x5d: {  	_ =	shalt  }
0x5e: {  	_ =	shalt  }
0x5f: {  	_ =	shalt  }
0x60: {  	_ =	shalt  }
0x61: {  	_ =	shalt  }
0x62: {  	_ =	shalt  }
0x63: {  	_ =	shalt  }
0x64: {  	_ =	shalt  }
0x65: {  	_ =	shalt  }
0x66: {  	_ =	shalt  }
0x67: {  	_ =	shalt  }
0x68: {  	_ =	shalt  }
0x69: {  	_ =	shalt  }
0x6a: {  	_ =	shalt  }
0x6b: {  	_ =	shalt  }
0x6c: {  	_ =	shalt  }
0x6d: {  	_ =	shalt  }
0x6e: {  	_ =	shalt  }
0x6f: {  	_ =	shalt  }
0x70: {  	_ =	shalt  }
0x71: {  	_ =	shalt  }
0x72: {  	_ =	shalt  }
0x73: {  	_ =	shalt  }
0x74: {  	_ =	shalt  }
0x75: {  	_ =	shalt  }
0x76: {  	_ =	shalt  }
0x77: {  	_ =	shalt  }
0x78: {  	_ =	shalt  }
0x79: {  	_ =	shalt  }
0x7a: {  	_ =	shalt  }
0x7b: {  	_ =	shalt  }
0x7c: {  	_ =	shalt  }
0x7d: {  	_ =	shalt  }
0x7e: {  	_ =	shalt  }
0x7f: {  	_ =	shalt  }
0x80: {  	_ =	shalt  }
0x81: {  	_ =	shalt  }
0x82: {  	_ =	shalt  }
0x83: {  	_ =	shalt  }
0x84: {  	_ =	shalt  }
0x85: {  	_ =	shalt  }
0x86: {  	_ =	shalt  }
0x87: {  	_ =	shalt  }
.Lfunc_end0:
.L_simem_size_0:
called_computation.3_lowered:
.L_overlay_start_0:
0x88: {  	s2 =	sld [smem:$0x3FD9]  }
0x89: {  	s3 =	sld [smem:$0x3FFE];
	_ =	sdelay $0x1  }
0x8a: {  	s1 =	srdreg.scid  }
0x8b: {  	s0 =	sand.u32 $0x1, s1  }
0x8c: {  	s16 =	sshll.u32 s0, $0xA;
	s2 =	sadd.s32 s3, s2  }
0x8d: {  	s2 =	sadd.s32 s2, s16  }
0x8e: {  	[smem:$0x3FBA] =	sst s2  }
0x8f: {  	_ = 	snop  }
0x90: {  	(tm) =	ssettm $0x1  }
0x91: {  	s17 =	sld [smem:$0x3FFB];
	_ =	sdelay $0x3  }
0x92: {  	_ =	strace s17  }
0x93: {  	s2 =	sld [smem:$0x3FFC];
	_ =	sdelay $0x3  }
0x94: {  	_ =	strace s2  }
0x95: {  	s2 =	sld [smem:$0x3FFD];
	_ =	sdelay $0x3  }
0x96: {  	_ =	strace s2  }
0x97: {  	_ =	strace $0x8FFFFFFF  }
0x98: {  	s18 =	sld [smem:$0x3FDB];
	_ =	sdelay $0x1  }
0x99: {  	s19 =	simm.s32 $_scs_section_size  }
0x9a: {  	s4 =	simm.s32 $_size__tile_overlayer_lowered;
	s5 =	simm.s32 $_tile_overlayer_lowered  }
0x9b: {  	s22 =	simm.s32 $0x1BFF;
	s21 =	sshll.u32 s5, $0x1;
	s2 =	sadd.s32 s19, s18  }
0x9c: {  	s6 =	simm.s32 $0x0;
	s20 =	sshll.u32 s4, $0x1;
	s4 =	sadd.s32 s21, s2  }
0x9d: {  	[timem:s6], [sflag:s22] =	dma.local [hbm:s4], s20  }
0x9e: {  	_ =	swait.ge [sflag:s22], s20  }
0x9f: {  	s3 =	ssub.s32 $0x0, s20;
	[sflag:s22] =	ssyncset.done $0x0  }
0xa0: {  	[sflag:s22] =	ssyncadd.s32 s3;
	_ =	sdelay $0x1  }
0xa1: {  	s23 =	simm.s32 $0x1B8B  }
0xa2: {  	_ =	swait.ge [sflag:s23], $0x1  }
0xa3: {  	[sflag:s23] =	ssyncset.done $0x0  }
0xa4: {  	s25 =	simm.s32 $0x1B8E;
	s24 =	sld [smem:$0x3FFE];
	[sflag:s23] =	ssyncadd.s32 $0xFFFFFFFF  }
0xa5: {  	s26 =	simm.s32 $execute0_lowered;
	[smem:$0x3FD2] =	sst s25  }
0xa6: {  	s4 =	sshll.u32 s26, $0x1;
	_ =	strace $0x8000004F;
	[dreg:$0x1] =	wrdreg $0xFFFFFFFF  }
0xa7: {  	s28 =	simm.s32 $_size_execute0_lowered;
	s2 =	sadd.s32 s2, s4;
	[dreg:$0x0] =	wrdreg $0x0  }
0xa8: {  	s4 =	sshll.u32 s28, $0x1;
	[dreg:$0x2] =	wrdreg s2  }
0xa9: {  	[dreg:$0x3] =	wrdreg s4  }
0xaa: {  	[dreg:$0x4] =	wrdreg $0xC0  }
0xab: {  	_ =	task [dreg:s6], $0x5FFFF  }
0xac: {  	[dreg:$0x1] =	wrdreg $0xFFFFFFFF  }
0xad: {  	[dreg:$0x0] =	wrdreg $0x60  }
0xae: {  	[dreg:$0x2] =	wrdreg s24  }
0xaf: {  	[dreg:$0x3] =	wrdreg $0x120000  }
0xb0: {  	[dreg:$0x4] =	wrdreg $0x9  }
0xb1: {  	_ =	task.clear_ibuf [dreg:s6], $0x5FFFF;
	_ =	strace $0x9000004F  }
0xb2: {  	s29 =	simm.s32 $0x9;
	_ =	strace $0x80000051  }
0xb3: {  	_ =	swait.ge [sflag:s29], $0x1  }
0xb4: {  	[sflag:s29] =	ssyncadd.s32 $0xFFFFFFFF  }
0xb5: {  	_ =	strace $0x90000051  }
0xb6: {  	_ =	sfence  }
0xb7: {  	s30 =	sld [smem:$0x0];
	_ =	sdelay $0x2  }
0xb8: {  	s31 =	sshll.u32 s1, $0xD;
	s1 =	sshrl.u32 s1, $0x2  }
0xb9: {  	s3 =	sand.u32 $0x4000, s31;
	s1 =	sadd.s32 s1, s30  }
0xba: {  	s0 =	sor.u32 s3, s0;
	s1 =	sshll.u32 s1, $0x11  }
0xbb: {  	s0 =	sor.u32 s1, s0  }
0xbc: {  	s0 =	sadd.s32 $0x8F2B, s0  }
0xbd: {  	[sflag:s0] =	ssyncadd.remote.s32 $0x1  }
0xbe: {  	_ =	sfence.sel $0xFFFF  }
0xbf: {  	[dreg:$0x0] =	wrdreg $0xFFFFFFFF;
	(pc) =	sbr.abs _section_cstart, $3  }
0xc0: {  	[dreg:$0x1] =	wrdreg $0xFFFFFFFF  }
0xc1: {  	_ =	task.clear_ibuf [dreg:s6], $0x2FFFF;
	_ =	strace $0x9FFFFFFF  }
0xc2: {  	(tm) =	ssettm $0x7FFFFFFF  }
0xc3: {  	_ =	shalt  }
tec
execute0_lowered:
.L_overlay_start_1:
0x0: {  	(tag) =	ssettag $0x1  }
0x1: {  	s5 =	rddreg [dreg:$0x0]  }
0x2: {  	s2 =	rddreg [dreg:$0x1]  }
0x3: {  	s0 =	rddreg [dreg:$0x2]  }
0x4: {  	s1 =	stileid.u32;
	s4 =	srdreg.scid  }
0x5: {  	s3 =	simm.s32 $0x0;
	s14 =	simm.s32 $0x80;
	s6 =	smul.u32 $0xA00, s1  }
0x6: {  	s15 =	simm.s32 $0xA000;
	s16 =	simm.s32 $0xE000;
	s7 =	smul.u32 $0x1480, s1  }
0x7: {  	s17 =	simm.s32 $0x1;
	s20 =	simm.s32 $0x0;
	s10 =	smul.u32 $0xA000, s1  }
0x8: {  	s8 =	sand.u32 $0x1, s4;
	[smem:$0x7FF] =	sst s3;
	s11 =	smul.u32 $0x29000, s1  }
0x9: {  	s4 =	sadd.s32 $0x2E600, s5;
	s31 =	smul.u32 $0x28000, s1;
	s12 =	sshll.u32 s1, $0x6  }
0xa: {  	s9 =	smul.u32 $0xA0000, s8;
	_ =	strace $0x80000050;
	s28 =	ssub.s32 $0x2, s8  }
0xb: {  	s18 =	smul.u32 $0x1400, s8;
	s12 =	sor.u32 $0x1C03, s12;
	s6 =	sadd.s32 s6, s5  }
0xc: {  	s7 =	sadd.s32 s7, s5;
	s30 =	sshrl.u32 s28, $0x1;
	s11 =	sshrl.u32 s11, $0x2  }
0xd: {  	s9 =	sadd.s32 s10, s9;
	s13 =	sadd.s32 s11, s2;
	s7 =	sadd.s32 $0x19E00, s7  }
.Ltmp0:
0xe: {  	s10 =	sshrl.u32 s31, $0x2;
	s11 =	simm.s32 $0x5000;
	(pc) =	sbr.rel .LBB2_1-.Ltmp0, $4  }
0xf: {  	v0 =	vmov s18;
	s18 =	simm.s32 $0x2;
	s29 =	sshrl.u32 s9, $0x3;
	s9 =	ssub.s32 s28, s30  }
0x10: {  	s19 =	sadd.s32 s10, s2;
	s10 =	simm.s32 $0x3;
	s13 =	sshrl.u32 s13, $0x3  }
0x11: {  	s8 =	sadd.s32 s29, s5;
	s5 =	sadd.s32 $0x5E00, s6;
	s6 =	sadd.s32 $0xFE00, s6  }
0x12: {  	s9 =	smax.u32 s9, $0x1;
	s19 =	sshrl.u32 s19, $0x3;
	s8 =	sadd.s32 $0x56C00, s8  }
.LBB2_4:
0x13: {  	s20 =	sadd.s32 $0x1, s20  }
0x14: {  	p0 =	sne.s32 s20, s9  }
.Ltmp1:
0x15: {  	[bflag:$0x0] =	sbarrier.arrive $0xFFFF;
	(pc) =	sbr.rel @!p0 .LBB2_5-.Ltmp1, $4  }
0x16: {  	[hbm:s8], [sflag:s12] =	dma.local [spmem:s19], $0x1400  }
0x17: {  	_ =	swait.ge [sflag:s10], $0x1400  }
0x18: {  	[sflag:s10] =	ssyncset.done $0x0  }
0x19: {  	[sflag:s10] =	ssyncadd.s32 $0xFFFFEC00  }
.LBB2_1:
0x1a: {  	[tilespmem:s3], [sflag:$0x3] =	stream.linear.gather [hbm4b:s5+s3], $0x4F00, $0x38;
	[tilespmem:$0x1C400] =	vst v63  }
0x1b: {  	_ =	swait.ge [sflag:s10], $0x4F00  }
0x1c: {  	[sflag:s10] =	ssyncset.done $0x0  }
0x1d: {  	[sflag:s10] =	ssyncadd.s32 $0xFFFFB100  }
0x1e: {  	[tilespmem:s11], [sflag:$0x3] =	stream.linear.gather [hbm4b:s6+s3], $0x4F00, $0x38;
	[tilespmem:$0x1C400] =	vst v63  }
0x1f: {  	_ =	swait.ge [sflag:s10], $0x4F00  }
0x20: {  	[sflag:s10] =	ssyncset.done $0x0  }
0x21: {  	[sflag:s10] =	ssyncadd.s32 $0xFFFFB100  }
0x22: {  	[spmem:s13], [sflag:s12] =	dma.local [hbm:s7], $0x1480  }
0x23: {  	_ =	swait.ge [sflag:s10], $0x1480  }
0x24: {  	[sflag:s10] =	ssyncset.done $0x0  }
0x25: {  	[sflag:s10] =	ssyncadd.s32 $0xFFFFEB80  }
0x26: {  	[bflag:$0x0] =	sbarrier.arrive $0xFFFF  }
0x27: {  	[tilespmem:s15], [sflag:$0x1] =	stream.indirect.gather [hbm4b:s4+s14], $0x80, s3, s14, $0xb8;
	[tilespmem:$0x1C400] =	vst v63  }
0x28: {  	s21 =	simm.s32 $0x0  }
0x29: {  	[tilespmem:s16], [sflag:$0x2] =	stream.indirect.gather [hbm4b:s4+s14], $0x80, s14, s14, $0xb8;
	[tilespmem:$0x1C400] =	vst v63  }
.LBB2_2:
0x2a: {  	_ =	swait.ge [sflag:s17], $0x4000  }
0x2b: {  	[sflag:s17] =	ssyncset.done $0x0  }
0x2c: {  	s22 =	sshra.s32 s21, $0x2;
	[sflag:s17] =	ssyncadd.s32 $0xFFFFC000  }
0x2d: {  	v1 =	vld [tilespmem:s22+$0x5000]  }
0x2e: {  	v2 =	vld [tilespmem:s22+$0x5010]  }
0x2f: {  	v3 =	vld [tilespmem:s22+$0x5020]  }
0x30: {  	v4 =	vld [tilespmem:s22+$0x5030]  }
0x31: {  	v5 =	vld [tilespmem:s22+$0x5040]  }
0x32: {  	v6 =	vld [tilespmem:s22+$0x5050];
	v1 =	vsub.s32 v1, v0  }
0x33: {  	v7 =	vld [tilespmem:s22+$0x5060];
	v2 =	vsub.s32 v2, v0;
	v1 =	vmin.u32 v1, $0x1400  }
0x34: {  	[tilespmem:s22+$0x5000] =	vst v1;
	v1 =	vmin.u32 v2, $0x1400;
	v2 =	vsub.s32 v3, v0;
	v3 =	vld [tilespmem:s22+$0x5070]  }
0x35: {  	[tilespmem:s22+$0x5010] =	vst v1;
	v1 =	vmin.u32 v2, $0x1400;
	v2 =	vsub.s32 v4, v0  }
0x36: {  	[tilespmem:s22+$0x5020] =	vst v1;
	v1 =	vmin.u32 v2, $0x1400;
	v2 =	vsub.s32 v5, v0  }
0x37: {  	[tilespmem:s22+$0x5030] =	vst v1;
	v1 =	vmin.u32 v2, $0x1400;
	v2 =	vsub.s32 v6, v0  }
0x38: {  	[tilespmem:s22+$0x5040] =	vst v1;
	v1 =	vmin.u32 v2, $0x1400;
	v2 =	vsub.s32 v7, v0  }
0x39: {  	[tilespmem:s22+$0x5050] =	vst v1;
	v1 =	vmin.u32 v2, $0x1400;
	v2 =	vsub.s32 v3, v0  }
0x3a: {  	[tilespmem:s22+$0x5060] =	vst v1;
	v1 =	vmin.u32 v2, $0x1400  }
0x3b: {  	s23 =	sadd.s32 $0x5000, s22;
	[tilespmem:s22+$0x5070] =	vst v1  }
0x3c: {  	[spmem:s2] =	stream.indirect.scatter.add.f32 [tilespmem:s15], [sflag:$0x3], $0x80, s23, s14, $0xb8;
	[tilespmem:$0x1C400] =	vst v63  }
0x3d: {  	p0 =	seq.s32 s21, $0x13800;
	_ =	swait.ge [sflag:s10], $0x4000  }
0x3e: {  	s24 =	simm.s32 @!p0 $0x80;
	s23 =	sshra.s32 @!p0 s21, $0x2;
	[sflag:s10] =	ssyncset.done $0x0  }
0x3f: {  	s25 =	simm.s32 @!p0 $0xA000;
	s23 =	sadd.s32 @!p0 $0x100, s23;
	[sflag:s10] =	ssyncadd.s32 $0xFFFFC000  }
0x40: {  	[tilespmem:s25], [sflag:$0x1] =	stream.indirect.gather @!p0 [hbm4b:s4+s24], $0x80, s23, s24, $0xb8;
	[tilespmem:$0x1C400] =	vst v63  }
0x41: {  	_ =	swait.ge [sflag:s18], $0x4000  }
0x42: {  	[sflag:s18] =	ssyncset.done $0x0  }
0x43: {  	[sflag:s18] =	ssyncadd.s32 $0xFFFFC000  }
0x44: {  	v1 =	vld [tilespmem:s22+$0x5080]  }
0x45: {  	v2 =	vld [tilespmem:s22+$0x5090]  }
0x46: {  	v3 =	vld [tilespmem:s22+$0x50A0]  }
0x47: {  	v60 =	vld [tilespmem:s22+$0x50B0]  }
0x48: {  	v61 =	vld [tilespmem:s22+$0x50C0]  }
0x49: {  	v62 =	vld [tilespmem:s22+$0x50D0];
	v1 =	vsub.s32 v1, v0  }
0x4a: {  	v63 =	vld [tilespmem:s22+$0x50E0];
	v2 =	vsub.s32 v2, v0;
	v1 =	vmin.u32 v1, $0x1400  }
0x4b: {  	[tilespmem:s22+$0x5080] =	vst v1;
	v1 =	vmin.u32 v2, $0x1400;
	v2 =	vsub.s32 v3, v0;
	v3 =	vld [tilespmem:s22+$0x50F0]  }
0x4c: {  	[tilespmem:s22+$0x5090] =	vst v1;
	v1 =	vmin.u32 v2, $0x1400;
	v2 =	vsub.s32 v60, v0  }
0x4d: {  	[tilespmem:s22+$0x50A0] =	vst v1;
	v1 =	vmin.u32 v2, $0x1400;
	v2 =	vsub.s32 v61, v0  }
0x4e: {  	[tilespmem:s22+$0x50B0] =	vst v1;
	v1 =	vmin.u32 v2, $0x1400;
	v2 =	vsub.s32 v62, v0  }
0x4f: {  	[tilespmem:s22+$0x50C0] =	vst v1;
	v1 =	vmin.u32 v2, $0x1400;
	v2 =	vsub.s32 v63, v0  }
0x50: {  	[tilespmem:s22+$0x50D0] =	vst v1;
	v1 =	vmin.u32 v2, $0x1400;
	v2 =	vsub.s32 v3, v0  }
0x51: {  	[tilespmem:s22+$0x50E0] =	vst v1;
	v1 =	vmin.u32 v2, $0x1400  }
.Ltmp2:
0x52: {  	s31 =	sadd.s32 $0x5080, s22;
	[tilespmem:s22+$0x50F0] =	vst v1;
	(pc) =	sbr.rel @p0 .LBB2_4-.Ltmp2, $4  }
0x53: {  	[spmem:s2] =	stream.indirect.scatter.add.f32 [tilespmem:s16], [sflag:$0x3], $0x80, s31, s14, $0xb8;
	[tilespmem:$0x1C400] =	vst v63  }
0x54: {  	_ =	swait.ge [sflag:s10], $0x4000  }
0x55: {  	[sflag:s10] =	ssyncset.done $0x0  }
0x56: {  	[sflag:s10] =	ssyncadd.s32 $0xFFFFC000  }
.Ltmp3:
0x57: {  	(pc) =	sbr.rel .LBB2_2-.Ltmp3, $3  }
0x58: {  	_ =	sdelay $0x1  }
0x59: {  	s22 =	sadd.s32 $0x180, s22;
	s21 =	sadd.s32 $0x400, s21  }
0x5a: {  	[tilespmem:s16], [sflag:$0x2] =	stream.indirect.gather [hbm4b:s4+s14], $0x80, s22, s14, $0xb8;
	[tilespmem:$0x1C400] =	vst v63  }
.LBB2_5:
0x5b: {  	_ =	sfence.sel $0x180000  }
0x5c: {  	[bflag:$0x0] =	sbarrier.arrive $0xFFFF  }
0x5d: {  	p0 =	sne.s32 s1, $0x0;
	_ =	strace $0x90000050  }
0x5e: {  	s0 =	sadd.s32 @!p0 $0x100000, s0;
	[bflag:$0x2] =	sbarrier.arrive $0xFFFF  }
0x5f: {  	[sflag:s0] =	ssyncadd.tile.s32 @!p0 $0x1;
	_ =	shalt  }
.Lfunc_end2:
_tile_overlayer_lowered:
.L_overlay_start_2:
0x60: {  	(tag) =	ssettag $0x2  }
0x61: {  	s0 =	rddreg [dreg:$0x0];
	s2 =	stileid.u32  }
0x62: {  	s1 =	rddreg [dreg:$0x1];
	p0 =	sne.s32 s2, $0x0  }
0x63: {  	s3 =	rddreg [dreg:$0x2];
	[bflag:$0x3] =	sbarrier.arrive $0xFFFF;
	s2 =	simm.s32 @!p0 $0x1C03  }
0x64: {  	[timem:s3], [sflag:s2] =	dma.local @!p0 [hbm:s0], s1  }
0x65: {  	s0 =	simm.s32 @!p0 $0x3  }
0x66: {  	_ =	swait.ge @!p0 [sflag:s0], s1  }
0x67: {  	s1 =	ssub.s32 @!p0 $0x0, s1;
	[sflag:s0] =	ssyncset.done @!p0 $0x0  }
0x68: {  	[sflag:s0] =	ssyncadd.s32 @!p0 s1  }
0x69: {  	[bflag:$0x3] =	sbarrier.arrive $0xFFFF  }
0x6a: {  	_ =	shalt  }

</sc_bundles>
